<compile_context>
chip_gen: v7x
topology: tpu7x:2x2x1
jax: 0.10.2.dev20260603
libtpu: 0.0.44.dev20260713+nightly
codegen_flags: <defaults>
</compile_context>

<pallas_src>
import math

import jax
import jax.numpy as jnp
from jax import lax
from jax.experimental import pallas as pl
from jax.experimental.pallas import tpu as pltpu
from jax.experimental.pallas import tpu_sc as plsc

BATCH = 16384
FEAT = 512
NC = 2
NS = 16
NW = NC * NS
ROWS_PER_W = BATCH // NW
CH = 16
NCHUNK = ROWS_PER_W // CH
NBUF_G = 4
NBUF_F = 4
LANES = 16
VECS_PER_ROW = FEAT // LANES


def _sc_body(feat_hbm, lab_hbm, cent_hbm, out_hbm,
             idx_v, rows_v, feat_v, out_v, *sems):
    wid = lax.axis_index("s") * NC + lax.axis_index("c")
    base = pl.multiple_of(wid * ROWS_PER_W, ROWS_PER_W)
    sems_g = sems[:NBUF_G]
    sems_f = sems[NBUF_G:]

    pltpu.sync_copy(lab_hbm.at[pl.ds(base, ROWS_PER_W)], idx_v)

    def start_g(c, b):
        r0 = pl.multiple_of(c * CH, CH)
        pltpu.async_copy(cent_hbm.at[idx_v.at[pl.ds(r0, CH)]],
                         rows_v.at[b], sems_g[b])

    def start_f(c, b):
        r0 = pl.multiple_of(c * CH, CH)
        pltpu.async_copy(feat_hbm.at[pl.ds(base + r0, CH)],
                         feat_v.at[b], sems_f[b])

    def wait(bg, bf):
        pltpu.make_async_copy(cent_hbm.at[pl.ds(0, CH)],
                              rows_v.at[bg], sems_g[bg]).wait()
        pltpu.make_async_copy(feat_hbm.at[pl.ds(0, CH)],
                              feat_v.at[bf], sems_f[bf]).wait()

    def compute(bg, bf, accs):
        def row_body(r, a):
            acc = list(a)
            for t in range(VECS_PER_ROW):
                f = feat_v[bf, r, pl.ds(t * LANES, LANES)]
                cv = rows_v[bg, r, pl.ds(t * LANES, LANES)]
                d = f - cv
                acc[t % 4] = acc[t % 4] + d * d
            return tuple(acc)
        return lax.fori_loop(0, CH, row_body, accs)

    NBUF_L = NBUF_G * NBUF_F // math.gcd(NBUF_G, NBUF_F)
    for c in range(NBUF_G - 1):
        start_g(c, c % NBUF_G)
    for c in range(NBUF_F - 1):
        start_f(c, c % NBUF_F)
    zero = jnp.zeros((LANES,), jnp.float32)

    def outer(g, accs):
        c0 = g * NBUF_L
        for b in range(NBUF_L):
            c = c0 + b
            nxt_g = c + NBUF_G - 1
            nxt_f = c + NBUF_F - 1

            @pl.when(nxt_g < NCHUNK)
            def _():
                start_g(nxt_g, (b + NBUF_G - 1) % NBUF_G)

            @pl.when(nxt_f < NCHUNK)
            def _():
                start_f(nxt_f, (b + NBUF_F - 1) % NBUF_F)

            wait(b % NBUF_G, b % NBUF_F)
            accs = compute(b % NBUF_G, b % NBUF_F, accs)
        return accs

    a0, a1, a2, a3 = lax.fori_loop(0, NCHUNK // NBUF_L, outer,
                                   (zero, zero, zero, zero))
    out_v[...] = (a0 + a1) + (a2 + a3)
    pltpu.sync_copy(out_v, out_hbm.at[wid])


@jax.jit
def _center_loss_partials(features, labels, centers):
    mesh = plsc.VectorSubcoreMesh(core_axis_name="c", subcore_axis_name="s")
    run = pl.kernel(
        _sc_body,
        mesh=mesh,
        out_type=jax.ShapeDtypeStruct((NW, LANES), jnp.float32),
        scratch_types=[
            pltpu.VMEM((ROWS_PER_W,), jnp.int32),
            pltpu.VMEM((NBUF_G, CH, FEAT), jnp.float32),
            pltpu.VMEM((NBUF_F, CH, FEAT), jnp.float32),
            pltpu.VMEM((LANES,), jnp.float32),
        ] + [pltpu.SemaphoreType.DMA] * (NBUF_G + NBUF_F),
    )
    return run(features, labels, centers)


def kernel(features, labels, centers):
    partials = _center_loss_partials(
        features, labels.astype(jnp.int32), centers)
    return jnp.sum(partials) / jnp.float32(BATCH * FEAT)

# --- scband reference (transcript-rebuilt; emitter-appended) ---
"""Pipeline reference for scband-center-loss-21122649161914 (READ-ONLY COPY).

The authoritative reference and input builder live on the scoring server;
editing this copy changes nothing except your own understanding.
"""

import jax, jax.numpy as jnp
import numpy as np

NUM_CLASSES = 10000
FEAT_DIM = 512
BATCH = 16384


def setup_inputs(seed: int = 0) -> dict:
    key = jax.random.key(seed)
    k1, k2, k3 = jax.random.split(key, 3)
    features = jax.random.normal(k1, (BATCH, FEAT_DIM), dtype=jnp.float32)
    labels = jax.random.randint(k2, (BATCH,), 0, NUM_CLASSES, dtype=jnp.int64)
    centers = jax.random.normal(k3, (NUM_CLASSES, FEAT_DIM), dtype=jnp.float32)
    return {"features": features, "labels": labels, "centers": centers}


def reference(features, labels, centers):
    # centers_batch = self.centers.index_select(0, labels)
    centers_batch = jnp.take(centers, labels, axis=0)
    # F.mse_loss with default reduction='mean'
    loss = jnp.mean((features - centers_batch) ** 2)
    return loss

if __name__ == "__main__":
    import jax
    _d = setup_inputs()
    print(jax.jit(kernel)(*tuple(_d.values())))

</pallas_src>

<mosaic_0001>
#map = affine_map<(d0, d1) -> (0, 0)>
#map1 = affine_map<(d0, d1) -> (0)>
module attributes {stable_mosaic.version = 14 : i64} {
  func.func @_sc_body(%arg0: i32, %arg1: i32, %arg2: memref<16384x512xf32, #tpu.memory_space<hbm>>, %arg3: memref<16384xi32, #tpu.memory_space<hbm>>, %arg4: memref<10000x512xf32, #tpu.memory_space<hbm>>, %arg5: memref<32x16xf32, #tpu.memory_space<hbm>>, %arg6: memref<512xi32, #tpu.memory_space<vmem>>, %arg7: memref<4x16x512xf32, #tpu.memory_space<vmem>>, %arg8: memref<4x16x512xf32, #tpu.memory_space<vmem>>, %arg9: memref<16xf32, #tpu.memory_space<vmem>>, %arg10: memref<!tpu.dma_semaphore, #tpu.memory_space<semaphore_mem>>, %arg11: memref<!tpu.dma_semaphore, #tpu.memory_space<semaphore_mem>>, %arg12: memref<!tpu.dma_semaphore, #tpu.memory_space<semaphore_mem>>, %arg13: memref<!tpu.dma_semaphore, #tpu.memory_space<semaphore_mem>>, %arg14: memref<!tpu.dma_semaphore, #tpu.memory_space<semaphore_mem>>, %arg15: memref<!tpu.dma_semaphore, #tpu.memory_space<semaphore_mem>>, %arg16: memref<!tpu.dma_semaphore, #tpu.memory_space<semaphore_mem>>, %arg17: memref<!tpu.dma_semaphore, #tpu.memory_space<semaphore_mem>>) attributes {dimension_semantics = [#tpu.dimension_semantics<core_parallel>, #tpu.dimension_semantics<subcore_parallel>], iteration_bounds = array<i64: 2, 16>, scalar_prefetch = 0 : i64, scratch_operands = 12 : i64, tpu.core_type = #tpu.core_type<sc_vector_subcore>, window_params = [{transform_indices = #map}, {transform_indices = #map1}, {transform_indices = #map}, {transform_indices = #map}]} {
    %mul3A = arith.constant 2 : i32
    %mul3A_0 = arith.muli %arg1, %mul3A : i32
    %add3A = arith.addi %mul3A_0, %arg0 : i32
    %mul3A_1 = arith.constant 512 : i32
    %mul3A_2 = arith.muli %add3A, %mul3A_1 : i32
    %multiple_of3A = tpu.assume_multiple %mul3A_2, 512 : i32
    "tpu.region"() ({
      %run_scoped3A = tpu.sem_alloc : memref<!tpu.dma_semaphore, #tpu.memory_space<semaphore_mem>>
      %dma_start3A_95 = tpu.memref_slice %arg3[%multiple_of3A] : memref<16384xi32, #tpu.memory_space<hbm>> -> memref<512xi32, #tpu.memory_space<hbm>>
      %dma_start3A_96 = tpu.memref_slice %arg3[%multiple_of3A] : memref<16384xi32, #tpu.memory_space<hbm>> -> memref<512xi32, #tpu.memory_space<hbm>>
      tpu.enqueue_dma source(%dma_start3A_96 : memref<512xi32, #tpu.memory_space<hbm>>) target(%arg6 : memref<512xi32, #tpu.memory_space<vmem>>) target_semaphore(%run_scoped3A : memref<!tpu.dma_semaphore, #tpu.memory_space<semaphore_mem>>)
      %dma_wait3A = tpu.memref_slice %arg3[%multiple_of3A] : memref<16384xi32, #tpu.memory_space<hbm>> -> memref<512xi32, #tpu.memory_space<hbm>>
      %dma_wait3A_97 = tpu.memref_slice %arg3[%multiple_of3A] : memref<16384xi32, #tpu.memory_space<hbm>> -> memref<512xi32, #tpu.memory_space<hbm>>
      tpu.wait_dma2 semaphore(%run_scoped3A : memref<!tpu.dma_semaphore, #tpu.memory_space<semaphore_mem>>) src(%dma_wait3A_97 : memref<512xi32, #tpu.memory_space<hbm>>) dst(%arg6 : memref<512xi32, #tpu.memory_space<vmem>>)
      tpu.yield
    }) : () -> ()
    %multiple_of3A_3 = arith.constant 0 : i32
    %multiple_of3A_4 = tpu.assume_multiple %multiple_of3A_3, 16 : i32
    %dma_start3A = arith.constant 0 : i32
    %dma_start3A_5 = arith.constant 0 : i32
    %dma_start3A_6 = arith.constant 0 : i32
    %dma_start3A_7 = tpu.memref_slice %arg7[%dma_start3A, %dma_start3A_5, %dma_start3A_6] : memref<4x16x512xf32, #tpu.memory_space<vmem>> -> memref<1x16x512xf32, #tpu.memory_space<vmem>>
    %dma_start3A_8 = tpu.memref_squeeze %dma_start3A_7 : memref<1x16x512xf32, #tpu.memory_space<vmem>> -> memref<16x512xf32, #tpu.memory_space<vmem>>
    %dma_start3A_9 = tpu.memref_slice %arg6[%multiple_of3A_4] : memref<512xi32, #tpu.memory_space<vmem>> -> memref<16xi32, #tpu.memory_space<vmem>>
    %dma_start3A_10 = arith.constant 0 : i32
    %dma_start3A_11 = arith.constant 0 : i32
    %dma_start3A_12 = tpu.memref_slice %arg4[%dma_start3A_10, %dma_start3A_11] : memref<10000x512xf32, #tpu.memory_space<hbm>> -> memref<10000x512xf32, #tpu.memory_space<hbm>>
    tpu.enqueue_indirect_dma source(%dma_start3A_12 : memref<10000x512xf32, #tpu.memory_space<hbm>>) target(%dma_start3A_8 : memref<16x512xf32, #tpu.memory_space<vmem>>) offsets(%dma_start3A_9 : memref<16xi32, #tpu.memory_space<vmem>>) semaphore(%arg10 : memref<!tpu.dma_semaphore, #tpu.memory_space<semaphore_mem>>)
    %multiple_of3A_13 = arith.constant 16 : i32
    %multiple_of3A_14 = tpu.assume_multiple %multiple_of3A_13, 16 : i32
    %dma_start3A_15 = arith.constant 1 : i32
    %dma_start3A_16 = arith.constant 0 : i32
    %dma_start3A_17 = arith.constant 0 : i32
    %dma_start3A_18 = tpu.memref_slice %arg7[%dma_start3A_15, %dma_start3A_16, %dma_start3A_17] : memref<4x16x512xf32, #tpu.memory_space<vmem>> -> memref<1x16x512xf32, #tpu.memory_space<vmem>>
    %dma_start3A_19 = tpu.memref_squeeze %dma_start3A_18 : memref<1x16x512xf32, #tpu.memory_space<vmem>> -> memref<16x512xf32, #tpu.memory_space<vmem>>
    %dma_start3A_20 = tpu.memref_slice %arg6[%multiple_of3A_14] : memref<512xi32, #tpu.memory_space<vmem>> -> memref<16xi32, #tpu.memory_space<vmem>>
    %dma_start3A_21 = arith.constant 0 : i32
    %dma_start3A_22 = arith.constant 0 : i32
    %dma_start3A_23 = tpu.memref_slice %arg4[%dma_start3A_21, %dma_start3A_22] : memref<10000x512xf32, #tpu.memory_space<hbm>> -> memref<10000x512xf32, #tpu.memory_space<hbm>>
    tpu.enqueue_indirect_dma source(%dma_start3A_23 : memref<10000x512xf32, #tpu.memory_space<hbm>>) target(%dma_start3A_19 : memref<16x512xf32, #tpu.memory_space<vmem>>) offsets(%dma_start3A_20 : memref<16xi32, #tpu.memory_space<vmem>>) semaphore(%arg11 : memref<!tpu.dma_semaphore, #tpu.memory_space<semaphore_mem>>)
    %multiple_of3A_24 = arith.constant 32 : i32
    %multiple_of3A_25 = tpu.assume_multiple %multiple_of3A_24, 16 : i32
    %dma_start3A_26 = arith.constant 2 : i32
    %dma_start3A_27 = arith.constant 0 : i32
    %dma_start3A_28 = arith.constant 0 : i32
    %dma_start3A_29 = tpu.memref_slice %arg7[%dma_start3A_26, %dma_start3A_27, %dma_start3A_28] : memref<4x16x512xf32, #tpu.memory_space<vmem>> -> memref<1x16x512xf32, #tpu.memory_space<vmem>>
    %dma_start3A_30 = tpu.memref_squeeze %dma_start3A_29 : memref<1x16x512xf32, #tpu.memory_space<vmem>> -> memref<16x512xf32, #tpu.memory_space<vmem>>
    %dma_start3A_31 = tpu.memref_slice %arg6[%multiple_of3A_25] : memref<512xi32, #tpu.memory_space<vmem>> -> memref<16xi32, #tpu.memory_space<vmem>>
    %dma_start3A_32 = arith.constant 0 : i32
    %dma_start3A_33 = arith.constant 0 : i32
    %dma_start3A_34 = tpu.memref_slice %arg4[%dma_start3A_32, %dma_start3A_33] : memref<10000x512xf32, #tpu.memory_space<hbm>> -> memref<10000x512xf32, #tpu.memory_space<hbm>>
    tpu.enqueue_indirect_dma source(%dma_start3A_34 : memref<10000x512xf32, #tpu.memory_space<hbm>>) target(%dma_start3A_30 : memref<16x512xf32, #tpu.memory_space<vmem>>) offsets(%dma_start3A_31 : memref<16xi32, #tpu.memory_space<vmem>>) semaphore(%arg12 : memref<!tpu.dma_semaphore, #tpu.memory_space<semaphore_mem>>)
    %multiple_of3A_35 = arith.constant 0 : i32
    %multiple_of3A_36 = tpu.assume_multiple %multiple_of3A_35, 16 : i32
    %add3A_37 = arith.addi %multiple_of3A, %multiple_of3A_36 : i32
    %dma_start3A_38 = arith.constant 0 : i32
    %dma_start3A_39 = arith.constant 0 : i32
    %dma_start3A_40 = arith.constant 0 : i32
    %dma_start3A_41 = tpu.memref_slice %arg8[%dma_start3A_38, %dma_start3A_39, %dma_start3A_40] : memref<4x16x512xf32, #tpu.memory_space<vmem>> -> memref<1x16x512xf32, #tpu.memory_space<vmem>>
    %dma_start3A_42 = tpu.memref_squeeze %dma_start3A_41 : memref<1x16x512xf32, #tpu.memory_space<vmem>> -> memref<16x512xf32, #tpu.memory_space<vmem>>
    %dma_start3A_43 = arith.constant 0 : i32
    %dma_start3A_44 = tpu.memref_slice %arg2[%add3A_37, %dma_start3A_43] : memref<16384x512xf32, #tpu.memory_space<hbm>> -> memref<16x512xf32, #tpu.memory_space<hbm>>
    %dma_start3A_45 = arith.constant 0 : i32
    %dma_start3A_46 = arith.constant 0 : i32
    %dma_start3A_47 = tpu.memref_slice %arg8[%dma_start3A_38, %dma_start3A_45, %dma_start3A_46] : memref<4x16x512xf32, #tpu.memory_space<vmem>> -> memref<1x16x512xf32, #tpu.memory_space<vmem>>
    %dma_start3A_48 = tpu.memref_squeeze %dma_start3A_47 : memref<1x16x512xf32, #tpu.memory_space<vmem>> -> memref<16x512xf32, #tpu.memory_space<vmem>>
    %dma_start3A_49 = arith.constant 0 : i32
    %dma_start3A_50 = tpu.memref_slice %arg2[%add3A_37, %dma_start3A_49] : memref<16384x512xf32, #tpu.memory_space<hbm>> -> memref<16x512xf32, #tpu.memory_space<hbm>>
    tpu.enqueue_dma source(%dma_start3A_50 : memref<16x512xf32, #tpu.memory_space<hbm>>) target(%dma_start3A_48 : memref<16x512xf32, #tpu.memory_space<vmem>>) target_semaphore(%arg14 : memref<!tpu.dma_semaphore, #tpu.memory_space<semaphore_mem>>)
    %multiple_of3A_51 = arith.constant 16 : i32
    %multiple_of3A_52 = tpu.assume_multiple %multiple_of3A_51, 16 : i32
    %add3A_53 = arith.addi %multiple_of3A, %multiple_of3A_52 : i32
    %dma_start3A_54 = arith.constant 1 : i32
    %dma_start3A_55 = arith.constant 0 : i32
    %dma_start3A_56 = arith.constant 0 : i32
    %dma_start3A_57 = tpu.memref_slice %arg8[%dma_start3A_54, %dma_start3A_55, %dma_start3A_56] : memref<4x16x512xf32, #tpu.memory_space<vmem>> -> memref<1x16x512xf32, #tpu.memory_space<vmem>>
    %dma_start3A_58 = tpu.memref_squeeze %dma_start3A_57 : memref<1x16x512xf32, #tpu.memory_space<vmem>> -> memref<16x512xf32, #tpu.memory_space<vmem>>
    %dma_start3A_59 = arith.constant 0 : i32
    %dma_start3A_60 = tpu.memref_slice %arg2[%add3A_53, %dma_start3A_59] : memref<16384x512xf32, #tpu.memory_space<hbm>> -> memref<16x512xf32, #tpu.memory_space<hbm>>
    %dma_start3A_61 = arith.constant 0 : i32
    %dma_start3A_62 = arith.constant 0 : i32
    %dma_start3A_63 = tpu.memref_slice %arg8[%dma_start3A_54, %dma_start3A_61, %dma_start3A_62] : memref<4x16x512xf32, #tpu.memory_space<vmem>> -> memref<1x16x512xf32, #tpu.memory_space<vmem>>
    %dma_start3A_64 = tpu.memref_squeeze %dma_start3A_63 : memref<1x16x512xf32, #tpu.memory_space<vmem>> -> memref<16x512xf32, #tpu.memory_space<vmem>>
    %dma_start3A_65 = arith.constant 0 : i32
    %dma_start3A_66 = tpu.memref_slice %arg2[%add3A_53, %dma_start3A_65] : memref<16384x512xf32, #tpu.memory_space<hbm>> -> memref<16x512xf32, #tpu.memory_space<hbm>>
    tpu.enqueue_dma source(%dma_start3A_66 : memref<16x512xf32, #tpu.memory_space<hbm>>) target(%dma_start3A_64 : memref<16x512xf32, #tpu.memory_space<vmem>>) target_semaphore(%arg15 : memref<!tpu.dma_semaphore, #tpu.memory_space<semaphore_mem>>)
    %multiple_of3A_67 = arith.constant 32 : i32
    %multiple_of3A_68 = tpu.assume_multiple %multiple_of3A_67, 16 : i32
    %add3A_69 = arith.addi %multiple_of3A, %multiple_of3A_68 : i32
    %dma_start3A_70 = arith.constant 2 : i32
    %dma_start3A_71 = arith.constant 0 : i32
    %dma_start3A_72 = arith.constant 0 : i32
    %dma_start3A_73 = tpu.memref_slice %arg8[%dma_start3A_70, %dma_start3A_71, %dma_start3A_72] : memref<4x16x512xf32, #tpu.memory_space<vmem>> -> memref<1x16x512xf32, #tpu.memory_space<vmem>>
    %dma_start3A_74 = tpu.memref_squeeze %dma_start3A_73 : memref<1x16x512xf32, #tpu.memory_space<vmem>> -> memref<16x512xf32, #tpu.memory_space<vmem>>
    %dma_start3A_75 = arith.constant 0 : i32
    %dma_start3A_76 = tpu.memref_slice %arg2[%add3A_69, %dma_start3A_75] : memref<16384x512xf32, #tpu.memory_space<hbm>> -> memref<16x512xf32, #tpu.memory_space<hbm>>
    %dma_start3A_77 = arith.constant 0 : i32
    %dma_start3A_78 = arith.constant 0 : i32
    %dma_start3A_79 = tpu.memref_slice %arg8[%dma_start3A_70, %dma_start3A_77, %dma_start3A_78] : memref<4x16x512xf32, #tpu.memory_space<vmem>> -> memref<1x16x512xf32, #tpu.memory_space<vmem>>
    %dma_start3A_80 = tpu.memref_squeeze %dma_start3A_79 : memref<1x16x512xf32, #tpu.memory_space<vmem>> -> memref<16x512xf32, #tpu.memory_space<vmem>>
    %dma_start3A_81 = arith.constant 0 : i32
    %dma_start3A_82 = tpu.memref_slice %arg2[%add3A_69, %dma_start3A_81] : memref<16384x512xf32, #tpu.memory_space<hbm>> -> memref<16x512xf32, #tpu.memory_space<hbm>>
    tpu.enqueue_dma source(%dma_start3A_82 : memref<16x512xf32, #tpu.memory_space<hbm>>) target(%dma_start3A_80 : memref<16x512xf32, #tpu.memory_space<vmem>>) target_semaphore(%arg16 : memref<!tpu.dma_semaphore, #tpu.memory_space<semaphore_mem>>)
    %broadcast_in_dim3A = arith.constant 0.000000e+00 : f32
    %broadcast_in_dim3A_83 = vector.broadcast %broadcast_in_dim3A : f32 to vector<16xf32>
    %scan3A = arith.constant 0 : i32
    %scan3A_84 = arith.constant 8 : i32
    %scan3A_85 = arith.addi %scan3A, %scan3A_84 : i32
    %scan3A_86 = arith.constant 1 : i32
    %scan3A_87:4 = scf.for %scan3A_95 = %scan3A to %scan3A_85 step %scan3A_86 iter_args(%scan3A_96 = %broadcast_in_dim3A_83, %scan3A_97 = %broadcast_in_dim3A_83, %scan3A_98 = %broadcast_in_dim3A_83, %scan3A_99 = %broadcast_in_dim3A_83) -> (vector<16xf32>, vector<16xf32>, vector<16xf32>, vector<16xf32>)  : i32 {
      %mul3A_100 = arith.constant 4 : i32
      %mul3A_101 = arith.muli %scan3A_95, %mul3A_100 : i32
      %add3A_102 = arith.constant 0 : i32
      %add3A_103 = arith.addi %mul3A_101, %add3A_102 : i32
      %add3A_104 = arith.constant 4 : i32
      %add3A_105 = arith.addi %add3A_103, %add3A_104 : i32
      %sub3A = arith.constant 1 : i32
      %sub3A_106 = arith.subi %add3A_105, %sub3A : i32
      %add3A_107 = arith.constant 4 : i32
      %add3A_108 = arith.addi %add3A_103, %add3A_107 : i32
      %sub3A_109 = arith.constant 1 : i32
      %sub3A_110 = arith.subi %add3A_108, %sub3A_109 : i32
      %lt3A = arith.constant 32 : i32
      %lt3A_111 = arith.cmpi slt, %sub3A_106, %lt3A : i32
      %convert_element_type3A = arith.extui %lt3A_111 : i1 to i32
      %cond3A = arith.constant 0 : i32
      %cond3A_112 = arith.cmpi ne, %convert_element_type3A, %cond3A : i32
      scf.if %cond3A_112 {
        %mul3A_321 = arith.constant 16 : i32
        %mul3A_322 = arith.muli %sub3A_106, %mul3A_321 : i32
        %multiple_of3A_323 = tpu.assume_multiple %mul3A_322, 16 : i32
        %dma_start3A_324 = arith.constant 3 : i32
        %dma_start3A_325 = arith.constant 0 : i32
        %dma_start3A_326 = arith.constant 0 : i32
        %dma_start3A_327 = tpu.memref_slice %arg7[%dma_start3A_324, %dma_start3A_325, %dma_start3A_326] : memref<4x16x512xf32, #tpu.memory_space<vmem>> -> memref<1x16x512xf32, #tpu.memory_space<vmem>>
        %dma_start3A_328 = tpu.memref_squeeze %dma_start3A_327 : memref<1x16x512xf32, #tpu.memory_space<vmem>> -> memref<16x512xf32, #tpu.memory_space<vmem>>
        %dma_start3A_329 = tpu.memref_slice %arg6[%multiple_of3A_323] : memref<512xi32, #tpu.memory_space<vmem>> -> memref<16xi32, #tpu.memory_space<vmem>>
        %dma_start3A_330 = arith.constant 0 : i32
        %dma_start3A_331 = arith.constant 0 : i32
        %dma_start3A_332 = tpu.memref_slice %arg4[%dma_start3A_330, %dma_start3A_331] : memref<10000x512xf32, #tpu.memory_space<hbm>> -> memref<10000x512xf32, #tpu.memory_space<hbm>>
        tpu.enqueue_indirect_dma source(%dma_start3A_332 : memref<10000x512xf32, #tpu.memory_space<hbm>>) target(%dma_start3A_328 : memref<16x512xf32, #tpu.memory_space<vmem>>) offsets(%dma_start3A_329 : memref<16xi32, #tpu.memory_space<vmem>>) semaphore(%arg13 : memref<!tpu.dma_semaphore, #tpu.memory_space<semaphore_mem>>)
      } else {
      }
      %lt3A_113 = arith.constant 32 : i32
      %lt3A_114 = arith.cmpi slt, %sub3A_110, %lt3A_113 : i32
      %convert_element_type3A_115 = arith.extui %lt3A_114 : i1 to i32
      %cond3A_116 = arith.constant 0 : i32
      %cond3A_117 = arith.cmpi ne, %convert_element_type3A_115, %cond3A_116 : i32
      scf.if %cond3A_117 {
        %mul3A_321 = arith.constant 16 : i32
        %mul3A_322 = arith.muli %sub3A_110, %mul3A_321 : i32
        %multiple_of3A_323 = tpu.assume_multiple %mul3A_322, 16 : i32
        %add3A_324 = arith.addi %multiple_of3A, %multiple_of3A_323 : i32
        %dma_start3A_325 = arith.constant 3 : i32
        %dma_start3A_326 = arith.constant 0 : i32
        %dma_start3A_327 = arith.constant 0 : i32
        %dma_start3A_328 = tpu.memref_slice %arg8[%dma_start3A_325, %dma_start3A_326, %dma_start3A_327] : memref<4x16x512xf32, #tpu.memory_space<vmem>> -> memref<1x16x512xf32, #tpu.memory_space<vmem>>
        %dma_start3A_329 = tpu.memref_squeeze %dma_start3A_328 : memref<1x16x512xf32, #tpu.memory_space<vmem>> -> memref<16x512xf32, #tpu.memory_space<vmem>>
        %dma_start3A_330 = arith.constant 0 : i32
        %dma_start3A_331 = tpu.memref_slice %arg2[%add3A_324, %dma_start3A_330] : memref<16384x512xf32, #tpu.memory_space<hbm>> -> memref<16x512xf32, #tpu.memory_space<hbm>>
        %dma_start3A_332 = arith.constant 0 : i32
        %dma_start3A_333 = arith.constant 0 : i32
        %dma_start3A_334 = tpu.memref_slice %arg8[%dma_start3A_325, %dma_start3A_332, %dma_start3A_333] : memref<4x16x512xf32, #tpu.memory_space<vmem>> -> memref<1x16x512xf32, #tpu.memory_space<vmem>>
        %dma_start3A_335 = tpu.memref_squeeze %dma_start3A_334 : memref<1x16x512xf32, #tpu.memory_space<vmem>> -> memref<16x512xf32, #tpu.memory_space<vmem>>
        %dma_start3A_336 = arith.constant 0 : i32
        %dma_start3A_337 = tpu.memref_slice %arg2[%add3A_324, %dma_start3A_336] : memref<16384x512xf32, #tpu.memory_space<hbm>> -> memref<16x512xf32, #tpu.memory_space<hbm>>
        tpu.enqueue_dma source(%dma_start3A_337 : memref<16x512xf32, #tpu.memory_space<hbm>>) target(%dma_start3A_335 : memref<16x512xf32, #tpu.memory_space<vmem>>) target_semaphore(%arg17 : memref<!tpu.dma_semaphore, #tpu.memory_space<semaphore_mem>>)
      } else {
      }
      %dma_wait3A = arith.constant 0 : i32
      %dma_wait3A_118 = arith.constant 0 : i32
      %dma_wait3A_119 = arith.constant 0 : i32
      %dma_wait3A_120 = tpu.memref_slice %arg7[%dma_wait3A, %dma_wait3A_118, %dma_wait3A_119] : memref<4x16x512xf32, #tpu.memory_space<vmem>> -> memref<1x16x512xf32, #tpu.memory_space<vmem>>
      %dma_wait3A_121 = tpu.memref_squeeze %dma_wait3A_120 : memref<1x16x512xf32, #tpu.memory_space<vmem>> -> memref<16x512xf32, #tpu.memory_space<vmem>>
      %dma_wait3A_122 = arith.constant 0 : i32
      %dma_wait3A_123 = arith.constant 0 : i32
      %dma_wait3A_124 = tpu.memref_slice %arg4[%dma_wait3A_122, %dma_wait3A_123] : memref<10000x512xf32, #tpu.memory_space<hbm>> -> memref<16x512xf32, #tpu.memory_space<hbm>>
      %dma_wait3A_125 = arith.constant 0 : i32
      %dma_wait3A_126 = arith.constant 0 : i32
      %dma_wait3A_127 = tpu.memref_slice %arg7[%dma_wait3A, %dma_wait3A_125, %dma_wait3A_126] : memref<4x16x512xf32, #tpu.memory_space<vmem>> -> memref<1x16x512xf32, #tpu.memory_space<vmem>>
      %dma_wait3A_128 = tpu.memref_squeeze %dma_wait3A_127 : memref<1x16x512xf32, #tpu.memory_space<vmem>> -> memref<16x512xf32, #tpu.memory_space<vmem>>
      %dma_wait3A_129 = arith.constant 0 : i32
      %dma_wait3A_130 = arith.constant 0 : i32
      %dma_wait3A_131 = tpu.memref_slice %arg4[%dma_wait3A_129, %dma_wait3A_130] : memref<10000x512xf32, #tpu.memory_space<hbm>> -> memref<16x512xf32, #tpu.memory_space<hbm>>
      tpu.wait_dma2 semaphore(%arg10 : memref<!tpu.dma_semaphore, #tpu.memory_space<semaphore_mem>>) src(%dma_wait3A_131 : memref<16x512xf32, #tpu.memory_space<hbm>>) dst(%dma_wait3A_128 : memref<16x512xf32, #tpu.memory_space<vmem>>)
      %dma_wait3A_132 = arith.constant 0 : i32
      %dma_wait3A_133 = arith.constant 0 : i32
      %dma_wait3A_134 = arith.constant 0 : i32
      %dma_wait3A_135 = tpu.memref_slice %arg8[%dma_wait3A_132, %dma_wait3A_133, %dma_wait3A_134] : memref<4x16x512xf32, #tpu.memory_space<vmem>> -> memref<1x16x512xf32, #tpu.memory_space<vmem>>
      %dma_wait3A_136 = tpu.memref_squeeze %dma_wait3A_135 : memref<1x16x512xf32, #tpu.memory_space<vmem>> -> memref<16x512xf32, #tpu.memory_space<vmem>>
      %dma_wait3A_137 = arith.constant 0 : i32
      %dma_wait3A_138 = arith.constant 0 : i32
      %dma_wait3A_139 = tpu.memref_slice %arg2[%dma_wait3A_137, %dma_wait3A_138] : memref<16384x512xf32, #tpu.memory_space<hbm>> -> memref<16x512xf32, #tpu.memory_space<hbm>>
      %dma_wait3A_140 = arith.constant 0 : i32
      %dma_wait3A_141 = arith.constant 0 : i32
      %dma_wait3A_142 = tpu.memref_slice %arg8[%dma_wait3A_132, %dma_wait3A_140, %dma_wait3A_141] : memref<4x16x512xf32, #tpu.memory_space<vmem>> -> memref<1x16x512xf32, #tpu.memory_space<vmem>>
      %dma_wait3A_143 = tpu.memref_squeeze %dma_wait3A_142 : memref<1x16x512xf32, #tpu.memory_space<vmem>> -> memref<16x512xf32, #tpu.memory_space<vmem>>
      %dma_wait3A_144 = arith.constant 0 : i32
      %dma_wait3A_145 = arith.constant 0 : i32
      %dma_wait3A_146 = tpu.memref_slice %arg2[%dma_wait3A_144, %dma_wait3A_145] : memref<16384x512xf32, #tpu.memory_space<hbm>> -> memref<16x512xf32, #tpu.memory_space<hbm>>
      tpu.wait_dma2 semaphore(%arg14 : memref<!tpu.dma_semaphore, #tpu.memory_space<semaphore_mem>>) src(%dma_wait3A_146 : memref<16x512xf32, #tpu.memory_space<hbm>>) dst(%dma_wait3A_143 : memref<16x512xf32, #tpu.memory_space<vmem>>)
      %scan3A_147 = arith.constant 0 : i32
      %scan3A_148 = arith.constant 16 : i32
      %scan3A_149 = arith.addi %scan3A_147, %scan3A_148 : i32
      %scan3A_150 = arith.constant 1 : i32
      %scan3A_151:4 = scf.for %scan3A_321 = %scan3A_147 to %scan3A_149 step %scan3A_150 iter_args(%scan3A_322 = %scan3A_96, %scan3A_323 = %scan3A_97, %scan3A_324 = %scan3A_98, %scan3A_325 = %scan3A_99) -> (vector<16xf32>, vector<16xf32>, vector<16xf32>, vector<16xf32>)  : i32 {
        %get3A = arith.constant 0 : i32
        %get3A_326 = arith.index_cast %get3A : i32 to index
        %get3A_327 = arith.index_cast %scan3A_321 : i32 to index
        %get3A_328 = arith.constant 0 : index
        %get3A_329 = tpu.vector_load %arg8[%get3A_326, %get3A_327, %get3A_328] {strides = array<i32>} : memref<4x16x512xf32, #tpu.memory_space<vmem>>, vector<1x1x16xf32>,
        %get3A_330 = vector.shape_cast %get3A_329 : vector<1x1x16xf32> to vector<16xf32>
        %get3A_331 = arith.constant 0 : i32
        %get3A_332 = arith.index_cast %get3A_331 : i32 to index
        %get3A_333 = arith.index_cast %scan3A_321 : i32 to index
        %get3A_334 = arith.constant 0 : index
        %get3A_335 = tpu.vector_load %arg7[%get3A_332, %get3A_333, %get3A_334] {strides = array<i32>} : memref<4x16x512xf32, #tpu.memory_space<vmem>>, vector<1x1x16xf32>,
        %get3A_336 = vector.shape_cast %get3A_335 : vector<1x1x16xf32> to vector<16xf32>
        %sub3A_337 = arith.subf %get3A_330, %get3A_336 : vector<16xf32>
        %mul3A_338 = arith.mulf %sub3A_337, %sub3A_337 : vector<16xf32>
        %add3A_339 = arith.addf %scan3A_322, %mul3A_338 : vector<16xf32>
        %get3A_340 = arith.constant 0 : i32
        %get3A_341 = arith.index_cast %get3A_340 : i32 to index
        %get3A_342 = arith.index_cast %scan3A_321 : i32 to index
        %get3A_343 = arith.constant 16 : index
        %get3A_344 = tpu.vector_load %arg8[%get3A_341, %get3A_342, %get3A_343] {strides = array<i32>} : memref<4x16x512xf32, #tpu.memory_space<vmem>>, vector<1x1x16xf32>,
        %get3A_345 = vector.shape_cast %get3A_344 : vector<1x1x16xf32> to vector<16xf32>
        %get3A_346 = arith.constant 0 : i32
        %get3A_347 = arith.index_cast %get3A_346 : i32 to index
        %get3A_348 = arith.index_cast %scan3A_321 : i32 to index
        %get3A_349 = arith.constant 16 : index
        %get3A_350 = tpu.vector_load %arg7[%get3A_347, %get3A_348, %get3A_349] {strides = array<i32>} : memref<4x16x512xf32, #tpu.memory_space<vmem>>, vector<1x1x16xf32>,
        %get3A_351 = vector.shape_cast %get3A_350 : vector<1x1x16xf32> to vector<16xf32>
        %sub3A_352 = arith.subf %get3A_345, %get3A_351 : vector<16xf32>
        %mul3A_353 = arith.mulf %sub3A_352, %sub3A_352 : vector<16xf32>
        %add3A_354 = arith.addf %scan3A_323, %mul3A_353 : vector<16xf32>
        %get3A_355 = arith.constant 0 : i32
        %get3A_356 = arith.index_cast %get3A_355 : i32 to index
        %get3A_357 = arith.index_cast %scan3A_321 : i32 to index
        %get3A_358 = arith.constant 32 : index
        %get3A_359 = tpu.vector_load %arg8[%get3A_356, %get3A_357, %get3A_358] {strides = array<i32>} : memref<4x16x512xf32, #tpu.memory_space<vmem>>, vector<1x1x16xf32>,
        %get3A_360 = vector.shape_cast %get3A_359 : vector<1x1x16xf32> to vector<16xf32>
        %get3A_361 = arith.constant 0 : i32
        %get3A_362 = arith.index_cast %get3A_361 : i32 to index
        %get3A_363 = arith.index_cast %scan3A_321 : i32 to index
        %get3A_364 = arith.constant 32 : index
        %get3A_365 = tpu.vector_load %arg7[%get3A_362, %get3A_363, %get3A_364] {strides = array<i32>} : memref<4x16x512xf32, #tpu.memory_space<vmem>>, vector<1x1x16xf32>,
        %get3A_366 = vector.shape_cast %get3A_365 : vector<1x1x16xf32> to vector<16xf32>
        %sub3A_367 = arith.subf %get3A_360, %get3A_366 : vector<16xf32>
        %mul3A_368 = arith.mulf %sub3A_367, %sub3A_367 : vector<16xf32>
        %add3A_369 = arith.addf %scan3A_324, %mul3A_368 : vector<16xf32>
        %get3A_370 = arith.constant 0 : i32
        %get3A_371 = arith.index_cast %get3A_370 : i32 to index
        %get3A_372 = arith.index_cast %scan3A_321 : i32 to index
        %get3A_373 = arith.constant 48 : index
        %get3A_374 = tpu.vector_load %arg8[%get3A_371, %get3A_372, %get3A_373] {strides = array<i32>} : memref<4x16x512xf32, #tpu.memory_space<vmem>>, vector<1x1x16xf32>,
        %get3A_375 = vector.shape_cast %get3A_374 : vector<1x1x16xf32> to vector<16xf32>
        %get3A_376 = arith.constant 0 : i32
        %get3A_377 = arith.index_cast %get3A_376 : i32 to index
        %get3A_378 = arith.index_cast %scan3A_321 : i32 to index
        %get3A_379 = arith.constant 48 : index
        %get3A_380 = tpu.vector_load %arg7[%get3A_377, %get3A_378, %get3A_379] {strides = array<i32>} : memref<4x16x512xf32, #tpu.memory_space<vmem>>, vector<1x1x16xf32>,
        %get3A_381 = vector.shape_cast %get3A_380 : vector<1x1x16xf32> to vector<16xf32>
        %sub3A_382 = arith.subf %get3A_375, %get3A_381 : vector<16xf32>
        %mul3A_383 = arith.mulf %sub3A_382, %sub3A_382 : vector<16xf32>
        %add3A_384 = arith.addf %scan3A_325, %mul3A_383 : vector<16xf32>
        %get3A_385 = arith.constant 0 : i32
        %get3A_386 = arith.index_cast %get3A_385 : i32 to index
        %get3A_387 = arith.index_cast %scan3A_321 : i32 to index
        %get3A_388 = arith.constant 64 : index
        %get3A_389 = tpu.vector_load %arg8[%get3A_386, %get3A_387, %get3A_388] {strides = array<i32>} : memref<4x16x512xf32, #tpu.memory_space<vmem>>, vector<1x1x16xf32>,
        %get3A_390 = vector.shape_cast %get3A_389 : vector<1x1x16xf32> to vector<16xf32>
        %get3A_391 = arith.constant 0 : i32
        %get3A_392 = arith.index_cast %get3A_391 : i32 to index
        %get3A_393 = arith.index_cast %scan3A_321 : i32 to index
        %get3A_394 = arith.constant 64 : index
        %get3A_395 = tpu.vector_load %arg7[%get3A_392, %get3A_393, %get3A_394] {strides = array<i32>} : memref<4x16x512xf32, #tpu.memory_space<vmem>>, vector<1x1x16xf32>,
        %get3A_396 = vector.shape_cast %get3A_395 : vector<1x1x16xf32> to vector<16xf32>
        %sub3A_397 = arith.subf %get3A_390, %get3A_396 : vector<16xf32>
        %mul3A_398 = arith.mulf %sub3A_397, %sub3A_397 : vector<16xf32>
        %add3A_399 = arith.addf %add3A_339, %mul3A_398 : vector<16xf32>
        %get3A_400 = arith.constant 0 : i32
        %get3A_401 = arith.index_cast %get3A_400 : i32 to index
        %get3A_402 = arith.index_cast %scan3A_321 : i32 to index
        %get3A_403 = arith.constant 80 : index
        %get3A_404 = tpu.vector_load %arg8[%get3A_401, %get3A_402, %get3A_403] {strides = array<i32>} : memref<4x16x512xf32, #tpu.memory_space<vmem>>, vector<1x1x16xf32>,
        %get3A_405 = vector.shape_cast %get3A_404 : vector<1x1x16xf32> to vector<16xf32>
        %get3A_406 = arith.constant 0 : i32
        %get3A_407 = arith.index_cast %get3A_406 : i32 to index
        %get3A_408 = arith.index_cast %scan3A_321 : i32 to index
        %get3A_409 = arith.constant 80 : index
        %get3A_410 = tpu.vector_load %arg7[%get3A_407, %get3A_408, %get3A_409] {strides = array<i32>} : memref<4x16x512xf32, #tpu.memory_space<vmem>>, vector<1x1x16xf32>,
        %get3A_411 = vector.shape_cast %get3A_410 : vector<1x1x16xf32> to vector<16xf32>
        %sub3A_412 = arith.subf %get3A_405, %get3A_411 : vector<16xf32>
        %mul3A_413 = arith.mulf %sub3A_412, %sub3A_412 : vector<16xf32>
        %add3A_414 = arith.addf %add3A_354, %mul3A_413 : vector<16xf32>
        %get3A_415 = arith.constant 0 : i32
        %get3A_416 = arith.index_cast %get3A_415 : i32 to index
        %get3A_417 = arith.index_cast %scan3A_321 : i32 to index
        %get3A_418 = arith.constant 96 : index
        %get3A_419 = tpu.vector_load %arg8[%get3A_416, %get3A_417, %get3A_418] {strides = array<i32>} : memref<4x16x512xf32, #tpu.memory_space<vmem>>, vector<1x1x16xf32>,
        %get3A_420 = vector.shape_cast %get3A_419 : vector<1x1x16xf32> to vector<16xf32>
        %get3A_421 = arith.constant 0 : i32
        %get3A_422 = arith.index_cast %get3A_421 : i32 to index
        %get3A_423 = arith.index_cast %scan3A_321 : i32 to index
        %get3A_424 = arith.constant 96 : index
        %get3A_425 = tpu.vector_load %arg7[%get3A_422, %get3A_423, %get3A_424] {strides = array<i32>} : memref<4x16x512xf32, #tpu.memory_space<vmem>>, vector<1x1x16xf32>,
        %get3A_426 = vector.shape_cast %get3A_425 : vector<1x1x16xf32> to vector<16xf32>
        %sub3A_427 = arith.subf %get3A_420, %get3A_426 : vector<16xf32>
        %mul3A_428 = arith.mulf %sub3A_427, %sub3A_427 : vector<16xf32>
        %add3A_429 = arith.addf %add3A_369, %mul3A_428 : vector<16xf32>
        %get3A_430 = arith.constant 0 : i32
        %get3A_431 = arith.index_cast %get3A_430 : i32 to index
        %get3A_432 = arith.index_cast %scan3A_321 : i32 to index
        %get3A_433 = arith.constant 112 : index
        %get3A_434 = tpu.vector_load %arg8[%get3A_431, %get3A_432, %get3A_433] {strides = array<i32>} : memref<4x16x512xf32, #tpu.memory_space<vmem>>, vector<1x1x16xf32>,
        %get3A_435 = vector.shape_cast %get3A_434 : vector<1x1x16xf32> to vector<16xf32>
        %get3A_436 = arith.constant 0 : i32
        %get3A_437 = arith.index_cast %get3A_436 : i32 to index
        %get3A_438 = arith.index_cast %scan3A_321 : i32 to index
        %get3A_439 = arith.constant 112 : index
        %get3A_440 = tpu.vector_load %arg7[%get3A_437, %get3A_438, %get3A_439] {strides = array<i32>} : memref<4x16x512xf32, #tpu.memory_space<vmem>>, vector<1x1x16xf32>,
        %get3A_441 = vector.shape_cast %get3A_440 : vector<1x1x16xf32> to vector<16xf32>
        %sub3A_442 = arith.subf %get3A_435, %get3A_441 : vector<16xf32>
        %mul3A_443 = arith.mulf %sub3A_442, %sub3A_442 : vector<16xf32>
        %add3A_444 = arith.addf %add3A_384, %mul3A_443 : vector<16xf32>
        %get3A_445 = arith.constant 0 : i32
        %get3A_446 = arith.index_cast %get3A_445 : i32 to index
        %get3A_447 = arith.index_cast %scan3A_321 : i32 to index
        %get3A_448 = arith.constant 128 : index
        %get3A_449 = tpu.vector_load %arg8[%get3A_446, %get3A_447, %get3A_448] {strides = array<i32>} : memref<4x16x512xf32, #tpu.memory_space<vmem>>, vector<1x1x16xf32>,
        %get3A_450 = vector.shape_cast %get3A_449 : vector<1x1x16xf32> to vector<16xf32>
        %get3A_451 = arith.constant 0 : i32
        %get3A_452 = arith.index_cast %get3A_451 : i32 to index
        %get3A_453 = arith.index_cast %scan3A_321 : i32 to index
        %get3A_454 = arith.constant 128 : index
        %get3A_455 = tpu.vector_load %arg7[%get3A_452, %get3A_453, %get3A_454] {strides = array<i32>} : memref<4x16x512xf32, #tpu.memory_space<vmem>>, vector<1x1x16xf32>,
        %get3A_456 = vector.shape_cast %get3A_455 : vector<1x1x16xf32> to vector<16xf32>
        %sub3A_457 = arith.subf %get3A_450, %get3A_456 : vector<16xf32>
        %mul3A_458 = arith.mulf %sub3A_457, %sub3A_457 : vector<16xf32>
        %add3A_459 = arith.addf %add3A_399, %mul3A_458 : vector<16xf32>
        %get3A_460 = arith.constant 0 : i32
        %get3A_461 = arith.index_cast %get3A_460 : i32 to index
        %get3A_462 = arith.index_cast %scan3A_321 : i32 to index
        %get3A_463 = arith.constant 144 : index
        %get3A_464 = tpu.vector_load %arg8[%get3A_461, %get3A_462, %get3A_463] {strides = array<i32>} : memref<4x16x512xf32, #tpu.memory_space<vmem>>, vector<1x1x16xf32>,
        %get3A_465 = vector.shape_cast %get3A_464 : vector<1x1x16xf32> to vector<16xf32>
        %get3A_466 = arith.constant 0 : i32
        %get3A_467 = arith.index_cast %get3A_466 : i32 to index
        %get3A_468 = arith.index_cast %scan3A_321 : i32 to index
        %get3A_469 = arith.constant 144 : index
        %get3A_470 = tpu.vector_load %arg7[%get3A_467, %get3A_468, %get3A_469] {strides = array<i32>} : memref<4x16x512xf32, #tpu.memory_space<vmem>>, vector<1x1x16xf32>,
        %get3A_471 = vector.shape_cast %get3A_470 : vector<1x1x16xf32> to vector<16xf32>
        %sub3A_472 = arith.subf %get3A_465, %get3A_471 : vector<16xf32>
        %mul3A_473 = arith.mulf %sub3A_472, %sub3A_472 : vector<16xf32>
        %add3A_474 = arith.addf %add3A_414, %mul3A_473 : vector<16xf32>
        %get3A_475 = arith.constant 0 : i32
        %get3A_476 = arith.index_cast %get3A_475 : i32 to index
        %get3A_477 = arith.index_cast %scan3A_321 : i32 to index
        %get3A_478 = arith.constant 160 : index
        %get3A_479 = tpu.vector_load %arg8[%get3A_476, %get3A_477, %get3A_478] {strides = array<i32>} : memref<4x16x512xf32, #tpu.memory_space<vmem>>, vector<1x1x16xf32>,
        %get3A_480 = vector.shape_cast %get3A_479 : vector<1x1x16xf32> to vector<16xf32>
        %get3A_481 = arith.constant 0 : i32
        %get3A_482 = arith.index_cast %get3A_481 : i32 to index
        %get3A_483 = arith.index_cast %scan3A_321 : i32 to index
        %get3A_484 = arith.constant 160 : index
        %get3A_485 = tpu.vector_load %arg7[%get3A_482, %get3A_483, %get3A_484] {strides = array<i32>} : memref<4x16x512xf32, #tpu.memory_space<vmem>>, vector<1x1x16xf32>,
        %get3A_486 = vector.shape_cast %get3A_485 : vector<1x1x16xf32> to vector<16xf32>
        %sub3A_487 = arith.subf %get3A_480, %get3A_486 : vector<16xf32>
        %mul3A_488 = arith.mulf %sub3A_487, %sub3A_487 : vector<16xf32>
        %add3A_489 = arith.addf %add3A_429, %mul3A_488 : vector<16xf32>
        %get3A_490 = arith.constant 0 : i32
        %get3A_491 = arith.index_cast %get3A_490 : i32 to index
        %get3A_492 = arith.index_cast %scan3A_321 : i32 to index
        %get3A_493 = arith.constant 176 : index
        %get3A_494 = tpu.vector_load %arg8[%get3A_491, %get3A_492, %get3A_493] {strides = array<i32>} : memref<4x16x512xf32, #tpu.memory_space<vmem>>, vector<1x1x16xf32>,
        %get3A_495 = vector.shape_cast %get3A_494 : vector<1x1x16xf32> to vector<16xf32>
        %get3A_496 = arith.constant 0 : i32
        %get3A_497 = arith.index_cast %get3A_496 : i32 to index
        %get3A_498 = arith.index_cast %scan3A_321 : i32 to index
        %get3A_499 = arith.constant 176 : index
        %get3A_500 = tpu.vector_load %arg7[%get3A_497, %get3A_498, %get3A_499] {strides = array<i32>} : memref<4x16x512xf32, #tpu.memory_space<vmem>>, vector<1x1x16xf32>,
        %get3A_501 = vector.shape_cast %get3A_500 : vector<1x1x16xf32> to vector<16xf32>
        %sub3A_502 = arith.subf %get3A_495, %get3A_501 : vector<16xf32>
        %mul3A_503 = arith.mulf %sub3A_502, %sub3A_502 : vector<16xf32>
        %add3A_504 = arith.addf %add3A_444, %mul3A_503 : vector<16xf32>
        %get3A_505 = arith.constant 0 : i32
        %get3A_506 = arith.index_cast %get3A_505 : i32 to index
        %get3A_507 = arith.index_cast %scan3A_321 : i32 to index
        %get3A_508 = arith.constant 192 : index
        %get3A_509 = tpu.vector_load %arg8[%get3A_506, %get3A_507, %get3A_508] {strides = array<i32>} : memref<4x16x512xf32, #tpu.memory_space<vmem>>, vector<1x1x16xf32>,
        %get3A_510 = vector.shape_cast %get3A_509 : vector<1x1x16xf32> to vector<16xf32>
        %get3A_511 = arith.constant 0 : i32
        %get3A_512 = arith.index_cast %get3A_511 : i32 to index
        %get3A_513 = arith.index_cast %scan3A_321 : i32 to index
        %get3A_514 = arith.constant 192 : index
        %get3A_515 = tpu.vector_load %arg7[%get3A_512, %get3A_513, %get3A_514] {strides = array<i32>} : memref<4x16x512xf32, #tpu.memory_space<vmem>>, vector<1x1x16xf32>,
        %get3A_516 = vector.shape_cast %get3A_515 : vector<1x1x16xf32> to vector<16xf32>
        %sub3A_517 = arith.subf %get3A_510, %get3A_516 : vector<16xf32>
        %mul3A_518 = arith.mulf %sub3A_517, %sub3A_517 : vector<16xf32>
        %add3A_519 = arith.addf %add3A_459, %mul3A_518 : vector<16xf32>
        %get3A_520 = arith.constant 0 : i32
        %get3A_521 = arith.index_cast %get3A_520 : i32 to index
        %get3A_522 = arith.index_cast %scan3A_321 : i32 to index
        %get3A_523 = arith.constant 208 : index
        %get3A_524 = tpu.vector_load %arg8[%get3A_521, %get3A_522, %get3A_523] {strides = array<i32>} : memref<4x16x512xf32, #tpu.memory_space<vmem>>, vector<1x1x16xf32>,
        %get3A_525 = vector.shape_cast %get3A_524 : vector<1x1x16xf32> to vector<16xf32>
        %get3A_526 = arith.constant 0 : i32
        %get3A_527 = arith.index_cast %get3A_526 : i32 to index
        %get3A_528 = arith.index_cast %scan3A_321 : i32 to index
        %get3A_529 = arith.constant 208 : index
        %get3A_530 = tpu.vector_load %arg7[%get3A_527, %get3A_528, %get3A_529] {strides = array<i32>} : memref<4x16x512xf32, #tpu.memory_space<vmem>>, vector<1x1x16xf32>,
        %get3A_531 = vector.shape_cast %get3A_530 : vector<1x1x16xf32> to vector<16xf32>
        %sub3A_532 = arith.subf %get3A_525, %get3A_531 : vector<16xf32>
        %mul3A_533 = arith.mulf %sub3A_532, %sub3A_532 : vector<16xf32>
        %add3A_534 = arith.addf %add3A_474, %mul3A_533 : vector<16xf32>
        %get3A_535 = arith.constant 0 : i32
        %get3A_536 = arith.index_cast %get3A_535 : i32 to index
        %get3A_537 = arith.index_cast %scan3A_321 : i32 to index
        %get3A_538 = arith.constant 224 : index
        %get3A_539 = tpu.vector_load %arg8[%get3A_536, %get3A_537, %get3A_538] {strides = array<i32>} : memref<4x16x512xf32, #tpu.memory_space<vmem>>, vector<1x1x16xf32>,
        %get3A_540 = vector.shape_cast %get3A_539 : vector<1x1x16xf32> to vector<16xf32>
        %get3A_541 = arith.constant 0 : i32
        %get3A_542 = arith.index_cast %get3A_541 : i32 to index
        %get3A_543 = arith.index_cast %scan3A_321 : i32 to index
        %get3A_544 = arith.constant 224 : index
        %get3A_545 = tpu.vector_load %arg7[%get3A_542, %get3A_543, %get3A_544] {strides = array<i32>} : memref<4x16x512xf32, #tpu.memory_space<vmem>>, vector<1x1x16xf32>,
        %get3A_546 = vector.shape_cast %get3A_545 : vector<1x1x16xf32> to vector<16xf32>
        %sub3A_547 = arith.subf %get3A_540, %get3A_546 : vector<16xf32>
        %mul3A_548 = arith.mulf %sub3A_547, %sub3A_547 : vector<16xf32>
        %add3A_549 = arith.addf %add3A_489, %mul3A_548 : vector<16xf32>
        %get3A_550 = arith.constant 0 : i32
        %get3A_551 = arith.index_cast %get3A_550 : i32 to index
        %get3A_552 = arith.index_cast %scan3A_321 : i32 to index
        %get3A_553 = arith.constant 240 : index
        %get3A_554 = tpu.vector_load %arg8[%get3A_551, %get3A_552, %get3A_553] {strides = array<i32>} : memref<4x16x512xf32, #tpu.memory_space<vmem>>, vector<1x1x16xf32>,
        %get3A_555 = vector.shape_cast %get3A_554 : vector<1x1x16xf32> to vector<16xf32>
        %get3A_556 = arith.constant 0 : i32
        %get3A_557 = arith.index_cast %get3A_556 : i32 to index
        %get3A_558 = arith.index_cast %scan3A_321 : i32 to index
        %get3A_559 = arith.constant 240 : index
        %get3A_560 = tpu.vector_load %arg7[%get3A_557, %get3A_558, %get3A_559] {strides = array<i32>} : memref<4x16x512xf32, #tpu.memory_space<vmem>>, vector<1x1x16xf32>,
        %get3A_561 = vector.shape_cast %get3A_560 : vector<1x1x16xf32> to vector<16xf32>
        %sub3A_562 = arith.subf %get3A_555, %get3A_561 : vector<16xf32>
        %mul3A_563 = arith.mulf %sub3A_562, %sub3A_562 : vector<16xf32>
        %add3A_564 = arith.addf %add3A_504, %mul3A_563 : vector<16xf32>
        %get3A_565 = arith.constant 0 : i32
        %get3A_566 = arith.index_cast %get3A_565 : i32 to index
        %get3A_567 = arith.index_cast %scan3A_321 : i32 to index
        %get3A_568 = arith.constant 256 : index
        %get3A_569 = tpu.vector_load %arg8[%get3A_566, %get3A_567, %get3A_568] {strides = array<i32>} : memref<4x16x512xf32, #tpu.memory_space<vmem>>, vector<1x1x16xf32>,
        %get3A_570 = vector.shape_cast %get3A_569 : vector<1x1x16xf32> to vector<16xf32>
        %get3A_571 = arith.constant 0 : i32
        %get3A_572 = arith.index_cast %get3A_571 : i32 to index
        %get3A_573 = arith.index_cast %scan3A_321 : i32 to index
        %get3A_574 = arith.constant 256 : index
        %get3A_575 = tpu.vector_load %arg7[%get3A_572, %get3A_573, %get3A_574] {strides = array<i32>} : memref<4x16x512xf32, #tpu.memory_space<vmem>>, vector<1x1x16xf32>,
        %get3A_576 = vector.shape_cast %get3A_575 : vector<1x1x16xf32> to vector<16xf32>
        %sub3A_577 = arith.subf %get3A_570, %get3A_576 : vector<16xf32>
        %mul3A_578 = arith.mulf %sub3A_577, %sub3A_577 : vector<16xf32>
        %add3A_579 = arith.addf %add3A_519, %mul3A_578 : vector<16xf32>
        %get3A_580 = arith.constant 0 : i32
        %get3A_581 = arith.index_cast %get3A_580 : i32 to index
        %get3A_582 = arith.index_cast %scan3A_321 : i32 to index
        %get3A_583 = arith.constant 272 : index
        %get3A_584 = tpu.vector_load %arg8[%get3A_581, %get3A_582, %get3A_583] {strides = array<i32>} : memref<4x16x512xf32, #tpu.memory_space<vmem>>, vector<1x1x16xf32>,
        %get3A_585 = vector.shape_cast %get3A_584 : vector<1x1x16xf32> to vector<16xf32>
        %get3A_586 = arith.constant 0 : i32
        %get3A_587 = arith.index_cast %get3A_586 : i32 to index
        %get3A_588 = arith.index_cast %scan3A_321 : i32 to index
        %get3A_589 = arith.constant 272 : index
        %get3A_590 = tpu.vector_load %arg7[%get3A_587, %get3A_588, %get3A_589] {strides = array<i32>} : memref<4x16x512xf32, #tpu.memory_space<vmem>>, vector<1x1x16xf32>,
        %get3A_591 = vector.shape_cast %get3A_590 : vector<1x1x16xf32> to vector<16xf32>
        %sub3A_592 = arith.subf %get3A_585, %get3A_591 : vector<16xf32>
        %mul3A_593 = arith.mulf %sub3A_592, %sub3A_592 : vector<16xf32>
        %add3A_594 = arith.addf %add3A_534, %mul3A_593 : vector<16xf32>
        %get3A_595 = arith.constant 0 : i32
        %get3A_596 = arith.index_cast %get3A_595 : i32 to index
        %get3A_597 = arith.index_cast %scan3A_321 : i32 to index
        %get3A_598 = arith.constant 288 : index
        %get3A_599 = tpu.vector_load %arg8[%get3A_596, %get3A_597, %get3A_598] {strides = array<i32>} : memref<4x16x512xf32, #tpu.memory_space<vmem>>, vector<1x1x16xf32>,
        %get3A_600 = vector.shape_cast %get3A_599 : vector<1x1x16xf32> to vector<16xf32>
        %get3A_601 = arith.constant 0 : i32
        %get3A_602 = arith.index_cast %get3A_601 : i32 to index
        %get3A_603 = arith.index_cast %scan3A_321 : i32 to index
        %get3A_604 = arith.constant 288 : index
        %get3A_605 = tpu.vector_load %arg7[%get3A_602, %get3A_603, %get3A_604] {strides = array<i32>} : memref<4x16x512xf32, #tpu.memory_space<vmem>>, vector<1x1x16xf32>,
        %get3A_606 = vector.shape_cast %get3A_605 : vector<1x1x16xf32> to vector<16xf32>
        %sub3A_607 = arith.subf %get3A_600, %get3A_606 : vector<16xf32>
        %mul3A_608 = arith.mulf %sub3A_607, %sub3A_607 : vector<16xf32>
        %add3A_609 = arith.addf %add3A_549, %mul3A_608 : vector<16xf32>
        %get3A_610 = arith.constant 0 : i32
        %get3A_611 = arith.index_cast %get3A_610 : i32 to index
        %get3A_612 = arith.index_cast %scan3A_321 : i32 to index
        %get3A_613 = arith.constant 304 : index
        %get3A_614 = tpu.vector_load %arg8[%get3A_611, %get3A_612, %get3A_613] {strides = array<i32>} : memref<4x16x512xf32, #tpu.memory_space<vmem>>, vector<1x1x16xf32>,
        %get3A_615 = vector.shape_cast %get3A_614 : vector<1x1x16xf32> to vector<16xf32>
        %get3A_616 = arith.constant 0 : i32
        %get3A_617 = arith.index_cast %get3A_616 : i32 to index
        %get3A_618 = arith.index_cast %scan3A_321 : i32 to index
        %get3A_619 = arith.constant 304 : index
        %get3A_620 = tpu.vector_load %arg7[%get3A_617, %get3A_618, %get3A_619] {strides = array<i32>} : memref<4x16x512xf32, #tpu.memory_space<vmem>>, vector<1x1x16xf32>,
        %get3A_621 = vector.shape_cast %get3A_620 : vector<1x1x16xf32> to vector<16xf32>
        %sub3A_622 = arith.subf %get3A_615, %get3A_621 : vector<16xf32>
        %mul3A_623 = arith.mulf %sub3A_622, %sub3A_622 : vector<16xf32>
        %add3A_624 = arith.addf %add3A_564, %mul3A_623 : vector<16xf32>
        %get3A_625 = arith.constant 0 : i32
        %get3A_626 = arith.index_cast %get3A_625 : i32 to index
        %get3A_627 = arith.index_cast %scan3A_321 : i32 to index
        %get3A_628 = arith.constant 320 : index
        %get3A_629 = tpu.vector_load %arg8[%get3A_626, %get3A_627, %get3A_628] {strides = array<i32>} : memref<4x16x512xf32, #tpu.memory_space<vmem>>, vector<1x1x16xf32>,
        %get3A_630 = vector.shape_cast %get3A_629 : vector<1x1x16xf32> to vector<16xf32>
        %get3A_631 = arith.constant 0 : i32
        %get3A_632 = arith.index_cast %get3A_631 : i32 to index
        %get3A_633 = arith.index_cast %scan3A_321 : i32 to index
        %get3A_634 = arith.constant 320 : index
        %get3A_635 = tpu.vector_load %arg7[%get3A_632, %get3A_633, %get3A_634] {strides = array<i32>} : memref<4x16x512xf32, #tpu.memory_space<vmem>>, vector<1x1x16xf32>,
        %get3A_636 = vector.shape_cast %get3A_635 : vector<1x1x16xf32> to vector<16xf32>
        %sub3A_637 = arith.subf %get3A_630, %get3A_636 : vector<16xf32>
        %mul3A_638 = arith.mulf %sub3A_637, %sub3A_637 : vector<16xf32>
        %add3A_639 = arith.addf %add3A_579, %mul3A_638 : vector<16xf32>
        %get3A_640 = arith.constant 0 : i32
        %get3A_641 = arith.index_cast %get3A_640 : i32 to index
        %get3A_642 = arith.index_cast %scan3A_321 : i32 to index
        %get3A_643 = arith.constant 336 : index
        %get3A_644 = tpu.vector_load %arg8[%get3A_641, %get3A_642, %get3A_643] {strides = array<i32>} : memref<4x16x512xf32, #tpu.memory_space<vmem>>, vector<1x1x16xf32>,
        %get3A_645 = vector.shape_cast %get3A_644 : vector<1x1x16xf32> to vector<16xf32>
        %get3A_646 = arith.constant 0 : i32
        %get3A_647 = arith.index_cast %get3A_646 : i32 to index
        %get3A_648 = arith.index_cast %scan3A_321 : i32 to index
        %get3A_649 = arith.constant 336 : index
        %get3A_650 = tpu.vector_load %arg7[%get3A_647, %get3A_648, %get3A_649] {strides = array<i32>} : memref<4x16x512xf32, #tpu.memory_space<vmem>>, vector<1x1x16xf32>,
        %get3A_651 = vector.shape_cast %get3A_650 : vector<1x1x16xf32> to vector<16xf32>
        %sub3A_652 = arith.subf %get3A_645, %get3A_651 : vector<16xf32>
        %mul3A_653 = arith.mulf %sub3A_652, %sub3A_652 : vector<16xf32>
        %add3A_654 = arith.addf %add3A_594, %mul3A_653 : vector<16xf32>
        %get3A_655 = arith.constant 0 : i32
        %get3A_656 = arith.index_cast %get3A_655 : i32 to index
        %get3A_657 = arith.index_cast %scan3A_321 : i32 to index
        %get3A_658 = arith.constant 352 : index
        %get3A_659 = tpu.vector_load %arg8[%get3A_656, %get3A_657, %get3A_658] {strides = array<i32>} : memref<4x16x512xf32, #tpu.memory_space<vmem>>, vector<1x1x16xf32>,
        %get3A_660 = vector.shape_cast %get3A_659 : vector<1x1x16xf32> to vector<16xf32>
        %get3A_661 = arith.constant 0 : i32
        %get3A_662 = arith.index_cast %get3A_661 : i32 to index
        %get3A_663 = arith.index_cast %scan3A_321 : i32 to index
        %get3A_664 = arith.constant 352 : index
        %get3A_665 = tpu.vector_load %arg7[%get3A_662, %get3A_663, %get3A_664] {strides = array<i32>} : memref<4x16x512xf32, #tpu.memory_space<vmem>>, vector<1x1x16xf32>,
        %get3A_666 = vector.shape_cast %get3A_665 : vector<1x1x16xf32> to vector<16xf32>
        %sub3A_667 = arith.subf %get3A_660, %get3A_666 : vector<16xf32>
        %mul3A_668 = arith.mulf %sub3A_667, %sub3A_667 : vector<16xf32>
        %add3A_669 = arith.addf %add3A_609, %mul3A_668 : vector<16xf32>
        %get3A_670 = arith.constant 0 : i32
        %get3A_671 = arith.index_cast %get3A_670 : i32 to index
        %get3A_672 = arith.index_cast %scan3A_321 : i32 to index
        %get3A_673 = arith.constant 368 : index
        %get3A_674 = tpu.vector_load %arg8[%get3A_671, %get3A_672, %get3A_673] {strides = array<i32>} : memref<4x16x512xf32, #tpu.memory_space<vmem>>, vector<1x1x16xf32>,
        %get3A_675 = vector.shape_cast %get3A_674 : vector<1x1x16xf32> to vector<16xf32>
        %get3A_676 = arith.constant 0 : i32
        %get3A_677 = arith.index_cast %get3A_676 : i32 to index
        %get3A_678 = arith.index_cast %scan3A_321 : i32 to index
        %get3A_679 = arith.constant 368 : index
        %get3A_680 = tpu.vector_load %arg7[%get3A_677, %get3A_678, %get3A_679] {strides = array<i32>} : memref<4x16x512xf32, #tpu.memory_space<vmem>>, vector<1x1x16xf32>,
        %get3A_681 = vector.shape_cast %get3A_680 : vector<1x1x16xf32> to vector<16xf32>
        %sub3A_682 = arith.subf %get3A_675, %get3A_681 : vector<16xf32>
        %mul3A_683 = arith.mulf %sub3A_682, %sub3A_682 : vector<16xf32>
        %add3A_684 = arith.addf %add3A_624, %mul3A_683 : vector<16xf32>
        %get3A_685 = arith.constant 0 : i32
        %get3A_686 = arith.index_cast %get3A_685 : i32 to index
        %get3A_687 = arith.index_cast %scan3A_321 : i32 to index
        %get3A_688 = arith.constant 384 : index
        %get3A_689 = tpu.vector_load %arg8[%get3A_686, %get3A_687, %get3A_688] {strides = array<i32>} : memref<4x16x512xf32, #tpu.memory_space<vmem>>, vector<1x1x16xf32>,
        %get3A_690 = vector.shape_cast %get3A_689 : vector<1x1x16xf32> to vector<16xf32>
        %get3A_691 = arith.constant 0 : i32
        %get3A_692 = arith.index_cast %get3A_691 : i32 to index
        %get3A_693 = arith.index_cast %scan3A_321 : i32 to index
        %get3A_694 = arith.constant 384 : index
        %get3A_695 = tpu.vector_load %arg7[%get3A_692, %get3A_693, %get3A_694] {strides = array<i32>} : memref<4x16x512xf32, #tpu.memory_space<vmem>>, vector<1x1x16xf32>,
        %get3A_696 = vector.shape_cast %get3A_695 : vector<1x1x16xf32> to vector<16xf32>
        %sub3A_697 = arith.subf %get3A_690, %get3A_696 : vector<16xf32>
        %mul3A_698 = arith.mulf %sub3A_697, %sub3A_697 : vector<16xf32>
        %add3A_699 = arith.addf %add3A_639, %mul3A_698 : vector<16xf32>
        %get3A_700 = arith.constant 0 : i32
        %get3A_701 = arith.index_cast %get3A_700 : i32 to index
        %get3A_702 = arith.index_cast %scan3A_321 : i32 to index
        %get3A_703 = arith.constant 400 : index
        %get3A_704 = tpu.vector_load %arg8[%get3A_701, %get3A_702, %get3A_703] {strides = array<i32>} : memref<4x16x512xf32, #tpu.memory_space<vmem>>, vector<1x1x16xf32>,
        %get3A_705 = vector.shape_cast %get3A_704 : vector<1x1x16xf32> to vector<16xf32>
        %get3A_706 = arith.constant 0 : i32
        %get3A_707 = arith.index_cast %get3A_706 : i32 to index
        %get3A_708 = arith.index_cast %scan3A_321 : i32 to index
        %get3A_709 = arith.constant 400 : index
        %get3A_710 = tpu.vector_load %arg7[%get3A_707, %get3A_708, %get3A_709] {strides = array<i32>} : memref<4x16x512xf32, #tpu.memory_space<vmem>>, vector<1x1x16xf32>,
        %get3A_711 = vector.shape_cast %get3A_710 : vector<1x1x16xf32> to vector<16xf32>
        %sub3A_712 = arith.subf %get3A_705, %get3A_711 : vector<16xf32>
        %mul3A_713 = arith.mulf %sub3A_712, %sub3A_712 : vector<16xf32>
        %add3A_714 = arith.addf %add3A_654, %mul3A_713 : vector<16xf32>
        %get3A_715 = arith.constant 0 : i32
        %get3A_716 = arith.index_cast %get3A_715 : i32 to index
        %get3A_717 = arith.index_cast %scan3A_321 : i32 to index
        %get3A_718 = arith.constant 416 : index
        %get3A_719 = tpu.vector_load %arg8[%get3A_716, %get3A_717, %get3A_718] {strides = array<i32>} : memref<4x16x512xf32, #tpu.memory_space<vmem>>, vector<1x1x16xf32>,
        %get3A_720 = vector.shape_cast %get3A_719 : vector<1x1x16xf32> to vector<16xf32>
        %get3A_721 = arith.constant 0 : i32
        %get3A_722 = arith.index_cast %get3A_721 : i32 to index
        %get3A_723 = arith.index_cast %scan3A_321 : i32 to index
        %get3A_724 = arith.constant 416 : index
        %get3A_725 = tpu.vector_load %arg7[%get3A_722, %get3A_723, %get3A_724] {strides = array<i32>} : memref<4x16x512xf32, #tpu.memory_space<vmem>>, vector<1x1x16xf32>,
        %get3A_726 = vector.shape_cast %get3A_725 : vector<1x1x16xf32> to vector<16xf32>
        %sub3A_727 = arith.subf %get3A_720, %get3A_726 : vector<16xf32>
        %mul3A_728 = arith.mulf %sub3A_727, %sub3A_727 : vector<16xf32>
        %add3A_729 = arith.addf %add3A_669, %mul3A_728 : vector<16xf32>
        %get3A_730 = arith.constant 0 : i32
        %get3A_731 = arith.index_cast %get3A_730 : i32 to index
        %get3A_732 = arith.index_cast %scan3A_321 : i32 to index
        %get3A_733 = arith.constant 432 : index
        %get3A_734 = tpu.vector_load %arg8[%get3A_731, %get3A_732, %get3A_733] {strides = array<i32>} : memref<4x16x512xf32, #tpu.memory_space<vmem>>, vector<1x1x16xf32>,
        %get3A_735 = vector.shape_cast %get3A_734 : vector<1x1x16xf32> to vector<16xf32>
        %get3A_736 = arith.constant 0 : i32
        %get3A_737 = arith.index_cast %get3A_736 : i32 to index
        %get3A_738 = arith.index_cast %scan3A_321 : i32 to index
        %get3A_739 = arith.constant 432 : index
        %get3A_740 = tpu.vector_load %arg7[%get3A_737, %get3A_738, %get3A_739] {strides = array<i32>} : memref<4x16x512xf32, #tpu.memory_space<vmem>>, vector<1x1x16xf32>,
        %get3A_741 = vector.shape_cast %get3A_740 : vector<1x1x16xf32> to vector<16xf32>
        %sub3A_742 = arith.subf %get3A_735, %get3A_741 : vector<16xf32>
        %mul3A_743 = arith.mulf %sub3A_742, %sub3A_742 : vector<16xf32>
        %add3A_744 = arith.addf %add3A_684, %mul3A_743 : vector<16xf32>
        %get3A_745 = arith.constant 0 : i32
        %get3A_746 = arith.index_cast %get3A_745 : i32 to index
        %get3A_747 = arith.index_cast %scan3A_321 : i32 to index
        %get3A_748 = arith.constant 448 : index
        %get3A_749 = tpu.vector_load %arg8[%get3A_746, %get3A_747, %get3A_748] {strides = array<i32>} : memref<4x16x512xf32, #tpu.memory_space<vmem>>, vector<1x1x16xf32>,
        %get3A_750 = vector.shape_cast %get3A_749 : vector<1x1x16xf32> to vector<16xf32>
        %get3A_751 = arith.constant 0 : i32
        %get3A_752 = arith.index_cast %get3A_751 : i32 to index
        %get3A_753 = arith.index_cast %scan3A_321 : i32 to index
        %get3A_754 = arith.constant 448 : index
        %get3A_755 = tpu.vector_load %arg7[%get3A_752, %get3A_753, %get3A_754] {strides = array<i32>} : memref<4x16x512xf32, #tpu.memory_space<vmem>>, vector<1x1x16xf32>,
        %get3A_756 = vector.shape_cast %get3A_755 : vector<1x1x16xf32> to vector<16xf32>
        %sub3A_757 = arith.subf %get3A_750, %get3A_756 : vector<16xf32>
        %mul3A_758 = arith.mulf %sub3A_757, %sub3A_757 : vector<16xf32>
        %add3A_759 = arith.addf %add3A_699, %mul3A_758 : vector<16xf32>
        %get3A_760 = arith.constant 0 : i32
        %get3A_761 = arith.index_cast %get3A_760 : i32 to index
        %get3A_762 = arith.index_cast %scan3A_321 : i32 to index
        %get3A_763 = arith.constant 464 : index
        %get3A_764 = tpu.vector_load %arg8[%get3A_761, %get3A_762, %get3A_763] {strides = array<i32>} : memref<4x16x512xf32, #tpu.memory_space<vmem>>, vector<1x1x16xf32>,
        %get3A_765 = vector.shape_cast %get3A_764 : vector<1x1x16xf32> to vector<16xf32>
        %get3A_766 = arith.constant 0 : i32
        %get3A_767 = arith.index_cast %get3A_766 : i32 to index
        %get3A_768 = arith.index_cast %scan3A_321 : i32 to index
        %get3A_769 = arith.constant 464 : index
        %get3A_770 = tpu.vector_load %arg7[%get3A_767, %get3A_768, %get3A_769] {strides = array<i32>} : memref<4x16x512xf32, #tpu.memory_space<vmem>>, vector<1x1x16xf32>,
        %get3A_771 = vector.shape_cast %get3A_770 : vector<1x1x16xf32> to vector<16xf32>
        %sub3A_772 = arith.subf %get3A_765, %get3A_771 : vector<16xf32>
        %mul3A_773 = arith.mulf %sub3A_772, %sub3A_772 : vector<16xf32>
        %add3A_774 = arith.addf %add3A_714, %mul3A_773 : vector<16xf32>
        %get3A_775 = arith.constant 0 : i32
        %get3A_776 = arith.index_cast %get3A_775 : i32 to index
        %get3A_777 = arith.index_cast %scan3A_321 : i32 to index
        %get3A_778 = arith.constant 480 : index
        %get3A_779 = tpu.vector_load %arg8[%get3A_776, %get3A_777, %get3A_778] {strides = array<i32>} : memref<4x16x512xf32, #tpu.memory_space<vmem>>, vector<1x1x16xf32>,
        %get3A_780 = vector.shape_cast %get3A_779 : vector<1x1x16xf32> to vector<16xf32>
        %get3A_781 = arith.constant 0 : i32
        %get3A_782 = arith.index_cast %get3A_781 : i32 to index
        %get3A_783 = arith.index_cast %scan3A_321 : i32 to index
        %get3A_784 = arith.constant 480 : index
        %get3A_785 = tpu.vector_load %arg7[%get3A_782, %get3A_783, %get3A_784] {strides = array<i32>} : memref<4x16x512xf32, #tpu.memory_space<vmem>>, vector<1x1x16xf32>,
        %get3A_786 = vector.shape_cast %get3A_785 : vector<1x1x16xf32> to vector<16xf32>
        %sub3A_787 = arith.subf %get3A_780, %get3A_786 : vector<16xf32>
        %mul3A_788 = arith.mulf %sub3A_787, %sub3A_787 : vector<16xf32>
        %add3A_789 = arith.addf %add3A_729, %mul3A_788 : vector<16xf32>
        %get3A_790 = arith.constant 0 : i32
        %get3A_791 = arith.index_cast %get3A_790 : i32 to index
        %get3A_792 = arith.index_cast %scan3A_321 : i32 to index
        %get3A_793 = arith.constant 496 : index
        %get3A_794 = tpu.vector_load %arg8[%get3A_791, %get3A_792, %get3A_793] {strides = array<i32>} : memref<4x16x512xf32, #tpu.memory_space<vmem>>, vector<1x1x16xf32>,
        %get3A_795 = vector.shape_cast %get3A_794 : vector<1x1x16xf32> to vector<16xf32>
        %get3A_796 = arith.constant 0 : i32
        %get3A_797 = arith.index_cast %get3A_796 : i32 to index
        %get3A_798 = arith.index_cast %scan3A_321 : i32 to index
        %get3A_799 = arith.constant 496 : index
        %get3A_800 = tpu.vector_load %arg7[%get3A_797, %get3A_798, %get3A_799] {strides = array<i32>} : memref<4x16x512xf32, #tpu.memory_space<vmem>>, vector<1x1x16xf32>,
        %get3A_801 = vector.shape_cast %get3A_800 : vector<1x1x16xf32> to vector<16xf32>
        %sub3A_802 = arith.subf %get3A_795, %get3A_801 : vector<16xf32>
        %mul3A_803 = arith.mulf %sub3A_802, %sub3A_802 : vector<16xf32>
        %add3A_804 = arith.addf %add3A_744, %mul3A_803 : vector<16xf32>
        scf.yield %add3A_759, %add3A_774, %add3A_789, %add3A_804 : vector<16xf32>, vector<16xf32>, vector<16xf32>, vector<16xf32>
      }
      %scan3A_152 = arith.constant 16 : i32
      %add3A_153 = arith.constant 1 : i32
      %add3A_154 = arith.addi %mul3A_101, %add3A_153 : i32
      %add3A_155 = arith.constant 4 : i32
      %add3A_156 = arith.addi %add3A_154, %add3A_155 : i32
      %sub3A_157 = arith.constant 1 : i32
      %sub3A_158 = arith.subi %add3A_156, %sub3A_157 : i32
      %add3A_159 = arith.constant 4 : i32
      %add3A_160 = arith.addi %add3A_154, %add3A_159 : i32
      %sub3A_161 = arith.constant 1 : i32
      %sub3A_162 = arith.subi %add3A_160, %sub3A_161 : i32
      %lt3A_163 = arith.constant 32 : i32
      %lt3A_164 = arith.cmpi slt, %sub3A_158, %lt3A_163 : i32
      %convert_element_type3A_165 = arith.extui %lt3A_164 : i1 to i32
      %cond3A_166 = arith.constant 0 : i32
      %cond3A_167 = arith.cmpi ne, %convert_element_type3A_165, %cond3A_166 : i32
      scf.if %cond3A_167 {
        %mul3A_321 = arith.constant 16 : i32
        %mul3A_322 = arith.muli %sub3A_158, %mul3A_321 : i32
        %multiple_of3A_323 = tpu.assume_multiple %mul3A_322, 16 : i32
        %dma_start3A_324 = arith.constant 0 : i32
        %dma_start3A_325 = arith.constant 0 : i32
        %dma_start3A_326 = arith.constant 0 : i32
        %dma_start3A_327 = tpu.memref_slice %arg7[%dma_start3A_324, %dma_start3A_325, %dma_start3A_326] : memref<4x16x512xf32, #tpu.memory_space<vmem>> -> memref<1x16x512xf32, #tpu.memory_space<vmem>>
        %dma_start3A_328 = tpu.memref_squeeze %dma_start3A_327 : memref<1x16x512xf32, #tpu.memory_space<vmem>> -> memref<16x512xf32, #tpu.memory_space<vmem>>
        %dma_start3A_329 = tpu.memref_slice %arg6[%multiple_of3A_323] : memref<512xi32, #tpu.memory_space<vmem>> -> memref<16xi32, #tpu.memory_space<vmem>>
        %dma_start3A_330 = arith.constant 0 : i32
        %dma_start3A_331 = arith.constant 0 : i32
        %dma_start3A_332 = tpu.memref_slice %arg4[%dma_start3A_330, %dma_start3A_331] : memref<10000x512xf32, #tpu.memory_space<hbm>> -> memref<10000x512xf32, #tpu.memory_space<hbm>>
        tpu.enqueue_indirect_dma source(%dma_start3A_332 : memref<10000x512xf32, #tpu.memory_space<hbm>>) target(%dma_start3A_328 : memref<16x512xf32, #tpu.memory_space<vmem>>) offsets(%dma_start3A_329 : memref<16xi32, #tpu.memory_space<vmem>>) semaphore(%arg10 : memref<!tpu.dma_semaphore, #tpu.memory_space<semaphore_mem>>)
      } else {
      }
      %lt3A_168 = arith.constant 32 : i32
      %lt3A_169 = arith.cmpi slt, %sub3A_162, %lt3A_168 : i32
      %convert_element_type3A_170 = arith.extui %lt3A_169 : i1 to i32
      %cond3A_171 = arith.constant 0 : i32
      %cond3A_172 = arith.cmpi ne, %convert_element_type3A_170, %cond3A_171 : i32
      scf.if %cond3A_172 {
        %mul3A_321 = arith.constant 16 : i32
        %mul3A_322 = arith.muli %sub3A_162, %mul3A_321 : i32
        %multiple_of3A_323 = tpu.assume_multiple %mul3A_322, 16 : i32
        %add3A_324 = arith.addi %multiple_of3A, %multiple_of3A_323 : i32
        %dma_start3A_325 = arith.constant 0 : i32
        %dma_start3A_326 = arith.constant 0 : i32
        %dma_start3A_327 = arith.constant 0 : i32
        %dma_start3A_328 = tpu.memref_slice %arg8[%dma_start3A_325, %dma_start3A_326, %dma_start3A_327] : memref<4x16x512xf32, #tpu.memory_space<vmem>> -> memref<1x16x512xf32, #tpu.memory_space<vmem>>
        %dma_start3A_329 = tpu.memref_squeeze %dma_start3A_328 : memref<1x16x512xf32, #tpu.memory_space<vmem>> -> memref<16x512xf32, #tpu.memory_space<vmem>>
        %dma_start3A_330 = arith.constant 0 : i32
        %dma_start3A_331 = tpu.memref_slice %arg2[%add3A_324, %dma_start3A_330] : memref<16384x512xf32, #tpu.memory_space<hbm>> -> memref<16x512xf32, #tpu.memory_space<hbm>>
        %dma_start3A_332 = arith.constant 0 : i32
        %dma_start3A_333 = arith.constant 0 : i32
        %dma_start3A_334 = tpu.memref_slice %arg8[%dma_start3A_325, %dma_start3A_332, %dma_start3A_333] : memref<4x16x512xf32, #tpu.memory_space<vmem>> -> memref<1x16x512xf32, #tpu.memory_space<vmem>>
        %dma_start3A_335 = tpu.memref_squeeze %dma_start3A_334 : memref<1x16x512xf32, #tpu.memory_space<vmem>> -> memref<16x512xf32, #tpu.memory_space<vmem>>
        %dma_start3A_336 = arith.constant 0 : i32
        %dma_start3A_337 = tpu.memref_slice %arg2[%add3A_324, %dma_start3A_336] : memref<16384x512xf32, #tpu.memory_space<hbm>> -> memref<16x512xf32, #tpu.memory_space<hbm>>
        tpu.enqueue_dma source(%dma_start3A_337 : memref<16x512xf32, #tpu.memory_space<hbm>>) target(%dma_start3A_335 : memref<16x512xf32, #tpu.memory_space<vmem>>) target_semaphore(%arg14 : memref<!tpu.dma_semaphore, #tpu.memory_space<semaphore_mem>>)
      } else {
      }
      %dma_wait3A_173 = arith.constant 1 : i32
      %dma_wait3A_174 = arith.constant 0 : i32
      %dma_wait3A_175 = arith.constant 0 : i32
      %dma_wait3A_176 = tpu.memref_slice %arg7[%dma_wait3A_173, %dma_wait3A_174, %dma_wait3A_175] : memref<4x16x512xf32, #tpu.memory_space<vmem>> -> memref<1x16x512xf32, #tpu.memory_space<vmem>>
      %dma_wait3A_177 = tpu.memref_squeeze %dma_wait3A_176 : memref<1x16x512xf32, #tpu.memory_space<vmem>> -> memref<16x512xf32, #tpu.memory_space<vmem>>
      %dma_wait3A_178 = arith.constant 0 : i32
      %dma_wait3A_179 = arith.constant 0 : i32
      %dma_wait3A_180 = tpu.memref_slice %arg4[%dma_wait3A_178, %dma_wait3A_179] : memref<10000x512xf32, #tpu.memory_space<hbm>> -> memref<16x512xf32, #tpu.memory_space<hbm>>
      %dma_wait3A_181 = arith.constant 0 : i32
      %dma_wait3A_182 = arith.constant 0 : i32
      %dma_wait3A_183 = tpu.memref_slice %arg7[%dma_wait3A_173, %dma_wait3A_181, %dma_wait3A_182] : memref<4x16x512xf32, #tpu.memory_space<vmem>> -> memref<1x16x512xf32, #tpu.memory_space<vmem>>
      %dma_wait3A_184 = tpu.memref_squeeze %dma_wait3A_183 : memref<1x16x512xf32, #tpu.memory_space<vmem>> -> memref<16x512xf32, #tpu.memory_space<vmem>>
      %dma_wait3A_185 = arith.constant 0 : i32
      %dma_wait3A_186 = arith.constant 0 : i32
      %dma_wait3A_187 = tpu.memref_slice %arg4[%dma_wait3A_185, %dma_wait3A_186] : memref<10000x512xf32, #tpu.memory_space<hbm>> -> memref<16x512xf32, #tpu.memory_space<hbm>>
      tpu.wait_dma2 semaphore(%arg11 : memref<!tpu.dma_semaphore, #tpu.memory_space<semaphore_mem>>) src(%dma_wait3A_187 : memref<16x512xf32, #tpu.memory_space<hbm>>) dst(%dma_wait3A_184 : memref<16x512xf32, #tpu.memory_space<vmem>>)
      %dma_wait3A_188 = arith.constant 1 : i32
      %dma_wait3A_189 = arith.constant 0 : i32
      %dma_wait3A_190 = arith.constant 0 : i32
      %dma_wait3A_191 = tpu.memref_slice %arg8[%dma_wait3A_188, %dma_wait3A_189, %dma_wait3A_190] : memref<4x16x512xf32, #tpu.memory_space<vmem>> -> memref<1x16x512xf32, #tpu.memory_space<vmem>>
      %dma_wait3A_192 = tpu.memref_squeeze %dma_wait3A_191 : memref<1x16x512xf32, #tpu.memory_space<vmem>> -> memref<16x512xf32, #tpu.memory_space<vmem>>
      %dma_wait3A_193 = arith.constant 0 : i32
      %dma_wait3A_194 = arith.constant 0 : i32
      %dma_wait3A_195 = tpu.memref_slice %arg2[%dma_wait3A_193, %dma_wait3A_194] : memref<16384x512xf32, #tpu.memory_space<hbm>> -> memref<16x512xf32, #tpu.memory_space<hbm>>
      %dma_wait3A_196 = arith.constant 0 : i32
      %dma_wait3A_197 = arith.constant 0 : i32
      %dma_wait3A_198 = tpu.memref_slice %arg8[%dma_wait3A_188, %dma_wait3A_196, %dma_wait3A_197] : memref<4x16x512xf32, #tpu.memory_space<vmem>> -> memref<1x16x512xf32, #tpu.memory_space<vmem>>
      %dma_wait3A_199 = tpu.memref_squeeze %dma_wait3A_198 : memref<1x16x512xf32, #tpu.memory_space<vmem>> -> memref<16x512xf32, #tpu.memory_space<vmem>>
      %dma_wait3A_200 = arith.constant 0 : i32
      %dma_wait3A_201 = arith.constant 0 : i32
      %dma_wait3A_202 = tpu.memref_slice %arg2[%dma_wait3A_200, %dma_wait3A_201] : memref<16384x512xf32, #tpu.memory_space<hbm>> -> memref<16x512xf32, #tpu.memory_space<hbm>>
      tpu.wait_dma2 semaphore(%arg15 : memref<!tpu.dma_semaphore, #tpu.memory_space<semaphore_mem>>) src(%dma_wait3A_202 : memref<16x512xf32, #tpu.memory_space<hbm>>) dst(%dma_wait3A_199 : memref<16x512xf32, #tpu.memory_space<vmem>>)
      %scan3A_203 = arith.constant 0 : i32
      %scan3A_204 = arith.constant 16 : i32
      %scan3A_205 = arith.addi %scan3A_203, %scan3A_204 : i32
      %scan3A_206 = arith.constant 1 : i32
      %scan3A_207:4 = scf.for %scan3A_321 = %scan3A_203 to %scan3A_205 step %scan3A_206 iter_args(%scan3A_322 = %scan3A_151#0, %scan3A_323 = %scan3A_151#1, %scan3A_324 = %scan3A_151#2, %scan3A_325 = %scan3A_151#3) -> (vector<16xf32>, vector<16xf32>, vector<16xf32>, vector<16xf32>)  : i32 {
        %get3A = arith.constant 1 : i32
        %get3A_326 = arith.index_cast %get3A : i32 to index
        %get3A_327 = arith.index_cast %scan3A_321 : i32 to index
        %get3A_328 = arith.constant 0 : index
        %get3A_329 = tpu.vector_load %arg8[%get3A_326, %get3A_327, %get3A_328] {strides = array<i32>} : memref<4x16x512xf32, #tpu.memory_space<vmem>>, vector<1x1x16xf32>,
        %get3A_330 = vector.shape_cast %get3A_329 : vector<1x1x16xf32> to vector<16xf32>
        %get3A_331 = arith.constant 1 : i32
        %get3A_332 = arith.index_cast %get3A_331 : i32 to index
        %get3A_333 = arith.index_cast %scan3A_321 : i32 to index
        %get3A_334 = arith.constant 0 : index
        %get3A_335 = tpu.vector_load %arg7[%get3A_332, %get3A_333, %get3A_334] {strides = array<i32>} : memref<4x16x512xf32, #tpu.memory_space<vmem>>, vector<1x1x16xf32>,
        %get3A_336 = vector.shape_cast %get3A_335 : vector<1x1x16xf32> to vector<16xf32>
        %sub3A_337 = arith.subf %get3A_330, %get3A_336 : vector<16xf32>
        %mul3A_338 = arith.mulf %sub3A_337, %sub3A_337 : vector<16xf32>
        %add3A_339 = arith.addf %scan3A_322, %mul3A_338 : vector<16xf32>
        %get3A_340 = arith.constant 1 : i32
        %get3A_341 = arith.index_cast %get3A_340 : i32 to index
        %get3A_342 = arith.index_cast %scan3A_321 : i32 to index
        %get3A_343 = arith.constant 16 : index
        %get3A_344 = tpu.vector_load %arg8[%get3A_341, %get3A_342, %get3A_343] {strides = array<i32>} : memref<4x16x512xf32, #tpu.memory_space<vmem>>, vector<1x1x16xf32>,
        %get3A_345 = vector.shape_cast %get3A_344 : vector<1x1x16xf32> to vector<16xf32>
        %get3A_346 = arith.constant 1 : i32
        %get3A_347 = arith.index_cast %get3A_346 : i32 to index
        %get3A_348 = arith.index_cast %scan3A_321 : i32 to index
        %get3A_349 = arith.constant 16 : index
        %get3A_350 = tpu.vector_load %arg7[%get3A_347, %get3A_348, %get3A_349] {strides = array<i32>} : memref<4x16x512xf32, #tpu.memory_space<vmem>>, vector<1x1x16xf32>,
        %get3A_351 = vector.shape_cast %get3A_350 : vector<1x1x16xf32> to vector<16xf32>
        %sub3A_352 = arith.subf %get3A_345, %get3A_351 : vector<16xf32>
        %mul3A_353 = arith.mulf %sub3A_352, %sub3A_352 : vector<16xf32>
        %add3A_354 = arith.addf %scan3A_323, %mul3A_353 : vector<16xf32>
        %get3A_355 = arith.constant 1 : i32
        %get3A_356 = arith.index_cast %get3A_355 : i32 to index
        %get3A_357 = arith.index_cast %scan3A_321 : i32 to index
        %get3A_358 = arith.constant 32 : index
        %get3A_359 = tpu.vector_load %arg8[%get3A_356, %get3A_357, %get3A_358] {strides = array<i32>} : memref<4x16x512xf32, #tpu.memory_space<vmem>>, vector<1x1x16xf32>,
        %get3A_360 = vector.shape_cast %get3A_359 : vector<1x1x16xf32> to vector<16xf32>
        %get3A_361 = arith.constant 1 : i32
        %get3A_362 = arith.index_cast %get3A_361 : i32 to index
        %get3A_363 = arith.index_cast %scan3A_321 : i32 to index
        %get3A_364 = arith.constant 32 : index
        %get3A_365 = tpu.vector_load %arg7[%get3A_362, %get3A_363, %get3A_364] {strides = array<i32>} : memref<4x16x512xf32, #tpu.memory_space<vmem>>, vector<1x1x16xf32>,
        %get3A_366 = vector.shape_cast %get3A_365 : vector<1x1x16xf32> to vector<16xf32>
        %sub3A_367 = arith.subf %get3A_360, %get3A_366 : vector<16xf32>
        %mul3A_368 = arith.mulf %sub3A_367, %sub3A_367 : vector<16xf32>
        %add3A_369 = arith.addf %scan3A_324, %mul3A_368 : vector<16xf32>
        %get3A_370 = arith.constant 1 : i32
        %get3A_371 = arith.index_cast %get3A_370 : i32 to index
        %get3A_372 = arith.index_cast %scan3A_321 : i32 to index
        %get3A_373 = arith.constant 48 : index
        %get3A_374 = tpu.vector_load %arg8[%get3A_371, %get3A_372, %get3A_373] {strides = array<i32>} : memref<4x16x512xf32, #tpu.memory_space<vmem>>, vector<1x1x16xf32>,
        %get3A_375 = vector.shape_cast %get3A_374 : vector<1x1x16xf32> to vector<16xf32>
        %get3A_376 = arith.constant 1 : i32
        %get3A_377 = arith.index_cast %get3A_376 : i32 to index
        %get3A_378 = arith.index_cast %scan3A_321 : i32 to index
        %get3A_379 = arith.constant 48 : index
        %get3A_380 = tpu.vector_load %arg7[%get3A_377, %get3A_378, %get3A_379] {strides = array<i32>} : memref<4x16x512xf32, #tpu.memory_space<vmem>>, vector<1x1x16xf32>,
        %get3A_381 = vector.shape_cast %get3A_380 : vector<1x1x16xf32> to vector<16xf32>
        %sub3A_382 = arith.subf %get3A_375, %get3A_381 : vector<16xf32>
        %mul3A_383 = arith.mulf %sub3A_382, %sub3A_382 : vector<16xf32>
        %add3A_384 = arith.addf %scan3A_325, %mul3A_383 : vector<16xf32>
        %get3A_385 = arith.constant 1 : i32
        %get3A_386 = arith.index_cast %get3A_385 : i32 to index
        %get3A_387 = arith.index_cast %scan3A_321 : i32 to index
        %get3A_388 = arith.constant 64 : index
        %get3A_389 = tpu.vector_load %arg8[%get3A_386, %get3A_387, %get3A_388] {strides = array<i32>} : memref<4x16x512xf32, #tpu.memory_space<vmem>>, vector<1x1x16xf32>,
        %get3A_390 = vector.shape_cast %get3A_389 : vector<1x1x16xf32> to vector<16xf32>
        %get3A_391 = arith.constant 1 : i32
        %get3A_392 = arith.index_cast %get3A_391 : i32 to index
        %get3A_393 = arith.index_cast %scan3A_321 : i32 to index
        %get3A_394 = arith.constant 64 : index
        %get3A_395 = tpu.vector_load %arg7[%get3A_392, %get3A_393, %get3A_394] {strides = array<i32>} : memref<4x16x512xf32, #tpu.memory_space<vmem>>, vector<1x1x16xf32>,
        %get3A_396 = vector.shape_cast %get3A_395 : vector<1x1x16xf32> to vector<16xf32>
        %sub3A_397 = arith.subf %get3A_390, %get3A_396 : vector<16xf32>
        %mul3A_398 = arith.mulf %sub3A_397, %sub3A_397 : vector<16xf32>
        %add3A_399 = arith.addf %add3A_339, %mul3A_398 : vector<16xf32>
        %get3A_400 = arith.constant 1 : i32
        %get3A_401 = arith.index_cast %get3A_400 : i32 to index
        %get3A_402 = arith.index_cast %scan3A_321 : i32 to index
        %get3A_403 = arith.constant 80 : index
        %get3A_404 = tpu.vector_load %arg8[%get3A_401, %get3A_402, %get3A_403] {strides = array<i32>} : memref<4x16x512xf32, #tpu.memory_space<vmem>>, vector<1x1x16xf32>,
        %get3A_405 = vector.shape_cast %get3A_404 : vector<1x1x16xf32> to vector<16xf32>
        %get3A_406 = arith.constant 1 : i32
        %get3A_407 = arith.index_cast %get3A_406 : i32 to index
        %get3A_408 = arith.index_cast %scan3A_321 : i32 to index
        %get3A_409 = arith.constant 80 : index
        %get3A_410 = tpu.vector_load %arg7[%get3A_407, %get3A_408, %get3A_409] {strides = array<i32>} : memref<4x16x512xf32, #tpu.memory_space<vmem>>, vector<1x1x16xf32>,
        %get3A_411 = vector.shape_cast %get3A_410 : vector<1x1x16xf32> to vector<16xf32>
        %sub3A_412 = arith.subf %get3A_405, %get3A_411 : vector<16xf32>
        %mul3A_413 = arith.mulf %sub3A_412, %sub3A_412 : vector<16xf32>
        %add3A_414 = arith.addf %add3A_354, %mul3A_413 : vector<16xf32>
        %get3A_415 = arith.constant 1 : i32
        %get3A_416 = arith.index_cast %get3A_415 : i32 to index
        %get3A_417 = arith.index_cast %scan3A_321 : i32 to index
        %get3A_418 = arith.constant 96 : index
        %get3A_419 = tpu.vector_load %arg8[%get3A_416, %get3A_417, %get3A_418] {strides = array<i32>} : memref<4x16x512xf32, #tpu.memory_space<vmem>>, vector<1x1x16xf32>,
        %get3A_420 = vector.shape_cast %get3A_419 : vector<1x1x16xf32> to vector<16xf32>
        %get3A_421 = arith.constant 1 : i32
        %get3A_422 = arith.index_cast %get3A_421 : i32 to index
        %get3A_423 = arith.index_cast %scan3A_321 : i32 to index
        %get3A_424 = arith.constant 96 : index
        %get3A_425 = tpu.vector_load %arg7[%get3A_422, %get3A_423, %get3A_424] {strides = array<i32>} : memref<4x16x512xf32, #tpu.memory_space<vmem>>, vector<1x1x16xf32>,
        %get3A_426 = vector.shape_cast %get3A_425 : vector<1x1x16xf32> to vector<16xf32>
        %sub3A_427 = arith.subf %get3A_420, %get3A_426 : vector<16xf32>
        %mul3A_428 = arith.mulf %sub3A_427, %sub3A_427 : vector<16xf32>
        %add3A_429 = arith.addf %add3A_369, %mul3A_428 : vector<16xf32>
        %get3A_430 = arith.constant 1 : i32
        %get3A_431 = arith.index_cast %get3A_430 : i32 to index
        %get3A_432 = arith.index_cast %scan3A_321 : i32 to index
        %get3A_433 = arith.constant 112 : index
        %get3A_434 = tpu.vector_load %arg8[%get3A_431, %get3A_432, %get3A_433] {strides = array<i32>} : memref<4x16x512xf32, #tpu.memory_space<vmem>>, vector<1x1x16xf32>,
        %get3A_435 = vector.shape_cast %get3A_434 : vector<1x1x16xf32> to vector<16xf32>
        %get3A_436 = arith.constant 1 : i32
        %get3A_437 = arith.index_cast %get3A_436 : i32 to index
        %get3A_438 = arith.index_cast %scan3A_321 : i32 to index
        %get3A_439 = arith.constant 112 : index
        %get3A_440 = tpu.vector_load %arg7[%get3A_437, %get3A_438, %get3A_439] {strides = array<i32>} : memref<4x16x512xf32, #tpu.memory_space<vmem>>, vector<1x1x16xf32>,
        %get3A_441 = vector.shape_cast %get3A_440 : vector<1x1x16xf32> to vector<16xf32>
        %sub3A_442 = arith.subf %get3A_435, %get3A_441 : vector<16xf32>
        %mul3A_443 = arith.mulf %sub3A_442, %sub3A_442 : vector<16xf32>
        %add3A_444 = arith.addf %add3A_384, %mul3A_443 : vector<16xf32>
        %get3A_445 = arith.constant 1 : i32
        %get3A_446 = arith.index_cast %get3A_445 : i32 to index
        %get3A_447 = arith.index_cast %scan3A_321 : i32 to index
        %get3A_448 = arith.constant 128 : index
        %get3A_449 = tpu.vector_load %arg8[%get3A_446, %get3A_447, %get3A_448] {strides = array<i32>} : memref<4x16x512xf32, #tpu.memory_space<vmem>>, vector<1x1x16xf32>,
        %get3A_450 = vector.shape_cast %get3A_449 : vector<1x1x16xf32> to vector<16xf32>
        %get3A_451 = arith.constant 1 : i32
        %get3A_452 = arith.index_cast %get3A_451 : i32 to index
        %get3A_453 = arith.index_cast %scan3A_321 : i32 to index
        %get3A_454 = arith.constant 128 : index
        %get3A_455 = tpu.vector_load %arg7[%get3A_452, %get3A_453, %get3A_454] {strides = array<i32>} : memref<4x16x512xf32, #tpu.memory_space<vmem>>, vector<1x1x16xf32>,
        %get3A_456 = vector.shape_cast %get3A_455 : vector<1x1x16xf32> to vector<16xf32>
        %sub3A_457 = arith.subf %get3A_450, %get3A_456 : vector<16xf32>
        %mul3A_458 = arith.mulf %sub3A_457, %sub3A_457 : vector<16xf32>
        %add3A_459 = arith.addf %add3A_399, %mul3A_458 : vector<16xf32>
        %get3A_460 = arith.constant 1 : i32
        %get3A_461 = arith.index_cast %get3A_460 : i32 to index
        %get3A_462 = arith.index_cast %scan3A_321 : i32 to index
        %get3A_463 = arith.constant 144 : index
        %get3A_464 = tpu.vector_load %arg8[%get3A_461, %get3A_462, %get3A_463] {strides = array<i32>} : memref<4x16x512xf32, #tpu.memory_space<vmem>>, vector<1x1x16xf32>,
        %get3A_465 = vector.shape_cast %get3A_464 : vector<1x1x16xf32> to vector<16xf32>
        %get3A_466 = arith.constant 1 : i32
        %get3A_467 = arith.index_cast %get3A_466 : i32 to index
        %get3A_468 = arith.index_cast %scan3A_321 : i32 to index
        %get3A_469 = arith.constant 144 : index
        %get3A_470 = tpu.vector_load %arg7[%get3A_467, %get3A_468, %get3A_469] {strides = array<i32>} : memref<4x16x512xf32, #tpu.memory_space<vmem>>, vector<1x1x16xf32>,
        %get3A_471 = vector.shape_cast %get3A_470 : vector<1x1x16xf32> to vector<16xf32>
        %sub3A_472 = arith.subf %get3A_465, %get3A_471 : vector<16xf32>
        %mul3A_473 = arith.mulf %sub3A_472, %sub3A_472 : vector<16xf32>
        %add3A_474 = arith.addf %add3A_414, %mul3A_473 : vector<16xf32>
        %get3A_475 = arith.constant 1 : i32
        %get3A_476 = arith.index_cast %get3A_475 : i32 to index
        %get3A_477 = arith.index_cast %scan3A_321 : i32 to index
        %get3A_478 = arith.constant 160 : index
        %get3A_479 = tpu.vector_load %arg8[%get3A_476, %get3A_477, %get3A_478] {strides = array<i32>} : memref<4x16x512xf32, #tpu.memory_space<vmem>>, vector<1x1x16xf32>,
        %get3A_480 = vector.shape_cast %get3A_479 : vector<1x1x16xf32> to vector<16xf32>
        %get3A_481 = arith.constant 1 : i32
        %get3A_482 = arith.index_cast %get3A_481 : i32 to index
        %get3A_483 = arith.index_cast %scan3A_321 : i32 to index
        %get3A_484 = arith.constant 160 : index
        %get3A_485 = tpu.vector_load %arg7[%get3A_482, %get3A_483, %get3A_484] {strides = array<i32>} : memref<4x16x512xf32, #tpu.memory_space<vmem>>, vector<1x1x16xf32>,
        %get3A_486 = vector.shape_cast %get3A_485 : vector<1x1x16xf32> to vector<16xf32>
        %sub3A_487 = arith.subf %get3A_480, %get3A_486 : vector<16xf32>
        %mul3A_488 = arith.mulf %sub3A_487, %sub3A_487 : vector<16xf32>
        %add3A_489 = arith.addf %add3A_429, %mul3A_488 : vector<16xf32>
        %get3A_490 = arith.constant 1 : i32
        %get3A_491 = arith.index_cast %get3A_490 : i32 to index
        %get3A_492 = arith.index_cast %scan3A_321 : i32 to index
        %get3A_493 = arith.constant 176 : index
        %get3A_494 = tpu.vector_load %arg8[%get3A_491, %get3A_492, %get3A_493] {strides = array<i32>} : memref<4x16x512xf32, #tpu.memory_space<vmem>>, vector<1x1x16xf32>,
        %get3A_495 = vector.shape_cast %get3A_494 : vector<1x1x16xf32> to vector<16xf32>
        %get3A_496 = arith.constant 1 : i32
        %get3A_497 = arith.index_cast %get3A_496 : i32 to index
        %get3A_498 = arith.index_cast %scan3A_321 : i32 to index
        %get3A_499 = arith.constant 176 : index
        %get3A_500 = tpu.vector_load %arg7[%get3A_497, %get3A_498, %get3A_499] {strides = array<i32>} : memref<4x16x512xf32, #tpu.memory_space<vmem>>, vector<1x1x16xf32>,
        %get3A_501 = vector.shape_cast %get3A_500 : vector<1x1x16xf32> to vector<16xf32>
        %sub3A_502 = arith.subf %get3A_495, %get3A_501 : vector<16xf32>
        %mul3A_503 = arith.mulf %sub3A_502, %sub3A_502 : vector<16xf32>
        %add3A_504 = arith.addf %add3A_444, %mul3A_503 : vector<16xf32>
        %get3A_505 = arith.constant 1 : i32
        %get3A_506 = arith.index_cast %get3A_505 : i32 to index
        %get3A_507 = arith.index_cast %scan3A_321 : i32 to index
        %get3A_508 = arith.constant 192 : index
        %get3A_509 = tpu.vector_load %arg8[%get3A_506, %get3A_507, %get3A_508] {strides = array<i32>} : memref<4x16x512xf32, #tpu.memory_space<vmem>>, vector<1x1x16xf32>,
        %get3A_510 = vector.shape_cast %get3A_509 : vector<1x1x16xf32> to vector<16xf32>
        %get3A_511 = arith.constant 1 : i32
        %get3A_512 = arith.index_cast %get3A_511 : i32 to index
        %get3A_513 = arith.index_cast %scan3A_321 : i32 to index
        %get3A_514 = arith.constant 192 : index
        %get3A_515 = tpu.vector_load %arg7[%get3A_512, %get3A_513, %get3A_514] {strides = array<i32>} : memref<4x16x512xf32, #tpu.memory_space<vmem>>, vector<1x1x16xf32>,
        %get3A_516 = vector.shape_cast %get3A_515 : vector<1x1x16xf32> to vector<16xf32>
        %sub3A_517 = arith.subf %get3A_510, %get3A_516 : vector<16xf32>
        %mul3A_518 = arith.mulf %sub3A_517, %sub3A_517 : vector<16xf32>
        %add3A_519 = arith.addf %add3A_459, %mul3A_518 : vector<16xf32>
        %get3A_520 = arith.constant 1 : i32
        %get3A_521 = arith.index_cast %get3A_520 : i32 to index
        %get3A_522 = arith.index_cast %scan3A_321 : i32 to index
        %get3A_523 = arith.constant 208 : index
        %get3A_524 = tpu.vector_load %arg8[%get3A_521, %get3A_522, %get3A_523] {strides = array<i32>} : memref<4x16x512xf32, #tpu.memory_space<vmem>>, vector<1x1x16xf32>,
        %get3A_525 = vector.shape_cast %get3A_524 : vector<1x1x16xf32> to vector<16xf32>
        %get3A_526 = arith.constant 1 : i32
        %get3A_527 = arith.index_cast %get3A_526 : i32 to index
        %get3A_528 = arith.index_cast %scan3A_321 : i32 to index
        %get3A_529 = arith.constant 208 : index
        %get3A_530 = tpu.vector_load %arg7[%get3A_527, %get3A_528, %get3A_529] {strides = array<i32>} : memref<4x16x512xf32, #tpu.memory_space<vmem>>, vector<1x1x16xf32>,
        %get3A_531 = vector.shape_cast %get3A_530 : vector<1x1x16xf32> to vector<16xf32>
        %sub3A_532 = arith.subf %get3A_525, %get3A_531 : vector<16xf32>
        %mul3A_533 = arith.mulf %sub3A_532, %sub3A_532 : vector<16xf32>
        %add3A_534 = arith.addf %add3A_474, %mul3A_533 : vector<16xf32>
        %get3A_535 = arith.constant 1 : i32
        %get3A_536 = arith.index_cast %get3A_535 : i32 to index
        %get3A_537 = arith.index_cast %scan3A_321 : i32 to index
        %get3A_538 = arith.constant 224 : index
        %get3A_539 = tpu.vector_load %arg8[%get3A_536, %get3A_537, %get3A_538] {strides = array<i32>} : memref<4x16x512xf32, #tpu.memory_space<vmem>>, vector<1x1x16xf32>,
        %get3A_540 = vector.shape_cast %get3A_539 : vector<1x1x16xf32> to vector<16xf32>
        %get3A_541 = arith.constant 1 : i32
        %get3A_542 = arith.index_cast %get3A_541 : i32 to index
        %get3A_543 = arith.index_cast %scan3A_321 : i32 to index
        %get3A_544 = arith.constant 224 : index
        %get3A_545 = tpu.vector_load %arg7[%get3A_542, %get3A_543, %get3A_544] {strides = array<i32>} : memref<4x16x512xf32, #tpu.memory_space<vmem>>, vector<1x1x16xf32>,
        %get3A_546 = vector.shape_cast %get3A_545 : vector<1x1x16xf32> to vector<16xf32>
        %sub3A_547 = arith.subf %get3A_540, %get3A_546 : vector<16xf32>
        %mul3A_548 = arith.mulf %sub3A_547, %sub3A_547 : vector<16xf32>
        %add3A_549 = arith.addf %add3A_489, %mul3A_548 : vector<16xf32>
        %get3A_550 = arith.constant 1 : i32
        %get3A_551 = arith.index_cast %get3A_550 : i32 to index
        %get3A_552 = arith.index_cast %scan3A_321 : i32 to index
        %get3A_553 = arith.constant 240 : index
        %get3A_554 = tpu.vector_load %arg8[%get3A_551, %get3A_552, %get3A_553] {strides = array<i32>} : memref<4x16x512xf32, #tpu.memory_space<vmem>>, vector<1x1x16xf32>,
        %get3A_555 = vector.shape_cast %get3A_554 : vector<1x1x16xf32> to vector<16xf32>
        %get3A_556 = arith.constant 1 : i32
        %get3A_557 = arith.index_cast %get3A_556 : i32 to index
        %get3A_558 = arith.index_cast %scan3A_321 : i32 to index
        %get3A_559 = arith.constant 240 : index
        %get3A_560 = tpu.vector_load %arg7[%get3A_557, %get3A_558, %get3A_559] {strides = array<i32>} : memref<4x16x512xf32, #tpu.memory_space<vmem>>, vector<1x1x16xf32>,
        %get3A_561 = vector.shape_cast %get3A_560 : vector<1x1x16xf32> to vector<16xf32>
        %sub3A_562 = arith.subf %get3A_555, %get3A_561 : vector<16xf32>
        %mul3A_563 = arith.mulf %sub3A_562, %sub3A_562 : vector<16xf32>
        %add3A_564 = arith.addf %add3A_504, %mul3A_563 : vector<16xf32>
        %get3A_565 = arith.constant 1 : i32
        %get3A_566 = arith.index_cast %get3A_565 : i32 to index
        %get3A_567 = arith.index_cast %scan3A_321 : i32 to index
        %get3A_568 = arith.constant 256 : index
        %get3A_569 = tpu.vector_load %arg8[%get3A_566, %get3A_567, %get3A_568] {strides = array<i32>} : memref<4x16x512xf32, #tpu.memory_space<vmem>>, vector<1x1x16xf32>,
        %get3A_570 = vector.shape_cast %get3A_569 : vector<1x1x16xf32> to vector<16xf32>
        %get3A_571 = arith.constant 1 : i32
        %get3A_572 = arith.index_cast %get3A_571 : i32 to index
        %get3A_573 = arith.index_cast %scan3A_321 : i32 to index
        %get3A_574 = arith.constant 256 : index
        %get3A_575 = tpu.vector_load %arg7[%get3A_572, %get3A_573, %get3A_574] {strides = array<i32>} : memref<4x16x512xf32, #tpu.memory_space<vmem>>, vector<1x1x16xf32>,
        %get3A_576 = vector.shape_cast %get3A_575 : vector<1x1x16xf32> to vector<16xf32>
        %sub3A_577 = arith.subf %get3A_570, %get3A_576 : vector<16xf32>
        %mul3A_578 = arith.mulf %sub3A_577, %sub3A_577 : vector<16xf32>
        %add3A_579 = arith.addf %add3A_519, %mul3A_578 : vector<16xf32>
        %get3A_580 = arith.constant 1 : i32
        %get3A_581 = arith.index_cast %get3A_580 : i32 to index
        %get3A_582 = arith.index_cast %scan3A_321 : i32 to index
        %get3A_583 = arith.constant 272 : index
        %get3A_584 = tpu.vector_load %arg8[%get3A_581, %get3A_582, %get3A_583] {strides = array<i32>} : memref<4x16x512xf32, #tpu.memory_space<vmem>>, vector<1x1x16xf32>,
        %get3A_585 = vector.shape_cast %get3A_584 : vector<1x1x16xf32> to vector<16xf32>
        %get3A_586 = arith.constant 1 : i32
        %get3A_587 = arith.index_cast %get3A_586 : i32 to index
        %get3A_588 = arith.index_cast %scan3A_321 : i32 to index
        %get3A_589 = arith.constant 272 : index
        %get3A_590 = tpu.vector_load %arg7[%get3A_587, %get3A_588, %get3A_589] {strides = array<i32>} : memref<4x16x512xf32, #tpu.memory_space<vmem>>, vector<1x1x16xf32>,
        %get3A_591 = vector.shape_cast %get3A_590 : vector<1x1x16xf32> to vector<16xf32>
        %sub3A_592 = arith.subf %get3A_585, %get3A_591 : vector<16xf32>
        %mul3A_593 = arith.mulf %sub3A_592, %sub3A_592 : vector<16xf32>
        %add3A_594 = arith.addf %add3A_534, %mul3A_593 : vector<16xf32>
        %get3A_595 = arith.constant 1 : i32
        %get3A_596 = arith.index_cast %get3A_595 : i32 to index
        %get3A_597 = arith.index_cast %scan3A_321 : i32 to index
        %get3A_598 = arith.constant 288 : index
        %get3A_599 = tpu.vector_load %arg8[%get3A_596, %get3A_597, %get3A_598] {strides = array<i32>} : memref<4x16x512xf32, #tpu.memory_space<vmem>>, vector<1x1x16xf32>,
        %get3A_600 = vector.shape_cast %get3A_599 : vector<1x1x16xf32> to vector<16xf32>
        %get3A_601 = arith.constant 1 : i32
        %get3A_602 = arith.index_cast %get3A_601 : i32 to index
        %get3A_603 = arith.index_cast %scan3A_321 : i32 to index
        %get3A_604 = arith.constant 288 : index
        %get3A_605 = tpu.vector_load %arg7[%get3A_602, %get3A_603, %get3A_604] {strides = array<i32>} : memref<4x16x512xf32, #tpu.memory_space<vmem>>, vector<1x1x16xf32>,
        %get3A_606 = vector.shape_cast %get3A_605 : vector<1x1x16xf32> to vector<16xf32>
        %sub3A_607 = arith.subf %get3A_600, %get3A_606 : vector<16xf32>
        %mul3A_608 = arith.mulf %sub3A_607, %sub3A_607 : vector<16xf32>
        %add3A_609 = arith.addf %add3A_549, %mul3A_608 : vector<16xf32>
        %get3A_610 = arith.constant 1 : i32
        %get3A_611 = arith.index_cast %get3A_610 : i32 to index
        %get3A_612 = arith.index_cast %scan3A_321 : i32 to index
        %get3A_613 = arith.constant 304 : index
        %get3A_614 = tpu.vector_load %arg8[%get3A_611, %get3A_612, %get3A_613] {strides = array<i32>} : memref<4x16x512xf32, #tpu.memory_space<vmem>>, vector<1x1x16xf32>,
        %get3A_615 = vector.shape_cast %get3A_614 : vector<1x1x16xf32> to vector<16xf32>
        %get3A_616 = arith.constant 1 : i32
        %get3A_617 = arith.index_cast %get3A_616 : i32 to index
        %get3A_618 = arith.index_cast %scan3A_321 : i32 to index
        %get3A_619 = arith.constant 304 : index
        %get3A_620 = tpu.vector_load %arg7[%get3A_617, %get3A_618, %get3A_619] {strides = array<i32>} : memref<4x16x512xf32, #tpu.memory_space<vmem>>, vector<1x1x16xf32>,
        %get3A_621 = vector.shape_cast %get3A_620 : vector<1x1x16xf32> to vector<16xf32>
        %sub3A_622 = arith.subf %get3A_615, %get3A_621 : vector<16xf32>
        %mul3A_623 = arith.mulf %sub3A_622, %sub3A_622 : vector<16xf32>
        %add3A_624 = arith.addf %add3A_564, %mul3A_623 : vector<16xf32>
        %get3A_625 = arith.constant 1 : i32
        %get3A_626 = arith.index_cast %get3A_625 : i32 to index
        %get3A_627 = arith.index_cast %scan3A_321 : i32 to index
        %get3A_628 = arith.constant 320 : index
        %get3A_629 = tpu.vector_load %arg8[%get3A_626, %get3A_627, %get3A_628] {strides = array<i32>} : memref<4x16x512xf32, #tpu.memory_space<vmem>>, vector<1x1x16xf32>,
        %get3A_630 = vector.shape_cast %get3A_629 : vector<1x1x16xf32> to vector<16xf32>
        %get3A_631 = arith.constant 1 : i32
        %get3A_632 = arith.index_cast %get3A_631 : i32 to index
        %get3A_633 = arith.index_cast %scan3A_321 : i32 to index
        %get3A_634 = arith.constant 320 : index
        %get3A_635 = tpu.vector_load %arg7[%get3A_632, %get3A_633, %get3A_634] {strides = array<i32>} : memref<4x16x512xf32, #tpu.memory_space<vmem>>, vector<1x1x16xf32>,
        %get3A_636 = vector.shape_cast %get3A_635 : vector<1x1x16xf32> to vector<16xf32>
        %sub3A_637 = arith.subf %get3A_630, %get3A_636 : vector<16xf32>
        %mul3A_638 = arith.mulf %sub3A_637, %sub3A_637 : vector<16xf32>
        %add3A_639 = arith.addf %add3A_579, %mul3A_638 : vector<16xf32>
        %get3A_640 = arith.constant 1 : i32
        %get3A_641 = arith.index_cast %get3A_640 : i32 to index
        %get3A_642 = arith.index_cast %scan3A_321 : i32 to index
        %get3A_643 = arith.constant 336 : index
        %get3A_644 = tpu.vector_load %arg8[%get3A_641, %get3A_642, %get3A_643] {strides = array<i32>} : memref<4x16x512xf32, #tpu.memory_space<vmem>>, vector<1x1x16xf32>,
        %get3A_645 = vector.shape_cast %get3A_644 : vector<1x1x16xf32> to vector<16xf32>
        %get3A_646 = arith.constant 1 : i32
        %get3A_647 = arith.index_cast %get3A_646 : i32 to index
        %get3A_648 = arith.index_cast %scan3A_321 : i32 to index
        %get3A_649 = arith.constant 336 : index
        %get3A_650 = tpu.vector_load %arg7[%get3A_647, %get3A_648, %get3A_649] {strides = array<i32>} : memref<4x16x512xf32, #tpu.memory_space<vmem>>, vector<1x1x16xf32>,
        %get3A_651 = vector.shape_cast %get3A_650 : vector<1x1x16xf32> to vector<16xf32>
        %sub3A_652 = arith.subf %get3A_645, %get3A_651 : vector<16xf32>
        %mul3A_653 = arith.mulf %sub3A_652, %sub3A_652 : vector<16xf32>
        %add3A_654 = arith.addf %add3A_594, %mul3A_653 : vector<16xf32>
        %get3A_655 = arith.constant 1 : i32
        %get3A_656 = arith.index_cast %get3A_655 : i32 to index
        %get3A_657 = arith.index_cast %scan3A_321 : i32 to index
        %get3A_658 = arith.constant 352 : index
        %get3A_659 = tpu.vector_load %arg8[%get3A_656, %get3A_657, %get3A_658] {strides = array<i32>} : memref<4x16x512xf32, #tpu.memory_space<vmem>>, vector<1x1x16xf32>,
        %get3A_660 = vector.shape_cast %get3A_659 : vector<1x1x16xf32> to vector<16xf32>
        %get3A_661 = arith.constant 1 : i32
        %get3A_662 = arith.index_cast %get3A_661 : i32 to index
        %get3A_663 = arith.index_cast %scan3A_321 : i32 to index
        %get3A_664 = arith.constant 352 : index
        %get3A_665 = tpu.vector_load %arg7[%get3A_662, %get3A_663, %get3A_664] {strides = array<i32>} : memref<4x16x512xf32, #tpu.memory_space<vmem>>, vector<1x1x16xf32>,
        %get3A_666 = vector.shape_cast %get3A_665 : vector<1x1x16xf32> to vector<16xf32>
        %sub3A_667 = arith.subf %get3A_660, %get3A_666 : vector<16xf32>
        %mul3A_668 = arith.mulf %sub3A_667, %sub3A_667 : vector<16xf32>
        %add3A_669 = arith.addf %add3A_609, %mul3A_668 : vector<16xf32>
        %get3A_670 = arith.constant 1 : i32
        %get3A_671 = arith.index_cast %get3A_670 : i32 to index
        %get3A_672 = arith.index_cast %scan3A_321 : i32 to index
        %get3A_673 = arith.constant 368 : index
        %get3A_674 = tpu.vector_load %arg8[%get3A_671, %get3A_672, %get3A_673] {strides = array<i32>} : memref<4x16x512xf32, #tpu.memory_space<vmem>>, vector<1x1x16xf32>,
        %get3A_675 = vector.shape_cast %get3A_674 : vector<1x1x16xf32> to vector<16xf32>
        %get3A_676 = arith.constant 1 : i32
        %get3A_677 = arith.index_cast %get3A_676 : i32 to index
        %get3A_678 = arith.index_cast %scan3A_321 : i32 to index
        %get3A_679 = arith.constant 368 : index
        %get3A_680 = tpu.vector_load %arg7[%get3A_677, %get3A_678, %get3A_679] {strides = array<i32>} : memref<4x16x512xf32, #tpu.memory_space<vmem>>, vector<1x1x16xf32>,
        %get3A_681 = vector.shape_cast %get3A_680 : vector<1x1x16xf32> to vector<16xf32>
        %sub3A_682 = arith.subf %get3A_675, %get3A_681 : vector<16xf32>
        %mul3A_683 = arith.mulf %sub3A_682, %sub3A_682 : vector<16xf32>
        %add3A_684 = arith.addf %add3A_624, %mul3A_683 : vector<16xf32>
        %get3A_685 = arith.constant 1 : i32
        %get3A_686 = arith.index_cast %get3A_685 : i32 to index
        %get3A_687 = arith.index_cast %scan3A_321 : i32 to index
        %get3A_688 = arith.constant 384 : index
        %get3A_689 = tpu.vector_load %arg8[%get3A_686, %get3A_687, %get3A_688] {strides = array<i32>} : memref<4x16x512xf32, #tpu.memory_space<vmem>>, vector<1x1x16xf32>,
        %get3A_690 = vector.shape_cast %get3A_689 : vector<1x1x16xf32> to vector<16xf32>
        %get3A_691 = arith.constant 1 : i32
        %get3A_692 = arith.index_cast %get3A_691 : i32 to index
        %get3A_693 = arith.index_cast %scan3A_321 : i32 to index
        %get3A_694 = arith.constant 384 : index
        %get3A_695 = tpu.vector_load %arg7[%get3A_692, %get3A_693, %get3A_694] {strides = array<i32>} : memref<4x16x512xf32, #tpu.memory_space<vmem>>, vector<1x1x16xf32>,
        %get3A_696 = vector.shape_cast %get3A_695 : vector<1x1x16xf32> to vector<16xf32>
        %sub3A_697 = arith.subf %get3A_690, %get3A_696 : vector<16xf32>
        %mul3A_698 = arith.mulf %sub3A_697, %sub3A_697 : vector<16xf32>
        %add3A_699 = arith.addf %add3A_639, %mul3A_698 : vector<16xf32>
        %get3A_700 = arith.constant 1 : i32
        %get3A_701 = arith.index_cast %get3A_700 : i32 to index
        %get3A_702 = arith.index_cast %scan3A_321 : i32 to index
        %get3A_703 = arith.constant 400 : index
        %get3A_704 = tpu.vector_load %arg8[%get3A_701, %get3A_702, %get3A_703] {strides = array<i32>} : memref<4x16x512xf32, #tpu.memory_space<vmem>>, vector<1x1x16xf32>,
        %get3A_705 = vector.shape_cast %get3A_704 : vector<1x1x16xf32> to vector<16xf32>
        %get3A_706 = arith.constant 1 : i32
        %get3A_707 = arith.index_cast %get3A_706 : i32 to index
        %get3A_708 = arith.index_cast %scan3A_321 : i32 to index
        %get3A_709 = arith.constant 400 : index
        %get3A_710 = tpu.vector_load %arg7[%get3A_707, %get3A_708, %get3A_709] {strides = array<i32>} : memref<4x16x512xf32, #tpu.memory_space<vmem>>, vector<1x1x16xf32>,
        %get3A_711 = vector.shape_cast %get3A_710 : vector<1x1x16xf32> to vector<16xf32>
        %sub3A_712 = arith.subf %get3A_705, %get3A_711 : vector<16xf32>
        %mul3A_713 = arith.mulf %sub3A_712, %sub3A_712 : vector<16xf32>
        %add3A_714 = arith.addf %add3A_654, %mul3A_713 : vector<16xf32>
        %get3A_715 = arith.constant 1 : i32
        %get3A_716 = arith.index_cast %get3A_715 : i32 to index
        %get3A_717 = arith.index_cast %scan3A_321 : i32 to index
        %get3A_718 = arith.constant 416 : index
        %get3A_719 = tpu.vector_load %arg8[%get3A_716, %get3A_717, %get3A_718] {strides = array<i32>} : memref<4x16x512xf32, #tpu.memory_space<vmem>>, vector<1x1x16xf32>,
        %get3A_720 = vector.shape_cast %get3A_719 : vector<1x1x16xf32> to vector<16xf32>
        %get3A_721 = arith.constant 1 : i32
        %get3A_722 = arith.index_cast %get3A_721 : i32 to index
        %get3A_723 = arith.index_cast %scan3A_321 : i32 to index
        %get3A_724 = arith.constant 416 : index
        %get3A_725 = tpu.vector_load %arg7[%get3A_722, %get3A_723, %get3A_724] {strides = array<i32>} : memref<4x16x512xf32, #tpu.memory_space<vmem>>, vector<1x1x16xf32>,
        %get3A_726 = vector.shape_cast %get3A_725 : vector<1x1x16xf32> to vector<16xf32>
        %sub3A_727 = arith.subf %get3A_720, %get3A_726 : vector<16xf32>
        %mul3A_728 = arith.mulf %sub3A_727, %sub3A_727 : vector<16xf32>
        %add3A_729 = arith.addf %add3A_669, %mul3A_728 : vector<16xf32>
        %get3A_730 = arith.constant 1 : i32
        %get3A_731 = arith.index_cast %get3A_730 : i32 to index
        %get3A_732 = arith.index_cast %scan3A_321 : i32 to index
        %get3A_733 = arith.constant 432 : index
        %get3A_734 = tpu.vector_load %arg8[%get3A_731, %get3A_732, %get3A_733] {strides = array<i32>} : memref<4x16x512xf32, #tpu.memory_space<vmem>>, vector<1x1x16xf32>,
        %get3A_735 = vector.shape_cast %get3A_734 : vector<1x1x16xf32> to vector<16xf32>
        %get3A_736 = arith.constant 1 : i32
        %get3A_737 = arith.index_cast %get3A_736 : i32 to index
        %get3A_738 = arith.index_cast %scan3A_321 : i32 to index
        %get3A_739 = arith.constant 432 : index
        %get3A_740 = tpu.vector_load %arg7[%get3A_737, %get3A_738, %get3A_739] {strides = array<i32>} : memref<4x16x512xf32, #tpu.memory_space<vmem>>, vector<1x1x16xf32>,
        %get3A_741 = vector.shape_cast %get3A_740 : vector<1x1x16xf32> to vector<16xf32>
        %sub3A_742 = arith.subf %get3A_735, %get3A_741 : vector<16xf32>
        %mul3A_743 = arith.mulf %sub3A_742, %sub3A_742 : vector<16xf32>
        %add3A_744 = arith.addf %add3A_684, %mul3A_743 : vector<16xf32>
        %get3A_745 = arith.constant 1 : i32
        %get3A_746 = arith.index_cast %get3A_745 : i32 to index
        %get3A_747 = arith.index_cast %scan3A_321 : i32 to index
        %get3A_748 = arith.constant 448 : index
        %get3A_749 = tpu.vector_load %arg8[%get3A_746, %get3A_747, %get3A_748] {strides = array<i32>} : memref<4x16x512xf32, #tpu.memory_space<vmem>>, vector<1x1x16xf32>,
        %get3A_750 = vector.shape_cast %get3A_749 : vector<1x1x16xf32> to vector<16xf32>
        %get3A_751 = arith.constant 1 : i32
        %get3A_752 = arith.index_cast %get3A_751 : i32 to index
        %get3A_753 = arith.index_cast %scan3A_321 : i32 to index
        %get3A_754 = arith.constant 448 : index
        %get3A_755 = tpu.vector_load %arg7[%get3A_752, %get3A_753, %get3A_754] {strides = array<i32>} : memref<4x16x512xf32, #tpu.memory_space<vmem>>, vector<1x1x16xf32>,
        %get3A_756 = vector.shape_cast %get3A_755 : vector<1x1x16xf32> to vector<16xf32>
        %sub3A_757 = arith.subf %get3A_750, %get3A_756 : vector<16xf32>
        %mul3A_758 = arith.mulf %sub3A_757, %sub3A_757 : vector<16xf32>
        %add3A_759 = arith.addf %add3A_699, %mul3A_758 : vector<16xf32>
        %get3A_760 = arith.constant 1 : i32
        %get3A_761 = arith.index_cast %get3A_760 : i32 to index
        %get3A_762 = arith.index_cast %scan3A_321 : i32 to index
        %get3A_763 = arith.constant 464 : index
        %get3A_764 = tpu.vector_load %arg8[%get3A_761, %get3A_762, %get3A_763] {strides = array<i32>} : memref<4x16x512xf32, #tpu.memory_space<vmem>>, vector<1x1x16xf32>,
        %get3A_765 = vector.shape_cast %get3A_764 : vector<1x1x16xf32> to vector<16xf32>
        %get3A_766 = arith.constant 1 : i32
        %get3A_767 = arith.index_cast %get3A_766 : i32 to index
        %get3A_768 = arith.index_cast %scan3A_321 : i32 to index
        %get3A_769 = arith.constant 464 : index
        %get3A_770 = tpu.vector_load %arg7[%get3A_767, %get3A_768, %get3A_769] {strides = array<i32>} : memref<4x16x512xf32, #tpu.memory_space<vmem>>, vector<1x1x16xf32>,
        %get3A_771 = vector.shape_cast %get3A_770 : vector<1x1x16xf32> to vector<16xf32>
        %sub3A_772 = arith.subf %get3A_765, %get3A_771 : vector<16xf32>
        %mul3A_773 = arith.mulf %sub3A_772, %sub3A_772 : vector<16xf32>
        %add3A_774 = arith.addf %add3A_714, %mul3A_773 : vector<16xf32>
        %get3A_775 = arith.constant 1 : i32
        %get3A_776 = arith.index_cast %get3A_775 : i32 to index
        %get3A_777 = arith.index_cast %scan3A_321 : i32 to index
        %get3A_778 = arith.constant 480 : index
        %get3A_779 = tpu.vector_load %arg8[%get3A_776, %get3A_777, %get3A_778] {strides = array<i32>} : memref<4x16x512xf32, #tpu.memory_space<vmem>>, vector<1x1x16xf32>,
        %get3A_780 = vector.shape_cast %get3A_779 : vector<1x1x16xf32> to vector<16xf32>
        %get3A_781 = arith.constant 1 : i32
        %get3A_782 = arith.index_cast %get3A_781 : i32 to index
        %get3A_783 = arith.index_cast %scan3A_321 : i32 to index
        %get3A_784 = arith.constant 480 : index
        %get3A_785 = tpu.vector_load %arg7[%get3A_782, %get3A_783, %get3A_784] {strides = array<i32>} : memref<4x16x512xf32, #tpu.memory_space<vmem>>, vector<1x1x16xf32>,
        %get3A_786 = vector.shape_cast %get3A_785 : vector<1x1x16xf32> to vector<16xf32>
        %sub3A_787 = arith.subf %get3A_780, %get3A_786 : vector<16xf32>
        %mul3A_788 = arith.mulf %sub3A_787, %sub3A_787 : vector<16xf32>
        %add3A_789 = arith.addf %add3A_729, %mul3A_788 : vector<16xf32>
        %get3A_790 = arith.constant 1 : i32
        %get3A_791 = arith.index_cast %get3A_790 : i32 to index
        %get3A_792 = arith.index_cast %scan3A_321 : i32 to index
        %get3A_793 = arith.constant 496 : index
        %get3A_794 = tpu.vector_load %arg8[%get3A_791, %get3A_792, %get3A_793] {strides = array<i32>} : memref<4x16x512xf32, #tpu.memory_space<vmem>>, vector<1x1x16xf32>,
        %get3A_795 = vector.shape_cast %get3A_794 : vector<1x1x16xf32> to vector<16xf32>
        %get3A_796 = arith.constant 1 : i32
        %get3A_797 = arith.index_cast %get3A_796 : i32 to index
        %get3A_798 = arith.index_cast %scan3A_321 : i32 to index
        %get3A_799 = arith.constant 496 : index
        %get3A_800 = tpu.vector_load %arg7[%get3A_797, %get3A_798, %get3A_799] {strides = array<i32>} : memref<4x16x512xf32, #tpu.memory_space<vmem>>, vector<1x1x16xf32>,
        %get3A_801 = vector.shape_cast %get3A_800 : vector<1x1x16xf32> to vector<16xf32>
        %sub3A_802 = arith.subf %get3A_795, %get3A_801 : vector<16xf32>
        %mul3A_803 = arith.mulf %sub3A_802, %sub3A_802 : vector<16xf32>
        %add3A_804 = arith.addf %add3A_744, %mul3A_803 : vector<16xf32>
        scf.yield %add3A_759, %add3A_774, %add3A_789, %add3A_804 : vector<16xf32>, vector<16xf32>, vector<16xf32>, vector<16xf32>
      }
      %scan3A_208 = arith.constant 16 : i32
      %add3A_209 = arith.constant 2 : i32
      %add3A_210 = arith.addi %mul3A_101, %add3A_209 : i32
      %add3A_211 = arith.constant 4 : i32
      %add3A_212 = arith.addi %add3A_210, %add3A_211 : i32
      %sub3A_213 = arith.constant 1 : i32
      %sub3A_214 = arith.subi %add3A_212, %sub3A_213 : i32
      %add3A_215 = arith.constant 4 : i32
      %add3A_216 = arith.addi %add3A_210, %add3A_215 : i32
      %sub3A_217 = arith.constant 1 : i32
      %sub3A_218 = arith.subi %add3A_216, %sub3A_217 : i32
      %lt3A_219 = arith.constant 32 : i32
      %lt3A_220 = arith.cmpi slt, %sub3A_214, %lt3A_219 : i32
      %convert_element_type3A_221 = arith.extui %lt3A_220 : i1 to i32
      %cond3A_222 = arith.constant 0 : i32
      %cond3A_223 = arith.cmpi ne, %convert_element_type3A_221, %cond3A_222 : i32
      scf.if %cond3A_223 {
        %mul3A_321 = arith.constant 16 : i32
        %mul3A_322 = arith.muli %sub3A_214, %mul3A_321 : i32
        %multiple_of3A_323 = tpu.assume_multiple %mul3A_322, 16 : i32
        %dma_start3A_324 = arith.constant 1 : i32
        %dma_start3A_325 = arith.constant 0 : i32
        %dma_start3A_326 = arith.constant 0 : i32
        %dma_start3A_327 = tpu.memref_slice %arg7[%dma_start3A_324, %dma_start3A_325, %dma_start3A_326] : memref<4x16x512xf32, #tpu.memory_space<vmem>> -> memref<1x16x512xf32, #tpu.memory_space<vmem>>
        %dma_start3A_328 = tpu.memref_squeeze %dma_start3A_327 : memref<1x16x512xf32, #tpu.memory_space<vmem>> -> memref<16x512xf32, #tpu.memory_space<vmem>>
        %dma_start3A_329 = tpu.memref_slice %arg6[%multiple_of3A_323] : memref<512xi32, #tpu.memory_space<vmem>> -> memref<16xi32, #tpu.memory_space<vmem>>
        %dma_start3A_330 = arith.constant 0 : i32
        %dma_start3A_331 = arith.constant 0 : i32
        %dma_start3A_332 = tpu.memref_slice %arg4[%dma_start3A_330, %dma_start3A_331] : memref<10000x512xf32, #tpu.memory_space<hbm>> -> memref<10000x512xf32, #tpu.memory_space<hbm>>
        tpu.enqueue_indirect_dma source(%dma_start3A_332 : memref<10000x512xf32, #tpu.memory_space<hbm>>) target(%dma_start3A_328 : memref<16x512xf32, #tpu.memory_space<vmem>>) offsets(%dma_start3A_329 : memref<16xi32, #tpu.memory_space<vmem>>) semaphore(%arg11 : memref<!tpu.dma_semaphore, #tpu.memory_space<semaphore_mem>>)
      } else {
      }
      %lt3A_224 = arith.constant 32 : i32
      %lt3A_225 = arith.cmpi slt, %sub3A_218, %lt3A_224 : i32
      %convert_element_type3A_226 = arith.extui %lt3A_225 : i1 to i32
      %cond3A_227 = arith.constant 0 : i32
      %cond3A_228 = arith.cmpi ne, %convert_element_type3A_226, %cond3A_227 : i32
      scf.if %cond3A_228 {
        %mul3A_321 = arith.constant 16 : i32
        %mul3A_322 = arith.muli %sub3A_218, %mul3A_321 : i32
        %multiple_of3A_323 = tpu.assume_multiple %mul3A_322, 16 : i32
        %add3A_324 = arith.addi %multiple_of3A, %multiple_of3A_323 : i32
        %dma_start3A_325 = arith.constant 1 : i32
        %dma_start3A_326 = arith.constant 0 : i32
        %dma_start3A_327 = arith.constant 0 : i32
        %dma_start3A_328 = tpu.memref_slice %arg8[%dma_start3A_325, %dma_start3A_326, %dma_start3A_327] : memref<4x16x512xf32, #tpu.memory_space<vmem>> -> memref<1x16x512xf32, #tpu.memory_space<vmem>>
        %dma_start3A_329 = tpu.memref_squeeze %dma_start3A_328 : memref<1x16x512xf32, #tpu.memory_space<vmem>> -> memref<16x512xf32, #tpu.memory_space<vmem>>
        %dma_start3A_330 = arith.constant 0 : i32
        %dma_start3A_331 = tpu.memref_slice %arg2[%add3A_324, %dma_start3A_330] : memref<16384x512xf32, #tpu.memory_space<hbm>> -> memref<16x512xf32, #tpu.memory_space<hbm>>
        %dma_start3A_332 = arith.constant 0 : i32
        %dma_start3A_333 = arith.constant 0 : i32
        %dma_start3A_334 = tpu.memref_slice %arg8[%dma_start3A_325, %dma_start3A_332, %dma_start3A_333] : memref<4x16x512xf32, #tpu.memory_space<vmem>> -> memref<1x16x512xf32, #tpu.memory_space<vmem>>
        %dma_start3A_335 = tpu.memref_squeeze %dma_start3A_334 : memref<1x16x512xf32, #tpu.memory_space<vmem>> -> memref<16x512xf32, #tpu.memory_space<vmem>>
        %dma_start3A_336 = arith.constant 0 : i32
        %dma_start3A_337 = tpu.memref_slice %arg2[%add3A_324, %dma_start3A_336] : memref<16384x512xf32, #tpu.memory_space<hbm>> -> memref<16x512xf32, #tpu.memory_space<hbm>>
        tpu.enqueue_dma source(%dma_start3A_337 : memref<16x512xf32, #tpu.memory_space<hbm>>) target(%dma_start3A_335 : memref<16x512xf32, #tpu.memory_space<vmem>>) target_semaphore(%arg15 : memref<!tpu.dma_semaphore, #tpu.memory_space<semaphore_mem>>)
      } else {
      }
      %dma_wait3A_229 = arith.constant 2 : i32
      %dma_wait3A_230 = arith.constant 0 : i32
      %dma_wait3A_231 = arith.constant 0 : i32
      %dma_wait3A_232 = tpu.memref_slice %arg7[%dma_wait3A_229, %dma_wait3A_230, %dma_wait3A_231] : memref<4x16x512xf32, #tpu.memory_space<vmem>> -> memref<1x16x512xf32, #tpu.memory_space<vmem>>
      %dma_wait3A_233 = tpu.memref_squeeze %dma_wait3A_232 : memref<1x16x512xf32, #tpu.memory_space<vmem>> -> memref<16x512xf32, #tpu.memory_space<vmem>>
      %dma_wait3A_234 = arith.constant 0 : i32
      %dma_wait3A_235 = arith.constant 0 : i32
      %dma_wait3A_236 = tpu.memref_slice %arg4[%dma_wait3A_234, %dma_wait3A_235] : memref<10000x512xf32, #tpu.memory_space<hbm>> -> memref<16x512xf32, #tpu.memory_space<hbm>>
      %dma_wait3A_237 = arith.constant 0 : i32
      %dma_wait3A_238 = arith.constant 0 : i32
      %dma_wait3A_239 = tpu.memref_slice %arg7[%dma_wait3A_229, %dma_wait3A_237, %dma_wait3A_238] : memref<4x16x512xf32, #tpu.memory_space<vmem>> -> memref<1x16x512xf32, #tpu.memory_space<vmem>>
      %dma_wait3A_240 = tpu.memref_squeeze %dma_wait3A_239 : memref<1x16x512xf32, #tpu.memory_space<vmem>> -> memref<16x512xf32, #tpu.memory_space<vmem>>
      %dma_wait3A_241 = arith.constant 0 : i32
      %dma_wait3A_242 = arith.constant 0 : i32
      %dma_wait3A_243 = tpu.memref_slice %arg4[%dma_wait3A_241, %dma_wait3A_242] : memref<10000x512xf32, #tpu.memory_space<hbm>> -> memref<16x512xf32, #tpu.memory_space<hbm>>
      tpu.wait_dma2 semaphore(%arg12 : memref<!tpu.dma_semaphore, #tpu.memory_space<semaphore_mem>>) src(%dma_wait3A_243 : memref<16x512xf32, #tpu.memory_space<hbm>>) dst(%dma_wait3A_240 : memref<16x512xf32, #tpu.memory_space<vmem>>)
      %dma_wait3A_244 = arith.constant 2 : i32
      %dma_wait3A_245 = arith.constant 0 : i32
      %dma_wait3A_246 = arith.constant 0 : i32
      %dma_wait3A_247 = tpu.memref_slice %arg8[%dma_wait3A_244, %dma_wait3A_245, %dma_wait3A_246] : memref<4x16x512xf32, #tpu.memory_space<vmem>> -> memref<1x16x512xf32, #tpu.memory_space<vmem>>
      %dma_wait3A_248 = tpu.memref_squeeze %dma_wait3A_247 : memref<1x16x512xf32, #tpu.memory_space<vmem>> -> memref<16x512xf32, #tpu.memory_space<vmem>>
      %dma_wait3A_249 = arith.constant 0 : i32
      %dma_wait3A_250 = arith.constant 0 : i32
      %dma_wait3A_251 = tpu.memref_slice %arg2[%dma_wait3A_249, %dma_wait3A_250] : memref<16384x512xf32, #tpu.memory_space<hbm>> -> memref<16x512xf32, #tpu.memory_space<hbm>>
      %dma_wait3A_252 = arith.constant 0 : i32
      %dma_wait3A_253 = arith.constant 0 : i32
      %dma_wait3A_254 = tpu.memref_slice %arg8[%dma_wait3A_244, %dma_wait3A_252, %dma_wait3A_253] : memref<4x16x512xf32, #tpu.memory_space<vmem>> -> memref<1x16x512xf32, #tpu.memory_space<vmem>>
      %dma_wait3A_255 = tpu.memref_squeeze %dma_wait3A_254 : memref<1x16x512xf32, #tpu.memory_space<vmem>> -> memref<16x512xf32, #tpu.memory_space<vmem>>
      %dma_wait3A_256 = arith.constant 0 : i32
      %dma_wait3A_257 = arith.constant 0 : i32
      %dma_wait3A_258 = tpu.memref_slice %arg2[%dma_wait3A_256, %dma_wait3A_257] : memref<16384x512xf32, #tpu.memory_space<hbm>> -> memref<16x512xf32, #tpu.memory_space<hbm>>
      tpu.wait_dma2 semaphore(%arg16 : memref<!tpu.dma_semaphore, #tpu.memory_space<semaphore_mem>>) src(%dma_wait3A_258 : memref<16x512xf32, #tpu.memory_space<hbm>>) dst(%dma_wait3A_255 : memref<16x512xf32, #tpu.memory_space<vmem>>)
      %scan3A_259 = arith.constant 0 : i32
      %scan3A_260 = arith.constant 16 : i32
      %scan3A_261 = arith.addi %scan3A_259, %scan3A_260 : i32
      %scan3A_262 = arith.constant 1 : i32
      %scan3A_263:4 = scf.for %scan3A_321 = %scan3A_259 to %scan3A_261 step %scan3A_262 iter_args(%scan3A_322 = %scan3A_207#0, %scan3A_323 = %scan3A_207#1, %scan3A_324 = %scan3A_207#2, %scan3A_325 = %scan3A_207#3) -> (vector<16xf32>, vector<16xf32>, vector<16xf32>, vector<16xf32>)  : i32 {
        %get3A = arith.constant 2 : i32
        %get3A_326 = arith.index_cast %get3A : i32 to index
        %get3A_327 = arith.index_cast %scan3A_321 : i32 to index
        %get3A_328 = arith.constant 0 : index
        %get3A_329 = tpu.vector_load %arg8[%get3A_326, %get3A_327, %get3A_328] {strides = array<i32>} : memref<4x16x512xf32, #tpu.memory_space<vmem>>, vector<1x1x16xf32>,
        %get3A_330 = vector.shape_cast %get3A_329 : vector<1x1x16xf32> to vector<16xf32>
        %get3A_331 = arith.constant 2 : i32
        %get3A_332 = arith.index_cast %get3A_331 : i32 to index
        %get3A_333 = arith.index_cast %scan3A_321 : i32 to index
        %get3A_334 = arith.constant 0 : index
        %get3A_335 = tpu.vector_load %arg7[%get3A_332, %get3A_333, %get3A_334] {strides = array<i32>} : memref<4x16x512xf32, #tpu.memory_space<vmem>>, vector<1x1x16xf32>,
        %get3A_336 = vector.shape_cast %get3A_335 : vector<1x1x16xf32> to vector<16xf32>
        %sub3A_337 = arith.subf %get3A_330, %get3A_336 : vector<16xf32>
        %mul3A_338 = arith.mulf %sub3A_337, %sub3A_337 : vector<16xf32>
        %add3A_339 = arith.addf %scan3A_322, %mul3A_338 : vector<16xf32>
        %get3A_340 = arith.constant 2 : i32
        %get3A_341 = arith.index_cast %get3A_340 : i32 to index
        %get3A_342 = arith.index_cast %scan3A_321 : i32 to index
        %get3A_343 = arith.constant 16 : index
        %get3A_344 = tpu.vector_load %arg8[%get3A_341, %get3A_342, %get3A_343] {strides = array<i32>} : memref<4x16x512xf32, #tpu.memory_space<vmem>>, vector<1x1x16xf32>,
        %get3A_345 = vector.shape_cast %get3A_344 : vector<1x1x16xf32> to vector<16xf32>
        %get3A_346 = arith.constant 2 : i32
        %get3A_347 = arith.index_cast %get3A_346 : i32 to index
        %get3A_348 = arith.index_cast %scan3A_321 : i32 to index
        %get3A_349 = arith.constant 16 : index
        %get3A_350 = tpu.vector_load %arg7[%get3A_347, %get3A_348, %get3A_349] {strides = array<i32>} : memref<4x16x512xf32, #tpu.memory_space<vmem>>, vector<1x1x16xf32>,
        %get3A_351 = vector.shape_cast %get3A_350 : vector<1x1x16xf32> to vector<16xf32>
        %sub3A_352 = arith.subf %get3A_345, %get3A_351 : vector<16xf32>
        %mul3A_353 = arith.mulf %sub3A_352, %sub3A_352 : vector<16xf32>
        %add3A_354 = arith.addf %scan3A_323, %mul3A_353 : vector<16xf32>
        %get3A_355 = arith.constant 2 : i32
        %get3A_356 = arith.index_cast %get3A_355 : i32 to index
        %get3A_357 = arith.index_cast %scan3A_321 : i32 to index
        %get3A_358 = arith.constant 32 : index
        %get3A_359 = tpu.vector_load %arg8[%get3A_356, %get3A_357, %get3A_358] {strides = array<i32>} : memref<4x16x512xf32, #tpu.memory_space<vmem>>, vector<1x1x16xf32>,
        %get3A_360 = vector.shape_cast %get3A_359 : vector<1x1x16xf32> to vector<16xf32>
        %get3A_361 = arith.constant 2 : i32
        %get3A_362 = arith.index_cast %get3A_361 : i32 to index
        %get3A_363 = arith.index_cast %scan3A_321 : i32 to index
        %get3A_364 = arith.constant 32 : index
        %get3A_365 = tpu.vector_load %arg7[%get3A_362, %get3A_363, %get3A_364] {strides = array<i32>} : memref<4x16x512xf32, #tpu.memory_space<vmem>>, vector<1x1x16xf32>,
        %get3A_366 = vector.shape_cast %get3A_365 : vector<1x1x16xf32> to vector<16xf32>
        %sub3A_367 = arith.subf %get3A_360, %get3A_366 : vector<16xf32>
        %mul3A_368 = arith.mulf %sub3A_367, %sub3A_367 : vector<16xf32>
        %add3A_369 = arith.addf %scan3A_324, %mul3A_368 : vector<16xf32>
        %get3A_370 = arith.constant 2 : i32
        %get3A_371 = arith.index_cast %get3A_370 : i32 to index
        %get3A_372 = arith.index_cast %scan3A_321 : i32 to index
        %get3A_373 = arith.constant 48 : index
        %get3A_374 = tpu.vector_load %arg8[%get3A_371, %get3A_372, %get3A_373] {strides = array<i32>} : memref<4x16x512xf32, #tpu.memory_space<vmem>>, vector<1x1x16xf32>,
        %get3A_375 = vector.shape_cast %get3A_374 : vector<1x1x16xf32> to vector<16xf32>
        %get3A_376 = arith.constant 2 : i32
        %get3A_377 = arith.index_cast %get3A_376 : i32 to index
        %get3A_378 = arith.index_cast %scan3A_321 : i32 to index
        %get3A_379 = arith.constant 48 : index
        %get3A_380 = tpu.vector_load %arg7[%get3A_377, %get3A_378, %get3A_379] {strides = array<i32>} : memref<4x16x512xf32, #tpu.memory_space<vmem>>, vector<1x1x16xf32>,
        %get3A_381 = vector.shape_cast %get3A_380 : vector<1x1x16xf32> to vector<16xf32>
        %sub3A_382 = arith.subf %get3A_375, %get3A_381 : vector<16xf32>
        %mul3A_383 = arith.mulf %sub3A_382, %sub3A_382 : vector<16xf32>
        %add3A_384 = arith.addf %scan3A_325, %mul3A_383 : vector<16xf32>
        %get3A_385 = arith.constant 2 : i32
        %get3A_386 = arith.index_cast %get3A_385 : i32 to index
        %get3A_387 = arith.index_cast %scan3A_321 : i32 to index
        %get3A_388 = arith.constant 64 : index
        %get3A_389 = tpu.vector_load %arg8[%get3A_386, %get3A_387, %get3A_388] {strides = array<i32>} : memref<4x16x512xf32, #tpu.memory_space<vmem>>, vector<1x1x16xf32>,
        %get3A_390 = vector.shape_cast %get3A_389 : vector<1x1x16xf32> to vector<16xf32>
        %get3A_391 = arith.constant 2 : i32
        %get3A_392 = arith.index_cast %get3A_391 : i32 to index
        %get3A_393 = arith.index_cast %scan3A_321 : i32 to index
        %get3A_394 = arith.constant 64 : index
        %get3A_395 = tpu.vector_load %arg7[%get3A_392, %get3A_393, %get3A_394] {strides = array<i32>} : memref<4x16x512xf32, #tpu.memory_space<vmem>>, vector<1x1x16xf32>,
        %get3A_396 = vector.shape_cast %get3A_395 : vector<1x1x16xf32> to vector<16xf32>
        %sub3A_397 = arith.subf %get3A_390, %get3A_396 : vector<16xf32>
        %mul3A_398 = arith.mulf %sub3A_397, %sub3A_397 : vector<16xf32>
        %add3A_399 = arith.addf %add3A_339, %mul3A_398 : vector<16xf32>
        %get3A_400 = arith.constant 2 : i32
        %get3A_401 = arith.index_cast %get3A_400 : i32 to index
        %get3A_402 = arith.index_cast %scan3A_321 : i32 to index
        %get3A_403 = arith.constant 80 : index
        %get3A_404 = tpu.vector_load %arg8[%get3A_401, %get3A_402, %get3A_403] {strides = array<i32>} : memref<4x16x512xf32, #tpu.memory_space<vmem>>, vector<1x1x16xf32>,
        %get3A_405 = vector.shape_cast %get3A_404 : vector<1x1x16xf32> to vector<16xf32>
        %get3A_406 = arith.constant 2 : i32
        %get3A_407 = arith.index_cast %get3A_406 : i32 to index
        %get3A_408 = arith.index_cast %scan3A_321 : i32 to index
        %get3A_409 = arith.constant 80 : index
        %get3A_410 = tpu.vector_load %arg7[%get3A_407, %get3A_408, %get3A_409] {strides = array<i32>} : memref<4x16x512xf32, #tpu.memory_space<vmem>>, vector<1x1x16xf32>,
        %get3A_411 = vector.shape_cast %get3A_410 : vector<1x1x16xf32> to vector<16xf32>
        %sub3A_412 = arith.subf %get3A_405, %get3A_411 : vector<16xf32>
        %mul3A_413 = arith.mulf %sub3A_412, %sub3A_412 : vector<16xf32>
        %add3A_414 = arith.addf %add3A_354, %mul3A_413 : vector<16xf32>
        %get3A_415 = arith.constant 2 : i32
        %get3A_416 = arith.index_cast %get3A_415 : i32 to index
        %get3A_417 = arith.index_cast %scan3A_321 : i32 to index
        %get3A_418 = arith.constant 96 : index
        %get3A_419 = tpu.vector_load %arg8[%get3A_416, %get3A_417, %get3A_418] {strides = array<i32>} : memref<4x16x512xf32, #tpu.memory_space<vmem>>, vector<1x1x16xf32>,
        %get3A_420 = vector.shape_cast %get3A_419 : vector<1x1x16xf32> to vector<16xf32>
        %get3A_421 = arith.constant 2 : i32
        %get3A_422 = arith.index_cast %get3A_421 : i32 to index
        %get3A_423 = arith.index_cast %scan3A_321 : i32 to index
        %get3A_424 = arith.constant 96 : index
        %get3A_425 = tpu.vector_load %arg7[%get3A_422, %get3A_423, %get3A_424] {strides = array<i32>} : memref<4x16x512xf32, #tpu.memory_space<vmem>>, vector<1x1x16xf32>,
        %get3A_426 = vector.shape_cast %get3A_425 : vector<1x1x16xf32> to vector<16xf32>
        %sub3A_427 = arith.subf %get3A_420, %get3A_426 : vector<16xf32>
        %mul3A_428 = arith.mulf %sub3A_427, %sub3A_427 : vector<16xf32>
        %add3A_429 = arith.addf %add3A_369, %mul3A_428 : vector<16xf32>
        %get3A_430 = arith.constant 2 : i32
        %get3A_431 = arith.index_cast %get3A_430 : i32 to index
        %get3A_432 = arith.index_cast %scan3A_321 : i32 to index
        %get3A_433 = arith.constant 112 : index
        %get3A_434 = tpu.vector_load %arg8[%get3A_431, %get3A_432, %get3A_433] {strides = array<i32>} : memref<4x16x512xf32, #tpu.memory_space<vmem>>, vector<1x1x16xf32>,
        %get3A_435 = vector.shape_cast %get3A_434 : vector<1x1x16xf32> to vector<16xf32>
        %get3A_436 = arith.constant 2 : i32
        %get3A_437 = arith.index_cast %get3A_436 : i32 to index
        %get3A_438 = arith.index_cast %scan3A_321 : i32 to index
        %get3A_439 = arith.constant 112 : index
        %get3A_440 = tpu.vector_load %arg7[%get3A_437, %get3A_438, %get3A_439] {strides = array<i32>} : memref<4x16x512xf32, #tpu.memory_space<vmem>>, vector<1x1x16xf32>,
        %get3A_441 = vector.shape_cast %get3A_440 : vector<1x1x16xf32> to vector<16xf32>
        %sub3A_442 = arith.subf %get3A_435, %get3A_441 : vector<16xf32>
        %mul3A_443 = arith.mulf %sub3A_442, %sub3A_442 : vector<16xf32>
        %add3A_444 = arith.addf %add3A_384, %mul3A_443 : vector<16xf32>
        %get3A_445 = arith.constant 2 : i32
        %get3A_446 = arith.index_cast %get3A_445 : i32 to index
        %get3A_447 = arith.index_cast %scan3A_321 : i32 to index
        %get3A_448 = arith.constant 128 : index
        %get3A_449 = tpu.vector_load %arg8[%get3A_446, %get3A_447, %get3A_448] {strides = array<i32>} : memref<4x16x512xf32, #tpu.memory_space<vmem>>, vector<1x1x16xf32>,
        %get3A_450 = vector.shape_cast %get3A_449 : vector<1x1x16xf32> to vector<16xf32>
        %get3A_451 = arith.constant 2 : i32
        %get3A_452 = arith.index_cast %get3A_451 : i32 to index
        %get3A_453 = arith.index_cast %scan3A_321 : i32 to index
        %get3A_454 = arith.constant 128 : index
        %get3A_455 = tpu.vector_load %arg7[%get3A_452, %get3A_453, %get3A_454] {strides = array<i32>} : memref<4x16x512xf32, #tpu.memory_space<vmem>>, vector<1x1x16xf32>,
        %get3A_456 = vector.shape_cast %get3A_455 : vector<1x1x16xf32> to vector<16xf32>
        %sub3A_457 = arith.subf %get3A_450, %get3A_456 : vector<16xf32>
        %mul3A_458 = arith.mulf %sub3A_457, %sub3A_457 : vector<16xf32>
        %add3A_459 = arith.addf %add3A_399, %mul3A_458 : vector<16xf32>
        %get3A_460 = arith.constant 2 : i32
        %get3A_461 = arith.index_cast %get3A_460 : i32 to index
        %get3A_462 = arith.index_cast %scan3A_321 : i32 to index
        %get3A_463 = arith.constant 144 : index
        %get3A_464 = tpu.vector_load %arg8[%get3A_461, %get3A_462, %get3A_463] {strides = array<i32>} : memref<4x16x512xf32, #tpu.memory_space<vmem>>, vector<1x1x16xf32>,
        %get3A_465 = vector.shape_cast %get3A_464 : vector<1x1x16xf32> to vector<16xf32>
        %get3A_466 = arith.constant 2 : i32
        %get3A_467 = arith.index_cast %get3A_466 : i32 to index
        %get3A_468 = arith.index_cast %scan3A_321 : i32 to index
        %get3A_469 = arith.constant 144 : index
        %get3A_470 = tpu.vector_load %arg7[%get3A_467, %get3A_468, %get3A_469] {strides = array<i32>} : memref<4x16x512xf32, #tpu.memory_space<vmem>>, vector<1x1x16xf32>,
        %get3A_471 = vector.shape_cast %get3A_470 : vector<1x1x16xf32> to vector<16xf32>
        %sub3A_472 = arith.subf %get3A_465, %get3A_471 : vector<16xf32>
        %mul3A_473 = arith.mulf %sub3A_472, %sub3A_472 : vector<16xf32>
        %add3A_474 = arith.addf %add3A_414, %mul3A_473 : vector<16xf32>
        %get3A_475 = arith.constant 2 : i32
        %get3A_476 = arith.index_cast %get3A_475 : i32 to index
        %get3A_477 = arith.index_cast %scan3A_321 : i32 to index
        %get3A_478 = arith.constant 160 : index
        %get3A_479 = tpu.vector_load %arg8[%get3A_476, %get3A_477, %get3A_478] {strides = array<i32>} : memref<4x16x512xf32, #tpu.memory_space<vmem>>, vector<1x1x16xf32>,
        %get3A_480 = vector.shape_cast %get3A_479 : vector<1x1x16xf32> to vector<16xf32>
        %get3A_481 = arith.constant 2 : i32
        %get3A_482 = arith.index_cast %get3A_481 : i32 to index
        %get3A_483 = arith.index_cast %scan3A_321 : i32 to index
        %get3A_484 = arith.constant 160 : index
        %get3A_485 = tpu.vector_load %arg7[%get3A_482, %get3A_483, %get3A_484] {strides = array<i32>} : memref<4x16x512xf32, #tpu.memory_space<vmem>>, vector<1x1x16xf32>,
        %get3A_486 = vector.shape_cast %get3A_485 : vector<1x1x16xf32> to vector<16xf32>
        %sub3A_487 = arith.subf %get3A_480, %get3A_486 : vector<16xf32>
        %mul3A_488 = arith.mulf %sub3A_487, %sub3A_487 : vector<16xf32>
        %add3A_489 = arith.addf %add3A_429, %mul3A_488 : vector<16xf32>
        %get3A_490 = arith.constant 2 : i32
        %get3A_491 = arith.index_cast %get3A_490 : i32 to index
        %get3A_492 = arith.index_cast %scan3A_321 : i32 to index
        %get3A_493 = arith.constant 176 : index
        %get3A_494 = tpu.vector_load %arg8[%get3A_491, %get3A_492, %get3A_493] {strides = array<i32>} : memref<4x16x512xf32, #tpu.memory_space<vmem>>, vector<1x1x16xf32>,
        %get3A_495 = vector.shape_cast %get3A_494 : vector<1x1x16xf32> to vector<16xf32>
        %get3A_496 = arith.constant 2 : i32
        %get3A_497 = arith.index_cast %get3A_496 : i32 to index
        %get3A_498 = arith.index_cast %scan3A_321 : i32 to index
        %get3A_499 = arith.constant 176 : index
        %get3A_500 = tpu.vector_load %arg7[%get3A_497, %get3A_498, %get3A_499] {strides = array<i32>} : memref<4x16x512xf32, #tpu.memory_space<vmem>>, vector<1x1x16xf32>,
        %get3A_501 = vector.shape_cast %get3A_500 : vector<1x1x16xf32> to vector<16xf32>
        %sub3A_502 = arith.subf %get3A_495, %get3A_501 : vector<16xf32>
        %mul3A_503 = arith.mulf %sub3A_502, %sub3A_502 : vector<16xf32>
        %add3A_504 = arith.addf %add3A_444, %mul3A_503 : vector<16xf32>
        %get3A_505 = arith.constant 2 : i32
        %get3A_506 = arith.index_cast %get3A_505 : i32 to index
        %get3A_507 = arith.index_cast %scan3A_321 : i32 to index
        %get3A_508 = arith.constant 192 : index
        %get3A_509 = tpu.vector_load %arg8[%get3A_506, %get3A_507, %get3A_508] {strides = array<i32>} : memref<4x16x512xf32, #tpu.memory_space<vmem>>, vector<1x1x16xf32>,
        %get3A_510 = vector.shape_cast %get3A_509 : vector<1x1x16xf32> to vector<16xf32>
        %get3A_511 = arith.constant 2 : i32
        %get3A_512 = arith.index_cast %get3A_511 : i32 to index
        %get3A_513 = arith.index_cast %scan3A_321 : i32 to index
        %get3A_514 = arith.constant 192 : index
        %get3A_515 = tpu.vector_load %arg7[%get3A_512, %get3A_513, %get3A_514] {strides = array<i32>} : memref<4x16x512xf32, #tpu.memory_space<vmem>>, vector<1x1x16xf32>,
        %get3A_516 = vector.shape_cast %get3A_515 : vector<1x1x16xf32> to vector<16xf32>
        %sub3A_517 = arith.subf %get3A_510, %get3A_516 : vector<16xf32>
        %mul3A_518 = arith.mulf %sub3A_517, %sub3A_517 : vector<16xf32>
        %add3A_519 = arith.addf %add3A_459, %mul3A_518 : vector<16xf32>
        %get3A_520 = arith.constant 2 : i32
        %get3A_521 = arith.index_cast %get3A_520 : i32 to index
        %get3A_522 = arith.index_cast %scan3A_321 : i32 to index
        %get3A_523 = arith.constant 208 : index
        %get3A_524 = tpu.vector_load %arg8[%get3A_521, %get3A_522, %get3A_523] {strides = array<i32>} : memref<4x16x512xf32, #tpu.memory_space<vmem>>, vector<1x1x16xf32>,
        %get3A_525 = vector.shape_cast %get3A_524 : vector<1x1x16xf32> to vector<16xf32>
        %get3A_526 = arith.constant 2 : i32
        %get3A_527 = arith.index_cast %get3A_526 : i32 to index
        %get3A_528 = arith.index_cast %scan3A_321 : i32 to index
        %get3A_529 = arith.constant 208 : index
        %get3A_530 = tpu.vector_load %arg7[%get3A_527, %get3A_528, %get3A_529] {strides = array<i32>} : memref<4x16x512xf32, #tpu.memory_space<vmem>>, vector<1x1x16xf32>,
        %get3A_531 = vector.shape_cast %get3A_530 : vector<1x1x16xf32> to vector<16xf32>
        %sub3A_532 = arith.subf %get3A_525, %get3A_531 : vector<16xf32>
        %mul3A_533 = arith.mulf %sub3A_532, %sub3A_532 : vector<16xf32>
        %add3A_534 = arith.addf %add3A_474, %mul3A_533 : vector<16xf32>
        %get3A_535 = arith.constant 2 : i32
        %get3A_536 = arith.index_cast %get3A_535 : i32 to index
        %get3A_537 = arith.index_cast %scan3A_321 : i32 to index
        %get3A_538 = arith.constant 224 : index
        %get3A_539 = tpu.vector_load %arg8[%get3A_536, %get3A_537, %get3A_538] {strides = array<i32>} : memref<4x16x512xf32, #tpu.memory_space<vmem>>, vector<1x1x16xf32>,
        %get3A_540 = vector.shape_cast %get3A_539 : vector<1x1x16xf32> to vector<16xf32>
        %get3A_541 = arith.constant 2 : i32
        %get3A_542 = arith.index_cast %get3A_541 : i32 to index
        %get3A_543 = arith.index_cast %scan3A_321 : i32 to index
        %get3A_544 = arith.constant 224 : index
        %get3A_545 = tpu.vector_load %arg7[%get3A_542, %get3A_543, %get3A_544] {strides = array<i32>} : memref<4x16x512xf32, #tpu.memory_space<vmem>>, vector<1x1x16xf32>,
        %get3A_546 = vector.shape_cast %get3A_545 : vector<1x1x16xf32> to vector<16xf32>
        %sub3A_547 = arith.subf %get3A_540, %get3A_546 : vector<16xf32>
        %mul3A_548 = arith.mulf %sub3A_547, %sub3A_547 : vector<16xf32>
        %add3A_549 = arith.addf %add3A_489, %mul3A_548 : vector<16xf32>
        %get3A_550 = arith.constant 2 : i32
        %get3A_551 = arith.index_cast %get3A_550 : i32 to index
        %get3A_552 = arith.index_cast %scan3A_321 : i32 to index
        %get3A_553 = arith.constant 240 : index
        %get3A_554 = tpu.vector_load %arg8[%get3A_551, %get3A_552, %get3A_553] {strides = array<i32>} : memref<4x16x512xf32, #tpu.memory_space<vmem>>, vector<1x1x16xf32>,
        %get3A_555 = vector.shape_cast %get3A_554 : vector<1x1x16xf32> to vector<16xf32>
        %get3A_556 = arith.constant 2 : i32
        %get3A_557 = arith.index_cast %get3A_556 : i32 to index
        %get3A_558 = arith.index_cast %scan3A_321 : i32 to index
        %get3A_559 = arith.constant 240 : index
        %get3A_560 = tpu.vector_load %arg7[%get3A_557, %get3A_558, %get3A_559] {strides = array<i32>} : memref<4x16x512xf32, #tpu.memory_space<vmem>>, vector<1x1x16xf32>,
        %get3A_561 = vector.shape_cast %get3A_560 : vector<1x1x16xf32> to vector<16xf32>
        %sub3A_562 = arith.subf %get3A_555, %get3A_561 : vector<16xf32>
        %mul3A_563 = arith.mulf %sub3A_562, %sub3A_562 : vector<16xf32>
        %add3A_564 = arith.addf %add3A_504, %mul3A_563 : vector<16xf32>
        %get3A_565 = arith.constant 2 : i32
        %get3A_566 = arith.index_cast %get3A_565 : i32 to index
        %get3A_567 = arith.index_cast %scan3A_321 : i32 to index
        %get3A_568 = arith.constant 256 : index
        %get3A_569 = tpu.vector_load %arg8[%get3A_566, %get3A_567, %get3A_568] {strides = array<i32>} : memref<4x16x512xf32, #tpu.memory_space<vmem>>, vector<1x1x16xf32>,
        %get3A_570 = vector.shape_cast %get3A_569 : vector<1x1x16xf32> to vector<16xf32>
        %get3A_571 = arith.constant 2 : i32
        %get3A_572 = arith.index_cast %get3A_571 : i32 to index
        %get3A_573 = arith.index_cast %scan3A_321 : i32 to index
        %get3A_574 = arith.constant 256 : index
        %get3A_575 = tpu.vector_load %arg7[%get3A_572, %get3A_573, %get3A_574] {strides = array<i32>} : memref<4x16x512xf32, #tpu.memory_space<vmem>>, vector<1x1x16xf32>,
        %get3A_576 = vector.shape_cast %get3A_575 : vector<1x1x16xf32> to vector<16xf32>
        %sub3A_577 = arith.subf %get3A_570, %get3A_576 : vector<16xf32>
        %mul3A_578 = arith.mulf %sub3A_577, %sub3A_577 : vector<16xf32>
        %add3A_579 = arith.addf %add3A_519, %mul3A_578 : vector<16xf32>
        %get3A_580 = arith.constant 2 : i32
        %get3A_581 = arith.index_cast %get3A_580 : i32 to index
        %get3A_582 = arith.index_cast %scan3A_321 : i32 to index
        %get3A_583 = arith.constant 272 : index
        %get3A_584 = tpu.vector_load %arg8[%get3A_581, %get3A_582, %get3A_583] {strides = array<i32>} : memref<4x16x512xf32, #tpu.memory_space<vmem>>, vector<1x1x16xf32>,
        %get3A_585 = vector.shape_cast %get3A_584 : vector<1x1x16xf32> to vector<16xf32>
        %get3A_586 = arith.constant 2 : i32
        %get3A_587 = arith.index_cast %get3A_586 : i32 to index
        %get3A_588 = arith.index_cast %scan3A_321 : i32 to index
        %get3A_589 = arith.constant 272 : index
        %get3A_590 = tpu.vector_load %arg7[%get3A_587, %get3A_588, %get3A_589] {strides = array<i32>} : memref<4x16x512xf32, #tpu.memory_space<vmem>>, vector<1x1x16xf32>,
        %get3A_591 = vector.shape_cast %get3A_590 : vector<1x1x16xf32> to vector<16xf32>
        %sub3A_592 = arith.subf %get3A_585, %get3A_591 : vector<16xf32>
        %mul3A_593 = arith.mulf %sub3A_592, %sub3A_592 : vector<16xf32>
        %add3A_594 = arith.addf %add3A_534, %mul3A_593 : vector<16xf32>
        %get3A_595 = arith.constant 2 : i32
        %get3A_596 = arith.index_cast %get3A_595 : i32 to index
        %get3A_597 = arith.index_cast %scan3A_321 : i32 to index
        %get3A_598 = arith.constant 288 : index
        %get3A_599 = tpu.vector_load %arg8[%get3A_596, %get3A_597, %get3A_598] {strides = array<i32>} : memref<4x16x512xf32, #tpu.memory_space<vmem>>, vector<1x1x16xf32>,
        %get3A_600 = vector.shape_cast %get3A_599 : vector<1x1x16xf32> to vector<16xf32>
        %get3A_601 = arith.constant 2 : i32
        %get3A_602 = arith.index_cast %get3A_601 : i32 to index
        %get3A_603 = arith.index_cast %scan3A_321 : i32 to index
        %get3A_604 = arith.constant 288 : index
        %get3A_605 = tpu.vector_load %arg7[%get3A_602, %get3A_603, %get3A_604] {strides = array<i32>} : memref<4x16x512xf32, #tpu.memory_space<vmem>>, vector<1x1x16xf32>,
        %get3A_606 = vector.shape_cast %get3A_605 : vector<1x1x16xf32> to vector<16xf32>
        %sub3A_607 = arith.subf %get3A_600, %get3A_606 : vector<16xf32>
        %mul3A_608 = arith.mulf %sub3A_607, %sub3A_607 : vector<16xf32>
        %add3A_609 = arith.addf %add3A_549, %mul3A_608 : vector<16xf32>
        %get3A_610 = arith.constant 2 : i32
        %get3A_611 = arith.index_cast %get3A_610 : i32 to index
        %get3A_612 = arith.index_cast %scan3A_321 : i32 to index
        %get3A_613 = arith.constant 304 : index
        %get3A_614 = tpu.vector_load %arg8[%get3A_611, %get3A_612, %get3A_613] {strides = array<i32>} : memref<4x16x512xf32, #tpu.memory_space<vmem>>, vector<1x1x16xf32>,
        %get3A_615 = vector.shape_cast %get3A_614 : vector<1x1x16xf32> to vector<16xf32>
        %get3A_616 = arith.constant 2 : i32
        %get3A_617 = arith.index_cast %get3A_616 : i32 to index
        %get3A_618 = arith.index_cast %scan3A_321 : i32 to index
        %get3A_619 = arith.constant 304 : index
        %get3A_620 = tpu.vector_load %arg7[%get3A_617, %get3A_618, %get3A_619] {strides = array<i32>} : memref<4x16x512xf32, #tpu.memory_space<vmem>>, vector<1x1x16xf32>,
        %get3A_621 = vector.shape_cast %get3A_620 : vector<1x1x16xf32> to vector<16xf32>
        %sub3A_622 = arith.subf %get3A_615, %get3A_621 : vector<16xf32>
        %mul3A_623 = arith.mulf %sub3A_622, %sub3A_622 : vector<16xf32>
        %add3A_624 = arith.addf %add3A_564, %mul3A_623 : vector<16xf32>
        %get3A_625 = arith.constant 2 : i32
        %get3A_626 = arith.index_cast %get3A_625 : i32 to index
        %get3A_627 = arith.index_cast %scan3A_321 : i32 to index
        %get3A_628 = arith.constant 320 : index
        %get3A_629 = tpu.vector_load %arg8[%get3A_626, %get3A_627, %get3A_628] {strides = array<i32>} : memref<4x16x512xf32, #tpu.memory_space<vmem>>, vector<1x1x16xf32>,
        %get3A_630 = vector.shape_cast %get3A_629 : vector<1x1x16xf32> to vector<16xf32>
        %get3A_631 = arith.constant 2 : i32
        %get3A_632 = arith.index_cast %get3A_631 : i32 to index
        %get3A_633 = arith.index_cast %scan3A_321 : i32 to index
        %get3A_634 = arith.constant 320 : index
        %get3A_635 = tpu.vector_load %arg7[%get3A_632, %get3A_633, %get3A_634] {strides = array<i32>} : memref<4x16x512xf32, #tpu.memory_space<vmem>>, vector<1x1x16xf32>,
        %get3A_636 = vector.shape_cast %get3A_635 : vector<1x1x16xf32> to vector<16xf32>
        %sub3A_637 = arith.subf %get3A_630, %get3A_636 : vector<16xf32>
        %mul3A_638 = arith.mulf %sub3A_637, %sub3A_637 : vector<16xf32>
        %add3A_639 = arith.addf %add3A_579, %mul3A_638 : vector<16xf32>
        %get3A_640 = arith.constant 2 : i32
        %get3A_641 = arith.index_cast %get3A_640 : i32 to index
        %get3A_642 = arith.index_cast %scan3A_321 : i32 to index
        %get3A_643 = arith.constant 336 : index
        %get3A_644 = tpu.vector_load %arg8[%get3A_641, %get3A_642, %get3A_643] {strides = array<i32>} : memref<4x16x512xf32, #tpu.memory_space<vmem>>, vector<1x1x16xf32>,
        %get3A_645 = vector.shape_cast %get3A_644 : vector<1x1x16xf32> to vector<16xf32>
        %get3A_646 = arith.constant 2 : i32
        %get3A_647 = arith.index_cast %get3A_646 : i32 to index
        %get3A_648 = arith.index_cast %scan3A_321 : i32 to index
        %get3A_649 = arith.constant 336 : index
        %get3A_650 = tpu.vector_load %arg7[%get3A_647, %get3A_648, %get3A_649] {strides = array<i32>} : memref<4x16x512xf32, #tpu.memory_space<vmem>>, vector<1x1x16xf32>,
        %get3A_651 = vector.shape_cast %get3A_650 : vector<1x1x16xf32> to vector<16xf32>
        %sub3A_652 = arith.subf %get3A_645, %get3A_651 : vector<16xf32>
        %mul3A_653 = arith.mulf %sub3A_652, %sub3A_652 : vector<16xf32>
        %add3A_654 = arith.addf %add3A_594, %mul3A_653 : vector<16xf32>
        %get3A_655 = arith.constant 2 : i32
        %get3A_656 = arith.index_cast %get3A_655 : i32 to index
        %get3A_657 = arith.index_cast %scan3A_321 : i32 to index
        %get3A_658 = arith.constant 352 : index
        %get3A_659 = tpu.vector_load %arg8[%get3A_656, %get3A_657, %get3A_658] {strides = array<i32>} : memref<4x16x512xf32, #tpu.memory_space<vmem>>, vector<1x1x16xf32>,
        %get3A_660 = vector.shape_cast %get3A_659 : vector<1x1x16xf32> to vector<16xf32>
        %get3A_661 = arith.constant 2 : i32
        %get3A_662 = arith.index_cast %get3A_661 : i32 to index
        %get3A_663 = arith.index_cast %scan3A_321 : i32 to index
        %get3A_664 = arith.constant 352 : index
        %get3A_665 = tpu.vector_load %arg7[%get3A_662, %get3A_663, %get3A_664] {strides = array<i32>} : memref<4x16x512xf32, #tpu.memory_space<vmem>>, vector<1x1x16xf32>,
        %get3A_666 = vector.shape_cast %get3A_665 : vector<1x1x16xf32> to vector<16xf32>
        %sub3A_667 = arith.subf %get3A_660, %get3A_666 : vector<16xf32>
        %mul3A_668 = arith.mulf %sub3A_667, %sub3A_667 : vector<16xf32>
        %add3A_669 = arith.addf %add3A_609, %mul3A_668 : vector<16xf32>
        %get3A_670 = arith.constant 2 : i32
        %get3A_671 = arith.index_cast %get3A_670 : i32 to index
        %get3A_672 = arith.index_cast %scan3A_321 : i32 to index
        %get3A_673 = arith.constant 368 : index
        %get3A_674 = tpu.vector_load %arg8[%get3A_671, %get3A_672, %get3A_673] {strides = array<i32>} : memref<4x16x512xf32, #tpu.memory_space<vmem>>, vector<1x1x16xf32>,
        %get3A_675 = vector.shape_cast %get3A_674 : vector<1x1x16xf32> to vector<16xf32>
        %get3A_676 = arith.constant 2 : i32
        %get3A_677 = arith.index_cast %get3A_676 : i32 to index
        %get3A_678 = arith.index_cast %scan3A_321 : i32 to index
        %get3A_679 = arith.constant 368 : index
        %get3A_680 = tpu.vector_load %arg7[%get3A_677, %get3A_678, %get3A_679] {strides = array<i32>} : memref<4x16x512xf32, #tpu.memory_space<vmem>>, vector<1x1x16xf32>,
        %get3A_681 = vector.shape_cast %get3A_680 : vector<1x1x16xf32> to vector<16xf32>
        %sub3A_682 = arith.subf %get3A_675, %get3A_681 : vector<16xf32>
        %mul3A_683 = arith.mulf %sub3A_682, %sub3A_682 : vector<16xf32>
        %add3A_684 = arith.addf %add3A_624, %mul3A_683 : vector<16xf32>
        %get3A_685 = arith.constant 2 : i32
        %get3A_686 = arith.index_cast %get3A_685 : i32 to index
        %get3A_687 = arith.index_cast %scan3A_321 : i32 to index
        %get3A_688 = arith.constant 384 : index
        %get3A_689 = tpu.vector_load %arg8[%get3A_686, %get3A_687, %get3A_688] {strides = array<i32>} : memref<4x16x512xf32, #tpu.memory_space<vmem>>, vector<1x1x16xf32>,
        %get3A_690 = vector.shape_cast %get3A_689 : vector<1x1x16xf32> to vector<16xf32>
        %get3A_691 = arith.constant 2 : i32
        %get3A_692 = arith.index_cast %get3A_691 : i32 to index
        %get3A_693 = arith.index_cast %scan3A_321 : i32 to index
        %get3A_694 = arith.constant 384 : index
        %get3A_695 = tpu.vector_load %arg7[%get3A_692, %get3A_693, %get3A_694] {strides = array<i32>} : memref<4x16x512xf32, #tpu.memory_space<vmem>>, vector<1x1x16xf32>,
        %get3A_696 = vector.shape_cast %get3A_695 : vector<1x1x16xf32> to vector<16xf32>
        %sub3A_697 = arith.subf %get3A_690, %get3A_696 : vector<16xf32>
        %mul3A_698 = arith.mulf %sub3A_697, %sub3A_697 : vector<16xf32>
        %add3A_699 = arith.addf %add3A_639, %mul3A_698 : vector<16xf32>
        %get3A_700 = arith.constant 2 : i32
        %get3A_701 = arith.index_cast %get3A_700 : i32 to index
        %get3A_702 = arith.index_cast %scan3A_321 : i32 to index
        %get3A_703 = arith.constant 400 : index
        %get3A_704 = tpu.vector_load %arg8[%get3A_701, %get3A_702, %get3A_703] {strides = array<i32>} : memref<4x16x512xf32, #tpu.memory_space<vmem>>, vector<1x1x16xf32>,
        %get3A_705 = vector.shape_cast %get3A_704 : vector<1x1x16xf32> to vector<16xf32>
        %get3A_706 = arith.constant 2 : i32
        %get3A_707 = arith.index_cast %get3A_706 : i32 to index
        %get3A_708 = arith.index_cast %scan3A_321 : i32 to index
        %get3A_709 = arith.constant 400 : index
        %get3A_710 = tpu.vector_load %arg7[%get3A_707, %get3A_708, %get3A_709] {strides = array<i32>} : memref<4x16x512xf32, #tpu.memory_space<vmem>>, vector<1x1x16xf32>,
        %get3A_711 = vector.shape_cast %get3A_710 : vector<1x1x16xf32> to vector<16xf32>
        %sub3A_712 = arith.subf %get3A_705, %get3A_711 : vector<16xf32>
        %mul3A_713 = arith.mulf %sub3A_712, %sub3A_712 : vector<16xf32>
        %add3A_714 = arith.addf %add3A_654, %mul3A_713 : vector<16xf32>
        %get3A_715 = arith.constant 2 : i32
        %get3A_716 = arith.index_cast %get3A_715 : i32 to index
        %get3A_717 = arith.index_cast %scan3A_321 : i32 to index
        %get3A_718 = arith.constant 416 : index
        %get3A_719 = tpu.vector_load %arg8[%get3A_716, %get3A_717, %get3A_718] {strides = array<i32>} : memref<4x16x512xf32, #tpu.memory_space<vmem>>, vector<1x1x16xf32>,
        %get3A_720 = vector.shape_cast %get3A_719 : vector<1x1x16xf32> to vector<16xf32>
        %get3A_721 = arith.constant 2 : i32
        %get3A_722 = arith.index_cast %get3A_721 : i32 to index
        %get3A_723 = arith.index_cast %scan3A_321 : i32 to index
        %get3A_724 = arith.constant 416 : index
        %get3A_725 = tpu.vector_load %arg7[%get3A_722, %get3A_723, %get3A_724] {strides = array<i32>} : memref<4x16x512xf32, #tpu.memory_space<vmem>>, vector<1x1x16xf32>,
        %get3A_726 = vector.shape_cast %get3A_725 : vector<1x1x16xf32> to vector<16xf32>
        %sub3A_727 = arith.subf %get3A_720, %get3A_726 : vector<16xf32>
        %mul3A_728 = arith.mulf %sub3A_727, %sub3A_727 : vector<16xf32>
        %add3A_729 = arith.addf %add3A_669, %mul3A_728 : vector<16xf32>
        %get3A_730 = arith.constant 2 : i32
        %get3A_731 = arith.index_cast %get3A_730 : i32 to index
        %get3A_732 = arith.index_cast %scan3A_321 : i32 to index
        %get3A_733 = arith.constant 432 : index
        %get3A_734 = tpu.vector_load %arg8[%get3A_731, %get3A_732, %get3A_733] {strides = array<i32>} : memref<4x16x512xf32, #tpu.memory_space<vmem>>, vector<1x1x16xf32>,
        %get3A_735 = vector.shape_cast %get3A_734 : vector<1x1x16xf32> to vector<16xf32>
        %get3A_736 = arith.constant 2 : i32
        %get3A_737 = arith.index_cast %get3A_736 : i32 to index
        %get3A_738 = arith.index_cast %scan3A_321 : i32 to index
        %get3A_739 = arith.constant 432 : index
        %get3A_740 = tpu.vector_load %arg7[%get3A_737, %get3A_738, %get3A_739] {strides = array<i32>} : memref<4x16x512xf32, #tpu.memory_space<vmem>>, vector<1x1x16xf32>,
        %get3A_741 = vector.shape_cast %get3A_740 : vector<1x1x16xf32> to vector<16xf32>
        %sub3A_742 = arith.subf %get3A_735, %get3A_741 : vector<16xf32>
        %mul3A_743 = arith.mulf %sub3A_742, %sub3A_742 : vector<16xf32>
        %add3A_744 = arith.addf %add3A_684, %mul3A_743 : vector<16xf32>
        %get3A_745 = arith.constant 2 : i32
        %get3A_746 = arith.index_cast %get3A_745 : i32 to index
        %get3A_747 = arith.index_cast %scan3A_321 : i32 to index
        %get3A_748 = arith.constant 448 : index
        %get3A_749 = tpu.vector_load %arg8[%get3A_746, %get3A_747, %get3A_748] {strides = array<i32>} : memref<4x16x512xf32, #tpu.memory_space<vmem>>, vector<1x1x16xf32>,
        %get3A_750 = vector.shape_cast %get3A_749 : vector<1x1x16xf32> to vector<16xf32>
        %get3A_751 = arith.constant 2 : i32
        %get3A_752 = arith.index_cast %get3A_751 : i32 to index
        %get3A_753 = arith.index_cast %scan3A_321 : i32 to index
        %get3A_754 = arith.constant 448 : index
        %get3A_755 = tpu.vector_load %arg7[%get3A_752, %get3A_753, %get3A_754] {strides = array<i32>} : memref<4x16x512xf32, #tpu.memory_space<vmem>>, vector<1x1x16xf32>,
        %get3A_756 = vector.shape_cast %get3A_755 : vector<1x1x16xf32> to vector<16xf32>
        %sub3A_757 = arith.subf %get3A_750, %get3A_756 : vector<16xf32>
        %mul3A_758 = arith.mulf %sub3A_757, %sub3A_757 : vector<16xf32>
        %add3A_759 = arith.addf %add3A_699, %mul3A_758 : vector<16xf32>
        %get3A_760 = arith.constant 2 : i32
        %get3A_761 = arith.index_cast %get3A_760 : i32 to index
        %get3A_762 = arith.index_cast %scan3A_321 : i32 to index
        %get3A_763 = arith.constant 464 : index
        %get3A_764 = tpu.vector_load %arg8[%get3A_761, %get3A_762, %get3A_763] {strides = array<i32>} : memref<4x16x512xf32, #tpu.memory_space<vmem>>, vector<1x1x16xf32>,
        %get3A_765 = vector.shape_cast %get3A_764 : vector<1x1x16xf32> to vector<16xf32>
        %get3A_766 = arith.constant 2 : i32
        %get3A_767 = arith.index_cast %get3A_766 : i32 to index
        %get3A_768 = arith.index_cast %scan3A_321 : i32 to index
        %get3A_769 = arith.constant 464 : index
        %get3A_770 = tpu.vector_load %arg7[%get3A_767, %get3A_768, %get3A_769] {strides = array<i32>} : memref<4x16x512xf32, #tpu.memory_space<vmem>>, vector<1x1x16xf32>,
        %get3A_771 = vector.shape_cast %get3A_770 : vector<1x1x16xf32> to vector<16xf32>
        %sub3A_772 = arith.subf %get3A_765, %get3A_771 : vector<16xf32>
        %mul3A_773 = arith.mulf %sub3A_772, %sub3A_772 : vector<16xf32>
        %add3A_774 = arith.addf %add3A_714, %mul3A_773 : vector<16xf32>
        %get3A_775 = arith.constant 2 : i32
        %get3A_776 = arith.index_cast %get3A_775 : i32 to index
        %get3A_777 = arith.index_cast %scan3A_321 : i32 to index
        %get3A_778 = arith.constant 480 : index
        %get3A_779 = tpu.vector_load %arg8[%get3A_776, %get3A_777, %get3A_778] {strides = array<i32>} : memref<4x16x512xf32, #tpu.memory_space<vmem>>, vector<1x1x16xf32>,
        %get3A_780 = vector.shape_cast %get3A_779 : vector<1x1x16xf32> to vector<16xf32>
        %get3A_781 = arith.constant 2 : i32
        %get3A_782 = arith.index_cast %get3A_781 : i32 to index
        %get3A_783 = arith.index_cast %scan3A_321 : i32 to index
        %get3A_784 = arith.constant 480 : index
        %get3A_785 = tpu.vector_load %arg7[%get3A_782, %get3A_783, %get3A_784] {strides = array<i32>} : memref<4x16x512xf32, #tpu.memory_space<vmem>>, vector<1x1x16xf32>,
        %get3A_786 = vector.shape_cast %get3A_785 : vector<1x1x16xf32> to vector<16xf32>
        %sub3A_787 = arith.subf %get3A_780, %get3A_786 : vector<16xf32>
        %mul3A_788 = arith.mulf %sub3A_787, %sub3A_787 : vector<16xf32>
        %add3A_789 = arith.addf %add3A_729, %mul3A_788 : vector<16xf32>
        %get3A_790 = arith.constant 2 : i32
        %get3A_791 = arith.index_cast %get3A_790 : i32 to index
        %get3A_792 = arith.index_cast %scan3A_321 : i32 to index
        %get3A_793 = arith.constant 496 : index
        %get3A_794 = tpu.vector_load %arg8[%get3A_791, %get3A_792, %get3A_793] {strides = array<i32>} : memref<4x16x512xf32, #tpu.memory_space<vmem>>, vector<1x1x16xf32>,
        %get3A_795 = vector.shape_cast %get3A_794 : vector<1x1x16xf32> to vector<16xf32>
        %get3A_796 = arith.constant 2 : i32
        %get3A_797 = arith.index_cast %get3A_796 : i32 to index
        %get3A_798 = arith.index_cast %scan3A_321 : i32 to index
        %get3A_799 = arith.constant 496 : index
        %get3A_800 = tpu.vector_load %arg7[%get3A_797, %get3A_798, %get3A_799] {strides = array<i32>} : memref<4x16x512xf32, #tpu.memory_space<vmem>>, vector<1x1x16xf32>,
        %get3A_801 = vector.shape_cast %get3A_800 : vector<1x1x16xf32> to vector<16xf32>
        %sub3A_802 = arith.subf %get3A_795, %get3A_801 : vector<16xf32>
        %mul3A_803 = arith.mulf %sub3A_802, %sub3A_802 : vector<16xf32>
        %add3A_804 = arith.addf %add3A_744, %mul3A_803 : vector<16xf32>
        scf.yield %add3A_759, %add3A_774, %add3A_789, %add3A_804 : vector<16xf32>, vector<16xf32>, vector<16xf32>, vector<16xf32>
      }
      %scan3A_264 = arith.constant 16 : i32
      %add3A_265 = arith.constant 3 : i32
      %add3A_266 = arith.addi %mul3A_101, %add3A_265 : i32
      %add3A_267 = arith.constant 4 : i32
      %add3A_268 = arith.addi %add3A_266, %add3A_267 : i32
      %sub3A_269 = arith.constant 1 : i32
      %sub3A_270 = arith.subi %add3A_268, %sub3A_269 : i32
      %add3A_271 = arith.constant 4 : i32
      %add3A_272 = arith.addi %add3A_266, %add3A_271 : i32
      %sub3A_273 = arith.constant 1 : i32
      %sub3A_274 = arith.subi %add3A_272, %sub3A_273 : i32
      %lt3A_275 = arith.constant 32 : i32
      %lt3A_276 = arith.cmpi slt, %sub3A_270, %lt3A_275 : i32
      %convert_element_type3A_277 = arith.extui %lt3A_276 : i1 to i32
      %cond3A_278 = arith.constant 0 : i32
      %cond3A_279 = arith.cmpi ne, %convert_element_type3A_277, %cond3A_278 : i32
      scf.if %cond3A_279 {
        %mul3A_321 = arith.constant 16 : i32
        %mul3A_322 = arith.muli %sub3A_270, %mul3A_321 : i32
        %multiple_of3A_323 = tpu.assume_multiple %mul3A_322, 16 : i32
        %dma_start3A_324 = arith.constant 2 : i32
        %dma_start3A_325 = arith.constant 0 : i32
        %dma_start3A_326 = arith.constant 0 : i32
        %dma_start3A_327 = tpu.memref_slice %arg7[%dma_start3A_324, %dma_start3A_325, %dma_start3A_326] : memref<4x16x512xf32, #tpu.memory_space<vmem>> -> memref<1x16x512xf32, #tpu.memory_space<vmem>>
        %dma_start3A_328 = tpu.memref_squeeze %dma_start3A_327 : memref<1x16x512xf32, #tpu.memory_space<vmem>> -> memref<16x512xf32, #tpu.memory_space<vmem>>
        %dma_start3A_329 = tpu.memref_slice %arg6[%multiple_of3A_323] : memref<512xi32, #tpu.memory_space<vmem>> -> memref<16xi32, #tpu.memory_space<vmem>>
        %dma_start3A_330 = arith.constant 0 : i32
        %dma_start3A_331 = arith.constant 0 : i32
        %dma_start3A_332 = tpu.memref_slice %arg4[%dma_start3A_330, %dma_start3A_331] : memref<10000x512xf32, #tpu.memory_space<hbm>> -> memref<10000x512xf32, #tpu.memory_space<hbm>>
        tpu.enqueue_indirect_dma source(%dma_start3A_332 : memref<10000x512xf32, #tpu.memory_space<hbm>>) target(%dma_start3A_328 : memref<16x512xf32, #tpu.memory_space<vmem>>) offsets(%dma_start3A_329 : memref<16xi32, #tpu.memory_space<vmem>>) semaphore(%arg12 : memref<!tpu.dma_semaphore, #tpu.memory_space<semaphore_mem>>)
      } else {
      }
      %lt3A_280 = arith.constant 32 : i32
      %lt3A_281 = arith.cmpi slt, %sub3A_274, %lt3A_280 : i32
      %convert_element_type3A_282 = arith.extui %lt3A_281 : i1 to i32
      %cond3A_283 = arith.constant 0 : i32
      %cond3A_284 = arith.cmpi ne, %convert_element_type3A_282, %cond3A_283 : i32
      scf.if %cond3A_284 {
        %mul3A_321 = arith.constant 16 : i32
        %mul3A_322 = arith.muli %sub3A_274, %mul3A_321 : i32
        %multiple_of3A_323 = tpu.assume_multiple %mul3A_322, 16 : i32
        %add3A_324 = arith.addi %multiple_of3A, %multiple_of3A_323 : i32
        %dma_start3A_325 = arith.constant 2 : i32
        %dma_start3A_326 = arith.constant 0 : i32
        %dma_start3A_327 = arith.constant 0 : i32
        %dma_start3A_328 = tpu.memref_slice %arg8[%dma_start3A_325, %dma_start3A_326, %dma_start3A_327] : memref<4x16x512xf32, #tpu.memory_space<vmem>> -> memref<1x16x512xf32, #tpu.memory_space<vmem>>
        %dma_start3A_329 = tpu.memref_squeeze %dma_start3A_328 : memref<1x16x512xf32, #tpu.memory_space<vmem>> -> memref<16x512xf32, #tpu.memory_space<vmem>>
        %dma_start3A_330 = arith.constant 0 : i32
        %dma_start3A_331 = tpu.memref_slice %arg2[%add3A_324, %dma_start3A_330] : memref<16384x512xf32, #tpu.memory_space<hbm>> -> memref<16x512xf32, #tpu.memory_space<hbm>>
        %dma_start3A_332 = arith.constant 0 : i32
        %dma_start3A_333 = arith.constant 0 : i32
        %dma_start3A_334 = tpu.memref_slice %arg8[%dma_start3A_325, %dma_start3A_332, %dma_start3A_333] : memref<4x16x512xf32, #tpu.memory_space<vmem>> -> memref<1x16x512xf32, #tpu.memory_space<vmem>>
        %dma_start3A_335 = tpu.memref_squeeze %dma_start3A_334 : memref<1x16x512xf32, #tpu.memory_space<vmem>> -> memref<16x512xf32, #tpu.memory_space<vmem>>
        %dma_start3A_336 = arith.constant 0 : i32
        %dma_start3A_337 = tpu.memref_slice %arg2[%add3A_324, %dma_start3A_336] : memref<16384x512xf32, #tpu.memory_space<hbm>> -> memref<16x512xf32, #tpu.memory_space<hbm>>
        tpu.enqueue_dma source(%dma_start3A_337 : memref<16x512xf32, #tpu.memory_space<hbm>>) target(%dma_start3A_335 : memref<16x512xf32, #tpu.memory_space<vmem>>) target_semaphore(%arg16 : memref<!tpu.dma_semaphore, #tpu.memory_space<semaphore_mem>>)
      } else {
      }
      %dma_wait3A_285 = arith.constant 3 : i32
      %dma_wait3A_286 = arith.constant 0 : i32
      %dma_wait3A_287 = arith.constant 0 : i32
      %dma_wait3A_288 = tpu.memref_slice %arg7[%dma_wait3A_285, %dma_wait3A_286, %dma_wait3A_287] : memref<4x16x512xf32, #tpu.memory_space<vmem>> -> memref<1x16x512xf32, #tpu.memory_space<vmem>>
      %dma_wait3A_289 = tpu.memref_squeeze %dma_wait3A_288 : memref<1x16x512xf32, #tpu.memory_space<vmem>> -> memref<16x512xf32, #tpu.memory_space<vmem>>
      %dma_wait3A_290 = arith.constant 0 : i32
      %dma_wait3A_291 = arith.constant 0 : i32
      %dma_wait3A_292 = tpu.memref_slice %arg4[%dma_wait3A_290, %dma_wait3A_291] : memref<10000x512xf32, #tpu.memory_space<hbm>> -> memref<16x512xf32, #tpu.memory_space<hbm>>
      %dma_wait3A_293 = arith.constant 0 : i32
      %dma_wait3A_294 = arith.constant 0 : i32
      %dma_wait3A_295 = tpu.memref_slice %arg7[%dma_wait3A_285, %dma_wait3A_293, %dma_wait3A_294] : memref<4x16x512xf32, #tpu.memory_space<vmem>> -> memref<1x16x512xf32, #tpu.memory_space<vmem>>
      %dma_wait3A_296 = tpu.memref_squeeze %dma_wait3A_295 : memref<1x16x512xf32, #tpu.memory_space<vmem>> -> memref<16x512xf32, #tpu.memory_space<vmem>>
      %dma_wait3A_297 = arith.constant 0 : i32
      %dma_wait3A_298 = arith.constant 0 : i32
      %dma_wait3A_299 = tpu.memref_slice %arg4[%dma_wait3A_297, %dma_wait3A_298] : memref<10000x512xf32, #tpu.memory_space<hbm>> -> memref<16x512xf32, #tpu.memory_space<hbm>>
      tpu.wait_dma2 semaphore(%arg13 : memref<!tpu.dma_semaphore, #tpu.memory_space<semaphore_mem>>) src(%dma_wait3A_299 : memref<16x512xf32, #tpu.memory_space<hbm>>) dst(%dma_wait3A_296 : memref<16x512xf32, #tpu.memory_space<vmem>>)
      %dma_wait3A_300 = arith.constant 3 : i32
      %dma_wait3A_301 = arith.constant 0 : i32
      %dma_wait3A_302 = arith.constant 0 : i32
      %dma_wait3A_303 = tpu.memref_slice %arg8[%dma_wait3A_300, %dma_wait3A_301, %dma_wait3A_302] : memref<4x16x512xf32, #tpu.memory_space<vmem>> -> memref<1x16x512xf32, #tpu.memory_space<vmem>>
      %dma_wait3A_304 = tpu.memref_squeeze %dma_wait3A_303 : memref<1x16x512xf32, #tpu.memory_space<vmem>> -> memref<16x512xf32, #tpu.memory_space<vmem>>
      %dma_wait3A_305 = arith.constant 0 : i32
      %dma_wait3A_306 = arith.constant 0 : i32
      %dma_wait3A_307 = tpu.memref_slice %arg2[%dma_wait3A_305, %dma_wait3A_306] : memref<16384x512xf32, #tpu.memory_space<hbm>> -> memref<16x512xf32, #tpu.memory_space<hbm>>
      %dma_wait3A_308 = arith.constant 0 : i32
      %dma_wait3A_309 = arith.constant 0 : i32
      %dma_wait3A_310 = tpu.memref_slice %arg8[%dma_wait3A_300, %dma_wait3A_308, %dma_wait3A_309] : memref<4x16x512xf32, #tpu.memory_space<vmem>> -> memref<1x16x512xf32, #tpu.memory_space<vmem>>
      %dma_wait3A_311 = tpu.memref_squeeze %dma_wait3A_310 : memref<1x16x512xf32, #tpu.memory_space<vmem>> -> memref<16x512xf32, #tpu.memory_space<vmem>>
      %dma_wait3A_312 = arith.constant 0 : i32
      %dma_wait3A_313 = arith.constant 0 : i32
      %dma_wait3A_314 = tpu.memref_slice %arg2[%dma_wait3A_312, %dma_wait3A_313] : memref<16384x512xf32, #tpu.memory_space<hbm>> -> memref<16x512xf32, #tpu.memory_space<hbm>>
      tpu.wait_dma2 semaphore(%arg17 : memref<!tpu.dma_semaphore, #tpu.memory_space<semaphore_mem>>) src(%dma_wait3A_314 : memref<16x512xf32, #tpu.memory_space<hbm>>) dst(%dma_wait3A_311 : memref<16x512xf32, #tpu.memory_space<vmem>>)
      %scan3A_315 = arith.constant 0 : i32
      %scan3A_316 = arith.constant 16 : i32
      %scan3A_317 = arith.addi %scan3A_315, %scan3A_316 : i32
      %scan3A_318 = arith.constant 1 : i32
      %scan3A_319:4 = scf.for %scan3A_321 = %scan3A_315 to %scan3A_317 step %scan3A_318 iter_args(%scan3A_322 = %scan3A_263#0, %scan3A_323 = %scan3A_263#1, %scan3A_324 = %scan3A_263#2, %scan3A_325 = %scan3A_263#3) -> (vector<16xf32>, vector<16xf32>, vector<16xf32>, vector<16xf32>)  : i32 {
        %get3A = arith.constant 3 : i32
        %get3A_326 = arith.index_cast %get3A : i32 to index
        %get3A_327 = arith.index_cast %scan3A_321 : i32 to index
        %get3A_328 = arith.constant 0 : index
        %get3A_329 = tpu.vector_load %arg8[%get3A_326, %get3A_327, %get3A_328] {strides = array<i32>} : memref<4x16x512xf32, #tpu.memory_space<vmem>>, vector<1x1x16xf32>,
        %get3A_330 = vector.shape_cast %get3A_329 : vector<1x1x16xf32> to vector<16xf32>
        %get3A_331 = arith.constant 3 : i32
        %get3A_332 = arith.index_cast %get3A_331 : i32 to index
        %get3A_333 = arith.index_cast %scan3A_321 : i32 to index
        %get3A_334 = arith.constant 0 : index
        %get3A_335 = tpu.vector_load %arg7[%get3A_332, %get3A_333, %get3A_334] {strides = array<i32>} : memref<4x16x512xf32, #tpu.memory_space<vmem>>, vector<1x1x16xf32>,
        %get3A_336 = vector.shape_cast %get3A_335 : vector<1x1x16xf32> to vector<16xf32>
        %sub3A_337 = arith.subf %get3A_330, %get3A_336 : vector<16xf32>
        %mul3A_338 = arith.mulf %sub3A_337, %sub3A_337 : vector<16xf32>
        %add3A_339 = arith.addf %scan3A_322, %mul3A_338 : vector<16xf32>
        %get3A_340 = arith.constant 3 : i32
        %get3A_341 = arith.index_cast %get3A_340 : i32 to index
        %get3A_342 = arith.index_cast %scan3A_321 : i32 to index
        %get3A_343 = arith.constant 16 : index
        %get3A_344 = tpu.vector_load %arg8[%get3A_341, %get3A_342, %get3A_343] {strides = array<i32>} : memref<4x16x512xf32, #tpu.memory_space<vmem>>, vector<1x1x16xf32>,
        %get3A_345 = vector.shape_cast %get3A_344 : vector<1x1x16xf32> to vector<16xf32>
        %get3A_346 = arith.constant 3 : i32
        %get3A_347 = arith.index_cast %get3A_346 : i32 to index
        %get3A_348 = arith.index_cast %scan3A_321 : i32 to index
        %get3A_349 = arith.constant 16 : index
        %get3A_350 = tpu.vector_load %arg7[%get3A_347, %get3A_348, %get3A_349] {strides = array<i32>} : memref<4x16x512xf32, #tpu.memory_space<vmem>>, vector<1x1x16xf32>,
        %get3A_351 = vector.shape_cast %get3A_350 : vector<1x1x16xf32> to vector<16xf32>
        %sub3A_352 = arith.subf %get3A_345, %get3A_351 : vector<16xf32>
        %mul3A_353 = arith.mulf %sub3A_352, %sub3A_352 : vector<16xf32>
        %add3A_354 = arith.addf %scan3A_323, %mul3A_353 : vector<16xf32>
        %get3A_355 = arith.constant 3 : i32
        %get3A_356 = arith.index_cast %get3A_355 : i32 to index
        %get3A_357 = arith.index_cast %scan3A_321 : i32 to index
        %get3A_358 = arith.constant 32 : index
        %get3A_359 = tpu.vector_load %arg8[%get3A_356, %get3A_357, %get3A_358] {strides = array<i32>} : memref<4x16x512xf32, #tpu.memory_space<vmem>>, vector<1x1x16xf32>,
        %get3A_360 = vector.shape_cast %get3A_359 : vector<1x1x16xf32> to vector<16xf32>
        %get3A_361 = arith.constant 3 : i32
        %get3A_362 = arith.index_cast %get3A_361 : i32 to index
        %get3A_363 = arith.index_cast %scan3A_321 : i32 to index
        %get3A_364 = arith.constant 32 : index
        %get3A_365 = tpu.vector_load %arg7[%get3A_362, %get3A_363, %get3A_364] {strides = array<i32>} : memref<4x16x512xf32, #tpu.memory_space<vmem>>, vector<1x1x16xf32>,
        %get3A_366 = vector.shape_cast %get3A_365 : vector<1x1x16xf32> to vector<16xf32>
        %sub3A_367 = arith.subf %get3A_360, %get3A_366 : vector<16xf32>
        %mul3A_368 = arith.mulf %sub3A_367, %sub3A_367 : vector<16xf32>
        %add3A_369 = arith.addf %scan3A_324, %mul3A_368 : vector<16xf32>
        %get3A_370 = arith.constant 3 : i32
        %get3A_371 = arith.index_cast %get3A_370 : i32 to index
        %get3A_372 = arith.index_cast %scan3A_321 : i32 to index
        %get3A_373 = arith.constant 48 : index
        %get3A_374 = tpu.vector_load %arg8[%get3A_371, %get3A_372, %get3A_373] {strides = array<i32>} : memref<4x16x512xf32, #tpu.memory_space<vmem>>, vector<1x1x16xf32>,
        %get3A_375 = vector.shape_cast %get3A_374 : vector<1x1x16xf32> to vector<16xf32>
        %get3A_376 = arith.constant 3 : i32
        %get3A_377 = arith.index_cast %get3A_376 : i32 to index
        %get3A_378 = arith.index_cast %scan3A_321 : i32 to index
        %get3A_379 = arith.constant 48 : index
        %get3A_380 = tpu.vector_load %arg7[%get3A_377, %get3A_378, %get3A_379] {strides = array<i32>} : memref<4x16x512xf32, #tpu.memory_space<vmem>>, vector<1x1x16xf32>,
        %get3A_381 = vector.shape_cast %get3A_380 : vector<1x1x16xf32> to vector<16xf32>
        %sub3A_382 = arith.subf %get3A_375, %get3A_381 : vector<16xf32>
        %mul3A_383 = arith.mulf %sub3A_382, %sub3A_382 : vector<16xf32>
        %add3A_384 = arith.addf %scan3A_325, %mul3A_383 : vector<16xf32>
        %get3A_385 = arith.constant 3 : i32
        %get3A_386 = arith.index_cast %get3A_385 : i32 to index
        %get3A_387 = arith.index_cast %scan3A_321 : i32 to index
        %get3A_388 = arith.constant 64 : index
        %get3A_389 = tpu.vector_load %arg8[%get3A_386, %get3A_387, %get3A_388] {strides = array<i32>} : memref<4x16x512xf32, #tpu.memory_space<vmem>>, vector<1x1x16xf32>,
        %get3A_390 = vector.shape_cast %get3A_389 : vector<1x1x16xf32> to vector<16xf32>
        %get3A_391 = arith.constant 3 : i32
        %get3A_392 = arith.index_cast %get3A_391 : i32 to index
        %get3A_393 = arith.index_cast %scan3A_321 : i32 to index
        %get3A_394 = arith.constant 64 : index
        %get3A_395 = tpu.vector_load %arg7[%get3A_392, %get3A_393, %get3A_394] {strides = array<i32>} : memref<4x16x512xf32, #tpu.memory_space<vmem>>, vector<1x1x16xf32>,
        %get3A_396 = vector.shape_cast %get3A_395 : vector<1x1x16xf32> to vector<16xf32>
        %sub3A_397 = arith.subf %get3A_390, %get3A_396 : vector<16xf32>
        %mul3A_398 = arith.mulf %sub3A_397, %sub3A_397 : vector<16xf32>
        %add3A_399 = arith.addf %add3A_339, %mul3A_398 : vector<16xf32>
        %get3A_400 = arith.constant 3 : i32
        %get3A_401 = arith.index_cast %get3A_400 : i32 to index
        %get3A_402 = arith.index_cast %scan3A_321 : i32 to index
        %get3A_403 = arith.constant 80 : index
        %get3A_404 = tpu.vector_load %arg8[%get3A_401, %get3A_402, %get3A_403] {strides = array<i32>} : memref<4x16x512xf32, #tpu.memory_space<vmem>>, vector<1x1x16xf32>,
        %get3A_405 = vector.shape_cast %get3A_404 : vector<1x1x16xf32> to vector<16xf32>
        %get3A_406 = arith.constant 3 : i32
        %get3A_407 = arith.index_cast %get3A_406 : i32 to index
        %get3A_408 = arith.index_cast %scan3A_321 : i32 to index
        %get3A_409 = arith.constant 80 : index
        %get3A_410 = tpu.vector_load %arg7[%get3A_407, %get3A_408, %get3A_409] {strides = array<i32>} : memref<4x16x512xf32, #tpu.memory_space<vmem>>, vector<1x1x16xf32>,
        %get3A_411 = vector.shape_cast %get3A_410 : vector<1x1x16xf32> to vector<16xf32>
        %sub3A_412 = arith.subf %get3A_405, %get3A_411 : vector<16xf32>
        %mul3A_413 = arith.mulf %sub3A_412, %sub3A_412 : vector<16xf32>
        %add3A_414 = arith.addf %add3A_354, %mul3A_413 : vector<16xf32>
        %get3A_415 = arith.constant 3 : i32
        %get3A_416 = arith.index_cast %get3A_415 : i32 to index
        %get3A_417 = arith.index_cast %scan3A_321 : i32 to index
        %get3A_418 = arith.constant 96 : index
        %get3A_419 = tpu.vector_load %arg8[%get3A_416, %get3A_417, %get3A_418] {strides = array<i32>} : memref<4x16x512xf32, #tpu.memory_space<vmem>>, vector<1x1x16xf32>,
        %get3A_420 = vector.shape_cast %get3A_419 : vector<1x1x16xf32> to vector<16xf32>
        %get3A_421 = arith.constant 3 : i32
        %get3A_422 = arith.index_cast %get3A_421 : i32 to index
        %get3A_423 = arith.index_cast %scan3A_321 : i32 to index
        %get3A_424 = arith.constant 96 : index
        %get3A_425 = tpu.vector_load %arg7[%get3A_422, %get3A_423, %get3A_424] {strides = array<i32>} : memref<4x16x512xf32, #tpu.memory_space<vmem>>, vector<1x1x16xf32>,
        %get3A_426 = vector.shape_cast %get3A_425 : vector<1x1x16xf32> to vector<16xf32>
        %sub3A_427 = arith.subf %get3A_420, %get3A_426 : vector<16xf32>
        %mul3A_428 = arith.mulf %sub3A_427, %sub3A_427 : vector<16xf32>
        %add3A_429 = arith.addf %add3A_369, %mul3A_428 : vector<16xf32>
        %get3A_430 = arith.constant 3 : i32
        %get3A_431 = arith.index_cast %get3A_430 : i32 to index
        %get3A_432 = arith.index_cast %scan3A_321 : i32 to index
        %get3A_433 = arith.constant 112 : index
        %get3A_434 = tpu.vector_load %arg8[%get3A_431, %get3A_432, %get3A_433] {strides = array<i32>} : memref<4x16x512xf32, #tpu.memory_space<vmem>>, vector<1x1x16xf32>,
        %get3A_435 = vector.shape_cast %get3A_434 : vector<1x1x16xf32> to vector<16xf32>
        %get3A_436 = arith.constant 3 : i32
        %get3A_437 = arith.index_cast %get3A_436 : i32 to index
        %get3A_438 = arith.index_cast %scan3A_321 : i32 to index
        %get3A_439 = arith.constant 112 : index
        %get3A_440 = tpu.vector_load %arg7[%get3A_437, %get3A_438, %get3A_439] {strides = array<i32>} : memref<4x16x512xf32, #tpu.memory_space<vmem>>, vector<1x1x16xf32>,
        %get3A_441 = vector.shape_cast %get3A_440 : vector<1x1x16xf32> to vector<16xf32>
        %sub3A_442 = arith.subf %get3A_435, %get3A_441 : vector<16xf32>
        %mul3A_443 = arith.mulf %sub3A_442, %sub3A_442 : vector<16xf32>
        %add3A_444 = arith.addf %add3A_384, %mul3A_443 : vector<16xf32>
        %get3A_445 = arith.constant 3 : i32
        %get3A_446 = arith.index_cast %get3A_445 : i32 to index
        %get3A_447 = arith.index_cast %scan3A_321 : i32 to index
        %get3A_448 = arith.constant 128 : index
        %get3A_449 = tpu.vector_load %arg8[%get3A_446, %get3A_447, %get3A_448] {strides = array<i32>} : memref<4x16x512xf32, #tpu.memory_space<vmem>>, vector<1x1x16xf32>,
        %get3A_450 = vector.shape_cast %get3A_449 : vector<1x1x16xf32> to vector<16xf32>
        %get3A_451 = arith.constant 3 : i32
        %get3A_452 = arith.index_cast %get3A_451 : i32 to index
        %get3A_453 = arith.index_cast %scan3A_321 : i32 to index
        %get3A_454 = arith.constant 128 : index
        %get3A_455 = tpu.vector_load %arg7[%get3A_452, %get3A_453, %get3A_454] {strides = array<i32>} : memref<4x16x512xf32, #tpu.memory_space<vmem>>, vector<1x1x16xf32>,
        %get3A_456 = vector.shape_cast %get3A_455 : vector<1x1x16xf32> to vector<16xf32>
        %sub3A_457 = arith.subf %get3A_450, %get3A_456 : vector<16xf32>
        %mul3A_458 = arith.mulf %sub3A_457, %sub3A_457 : vector<16xf32>
        %add3A_459 = arith.addf %add3A_399, %mul3A_458 : vector<16xf32>
        %get3A_460 = arith.constant 3 : i32
        %get3A_461 = arith.index_cast %get3A_460 : i32 to index
        %get3A_462 = arith.index_cast %scan3A_321 : i32 to index
        %get3A_463 = arith.constant 144 : index
        %get3A_464 = tpu.vector_load %arg8[%get3A_461, %get3A_462, %get3A_463] {strides = array<i32>} : memref<4x16x512xf32, #tpu.memory_space<vmem>>, vector<1x1x16xf32>,
        %get3A_465 = vector.shape_cast %get3A_464 : vector<1x1x16xf32> to vector<16xf32>
        %get3A_466 = arith.constant 3 : i32
        %get3A_467 = arith.index_cast %get3A_466 : i32 to index
        %get3A_468 = arith.index_cast %scan3A_321 : i32 to index
        %get3A_469 = arith.constant 144 : index
        %get3A_470 = tpu.vector_load %arg7[%get3A_467, %get3A_468, %get3A_469] {strides = array<i32>} : memref<4x16x512xf32, #tpu.memory_space<vmem>>, vector<1x1x16xf32>,
        %get3A_471 = vector.shape_cast %get3A_470 : vector<1x1x16xf32> to vector<16xf32>
        %sub3A_472 = arith.subf %get3A_465, %get3A_471 : vector<16xf32>
        %mul3A_473 = arith.mulf %sub3A_472, %sub3A_472 : vector<16xf32>
        %add3A_474 = arith.addf %add3A_414, %mul3A_473 : vector<16xf32>
        %get3A_475 = arith.constant 3 : i32
        %get3A_476 = arith.index_cast %get3A_475 : i32 to index
        %get3A_477 = arith.index_cast %scan3A_321 : i32 to index
        %get3A_478 = arith.constant 160 : index
        %get3A_479 = tpu.vector_load %arg8[%get3A_476, %get3A_477, %get3A_478] {strides = array<i32>} : memref<4x16x512xf32, #tpu.memory_space<vmem>>, vector<1x1x16xf32>,
        %get3A_480 = vector.shape_cast %get3A_479 : vector<1x1x16xf32> to vector<16xf32>
        %get3A_481 = arith.constant 3 : i32
        %get3A_482 = arith.index_cast %get3A_481 : i32 to index
        %get3A_483 = arith.index_cast %scan3A_321 : i32 to index
        %get3A_484 = arith.constant 160 : index
        %get3A_485 = tpu.vector_load %arg7[%get3A_482, %get3A_483, %get3A_484] {strides = array<i32>} : memref<4x16x512xf32, #tpu.memory_space<vmem>>, vector<1x1x16xf32>,
        %get3A_486 = vector.shape_cast %get3A_485 : vector<1x1x16xf32> to vector<16xf32>
        %sub3A_487 = arith.subf %get3A_480, %get3A_486 : vector<16xf32>
        %mul3A_488 = arith.mulf %sub3A_487, %sub3A_487 : vector<16xf32>
        %add3A_489 = arith.addf %add3A_429, %mul3A_488 : vector<16xf32>
        %get3A_490 = arith.constant 3 : i32
        %get3A_491 = arith.index_cast %get3A_490 : i32 to index
        %get3A_492 = arith.index_cast %scan3A_321 : i32 to index
        %get3A_493 = arith.constant 176 : index
        %get3A_494 = tpu.vector_load %arg8[%get3A_491, %get3A_492, %get3A_493] {strides = array<i32>} : memref<4x16x512xf32, #tpu.memory_space<vmem>>, vector<1x1x16xf32>,
        %get3A_495 = vector.shape_cast %get3A_494 : vector<1x1x16xf32> to vector<16xf32>
        %get3A_496 = arith.constant 3 : i32
        %get3A_497 = arith.index_cast %get3A_496 : i32 to index
        %get3A_498 = arith.index_cast %scan3A_321 : i32 to index
        %get3A_499 = arith.constant 176 : index
        %get3A_500 = tpu.vector_load %arg7[%get3A_497, %get3A_498, %get3A_499] {strides = array<i32>} : memref<4x16x512xf32, #tpu.memory_space<vmem>>, vector<1x1x16xf32>,
        %get3A_501 = vector.shape_cast %get3A_500 : vector<1x1x16xf32> to vector<16xf32>
        %sub3A_502 = arith.subf %get3A_495, %get3A_501 : vector<16xf32>
        %mul3A_503 = arith.mulf %sub3A_502, %sub3A_502 : vector<16xf32>
        %add3A_504 = arith.addf %add3A_444, %mul3A_503 : vector<16xf32>
        %get3A_505 = arith.constant 3 : i32
        %get3A_506 = arith.index_cast %get3A_505 : i32 to index
        %get3A_507 = arith.index_cast %scan3A_321 : i32 to index
        %get3A_508 = arith.constant 192 : index
        %get3A_509 = tpu.vector_load %arg8[%get3A_506, %get3A_507, %get3A_508] {strides = array<i32>} : memref<4x16x512xf32, #tpu.memory_space<vmem>>, vector<1x1x16xf32>,
        %get3A_510 = vector.shape_cast %get3A_509 : vector<1x1x16xf32> to vector<16xf32>
        %get3A_511 = arith.constant 3 : i32
        %get3A_512 = arith.index_cast %get3A_511 : i32 to index
        %get3A_513 = arith.index_cast %scan3A_321 : i32 to index
        %get3A_514 = arith.constant 192 : index
        %get3A_515 = tpu.vector_load %arg7[%get3A_512, %get3A_513, %get3A_514] {strides = array<i32>} : memref<4x16x512xf32, #tpu.memory_space<vmem>>, vector<1x1x16xf32>,
        %get3A_516 = vector.shape_cast %get3A_515 : vector<1x1x16xf32> to vector<16xf32>
        %sub3A_517 = arith.subf %get3A_510, %get3A_516 : vector<16xf32>
        %mul3A_518 = arith.mulf %sub3A_517, %sub3A_517 : vector<16xf32>
        %add3A_519 = arith.addf %add3A_459, %mul3A_518 : vector<16xf32>
        %get3A_520 = arith.constant 3 : i32
        %get3A_521 = arith.index_cast %get3A_520 : i32 to index
        %get3A_522 = arith.index_cast %scan3A_321 : i32 to index
        %get3A_523 = arith.constant 208 : index
        %get3A_524 = tpu.vector_load %arg8[%get3A_521, %get3A_522, %get3A_523] {strides = array<i32>} : memref<4x16x512xf32, #tpu.memory_space<vmem>>, vector<1x1x16xf32>,
        %get3A_525 = vector.shape_cast %get3A_524 : vector<1x1x16xf32> to vector<16xf32>
        %get3A_526 = arith.constant 3 : i32
        %get3A_527 = arith.index_cast %get3A_526 : i32 to index
        %get3A_528 = arith.index_cast %scan3A_321 : i32 to index
        %get3A_529 = arith.constant 208 : index
        %get3A_530 = tpu.vector_load %arg7[%get3A_527, %get3A_528, %get3A_529] {strides = array<i32>} : memref<4x16x512xf32, #tpu.memory_space<vmem>>, vector<1x1x16xf32>,
        %get3A_531 = vector.shape_cast %get3A_530 : vector<1x1x16xf32> to vector<16xf32>
        %sub3A_532 = arith.subf %get3A_525, %get3A_531 : vector<16xf32>
        %mul3A_533 = arith.mulf %sub3A_532, %sub3A_532 : vector<16xf32>
        %add3A_534 = arith.addf %add3A_474, %mul3A_533 : vector<16xf32>
        %get3A_535 = arith.constant 3 : i32
        %get3A_536 = arith.index_cast %get3A_535 : i32 to index
        %get3A_537 = arith.index_cast %scan3A_321 : i32 to index
        %get3A_538 = arith.constant 224 : index
        %get3A_539 = tpu.vector_load %arg8[%get3A_536, %get3A_537, %get3A_538] {strides = array<i32>} : memref<4x16x512xf32, #tpu.memory_space<vmem>>, vector<1x1x16xf32>,
        %get3A_540 = vector.shape_cast %get3A_539 : vector<1x1x16xf32> to vector<16xf32>
        %get3A_541 = arith.constant 3 : i32
        %get3A_542 = arith.index_cast %get3A_541 : i32 to index
        %get3A_543 = arith.index_cast %scan3A_321 : i32 to index
        %get3A_544 = arith.constant 224 : index
        %get3A_545 = tpu.vector_load %arg7[%get3A_542, %get3A_543, %get3A_544] {strides = array<i32>} : memref<4x16x512xf32, #tpu.memory_space<vmem>>, vector<1x1x16xf32>,
        %get3A_546 = vector.shape_cast %get3A_545 : vector<1x1x16xf32> to vector<16xf32>
        %sub3A_547 = arith.subf %get3A_540, %get3A_546 : vector<16xf32>
        %mul3A_548 = arith.mulf %sub3A_547, %sub3A_547 : vector<16xf32>
        %add3A_549 = arith.addf %add3A_489, %mul3A_548 : vector<16xf32>
        %get3A_550 = arith.constant 3 : i32
        %get3A_551 = arith.index_cast %get3A_550 : i32 to index
        %get3A_552 = arith.index_cast %scan3A_321 : i32 to index
        %get3A_553 = arith.constant 240 : index
        %get3A_554 = tpu.vector_load %arg8[%get3A_551, %get3A_552, %get3A_553] {strides = array<i32>} : memref<4x16x512xf32, #tpu.memory_space<vmem>>, vector<1x1x16xf32>,
        %get3A_555 = vector.shape_cast %get3A_554 : vector<1x1x16xf32> to vector<16xf32>
        %get3A_556 = arith.constant 3 : i32
        %get3A_557 = arith.index_cast %get3A_556 : i32 to index
        %get3A_558 = arith.index_cast %scan3A_321 : i32 to index
        %get3A_559 = arith.constant 240 : index
        %get3A_560 = tpu.vector_load %arg7[%get3A_557, %get3A_558, %get3A_559] {strides = array<i32>} : memref<4x16x512xf32, #tpu.memory_space<vmem>>, vector<1x1x16xf32>,
        %get3A_561 = vector.shape_cast %get3A_560 : vector<1x1x16xf32> to vector<16xf32>
        %sub3A_562 = arith.subf %get3A_555, %get3A_561 : vector<16xf32>
        %mul3A_563 = arith.mulf %sub3A_562, %sub3A_562 : vector<16xf32>
        %add3A_564 = arith.addf %add3A_504, %mul3A_563 : vector<16xf32>
        %get3A_565 = arith.constant 3 : i32
        %get3A_566 = arith.index_cast %get3A_565 : i32 to index
        %get3A_567 = arith.index_cast %scan3A_321 : i32 to index
        %get3A_568 = arith.constant 256 : index
        %get3A_569 = tpu.vector_load %arg8[%get3A_566, %get3A_567, %get3A_568] {strides = array<i32>} : memref<4x16x512xf32, #tpu.memory_space<vmem>>, vector<1x1x16xf32>,
        %get3A_570 = vector.shape_cast %get3A_569 : vector<1x1x16xf32> to vector<16xf32>
        %get3A_571 = arith.constant 3 : i32
        %get3A_572 = arith.index_cast %get3A_571 : i32 to index
        %get3A_573 = arith.index_cast %scan3A_321 : i32 to index
        %get3A_574 = arith.constant 256 : index
        %get3A_575 = tpu.vector_load %arg7[%get3A_572, %get3A_573, %get3A_574] {strides = array<i32>} : memref<4x16x512xf32, #tpu.memory_space<vmem>>, vector<1x1x16xf32>,
        %get3A_576 = vector.shape_cast %get3A_575 : vector<1x1x16xf32> to vector<16xf32>
        %sub3A_577 = arith.subf %get3A_570, %get3A_576 : vector<16xf32>
        %mul3A_578 = arith.mulf %sub3A_577, %sub3A_577 : vector<16xf32>
        %add3A_579 = arith.addf %add3A_519, %mul3A_578 : vector<16xf32>
        %get3A_580 = arith.constant 3 : i32
        %get3A_581 = arith.index_cast %get3A_580 : i32 to index
        %get3A_582 = arith.index_cast %scan3A_321 : i32 to index
        %get3A_583 = arith.constant 272 : index
        %get3A_584 = tpu.vector_load %arg8[%get3A_581, %get3A_582, %get3A_583] {strides = array<i32>} : memref<4x16x512xf32, #tpu.memory_space<vmem>>, vector<1x1x16xf32>,
        %get3A_585 = vector.shape_cast %get3A_584 : vector<1x1x16xf32> to vector<16xf32>
        %get3A_586 = arith.constant 3 : i32
        %get3A_587 = arith.index_cast %get3A_586 : i32 to index
        %get3A_588 = arith.index_cast %scan3A_321 : i32 to index
        %get3A_589 = arith.constant 272 : index
        %get3A_590 = tpu.vector_load %arg7[%get3A_587, %get3A_588, %get3A_589] {strides = array<i32>} : memref<4x16x512xf32, #tpu.memory_space<vmem>>, vector<1x1x16xf32>,
        %get3A_591 = vector.shape_cast %get3A_590 : vector<1x1x16xf32> to vector<16xf32>
        %sub3A_592 = arith.subf %get3A_585, %get3A_591 : vector<16xf32>
        %mul3A_593 = arith.mulf %sub3A_592, %sub3A_592 : vector<16xf32>
        %add3A_594 = arith.addf %add3A_534, %mul3A_593 : vector<16xf32>
        %get3A_595 = arith.constant 3 : i32
        %get3A_596 = arith.index_cast %get3A_595 : i32 to index
        %get3A_597 = arith.index_cast %scan3A_321 : i32 to index
        %get3A_598 = arith.constant 288 : index
        %get3A_599 = tpu.vector_load %arg8[%get3A_596, %get3A_597, %get3A_598] {strides = array<i32>} : memref<4x16x512xf32, #tpu.memory_space<vmem>>, vector<1x1x16xf32>,
        %get3A_600 = vector.shape_cast %get3A_599 : vector<1x1x16xf32> to vector<16xf32>
        %get3A_601 = arith.constant 3 : i32
        %get3A_602 = arith.index_cast %get3A_601 : i32 to index
        %get3A_603 = arith.index_cast %scan3A_321 : i32 to index
        %get3A_604 = arith.constant 288 : index
        %get3A_605 = tpu.vector_load %arg7[%get3A_602, %get3A_603, %get3A_604] {strides = array<i32>} : memref<4x16x512xf32, #tpu.memory_space<vmem>>, vector<1x1x16xf32>,
        %get3A_606 = vector.shape_cast %get3A_605 : vector<1x1x16xf32> to vector<16xf32>
        %sub3A_607 = arith.subf %get3A_600, %get3A_606 : vector<16xf32>
        %mul3A_608 = arith.mulf %sub3A_607, %sub3A_607 : vector<16xf32>
        %add3A_609 = arith.addf %add3A_549, %mul3A_608 : vector<16xf32>
        %get3A_610 = arith.constant 3 : i32
        %get3A_611 = arith.index_cast %get3A_610 : i32 to index
        %get3A_612 = arith.index_cast %scan3A_321 : i32 to index
        %get3A_613 = arith.constant 304 : index
        %get3A_614 = tpu.vector_load %arg8[%get3A_611, %get3A_612, %get3A_613] {strides = array<i32>} : memref<4x16x512xf32, #tpu.memory_space<vmem>>, vector<1x1x16xf32>,
        %get3A_615 = vector.shape_cast %get3A_614 : vector<1x1x16xf32> to vector<16xf32>
        %get3A_616 = arith.constant 3 : i32
        %get3A_617 = arith.index_cast %get3A_616 : i32 to index
        %get3A_618 = arith.index_cast %scan3A_321 : i32 to index
        %get3A_619 = arith.constant 304 : index
        %get3A_620 = tpu.vector_load %arg7[%get3A_617, %get3A_618, %get3A_619] {strides = array<i32>} : memref<4x16x512xf32, #tpu.memory_space<vmem>>, vector<1x1x16xf32>,
        %get3A_621 = vector.shape_cast %get3A_620 : vector<1x1x16xf32> to vector<16xf32>
        %sub3A_622 = arith.subf %get3A_615, %get3A_621 : vector<16xf32>
        %mul3A_623 = arith.mulf %sub3A_622, %sub3A_622 : vector<16xf32>
        %add3A_624 = arith.addf %add3A_564, %mul3A_623 : vector<16xf32>
        %get3A_625 = arith.constant 3 : i32
        %get3A_626 = arith.index_cast %get3A_625 : i32 to index
        %get3A_627 = arith.index_cast %scan3A_321 : i32 to index
        %get3A_628 = arith.constant 320 : index
        %get3A_629 = tpu.vector_load %arg8[%get3A_626, %get3A_627, %get3A_628] {strides = array<i32>} : memref<4x16x512xf32, #tpu.memory_space<vmem>>, vector<1x1x16xf32>,
        %get3A_630 = vector.shape_cast %get3A_629 : vector<1x1x16xf32> to vector<16xf32>
        %get3A_631 = arith.constant 3 : i32
        %get3A_632 = arith.index_cast %get3A_631 : i32 to index
        %get3A_633 = arith.index_cast %scan3A_321 : i32 to index
        %get3A_634 = arith.constant 320 : index
        %get3A_635 = tpu.vector_load %arg7[%get3A_632, %get3A_633, %get3A_634] {strides = array<i32>} : memref<4x16x512xf32, #tpu.memory_space<vmem>>, vector<1x1x16xf32>,
        %get3A_636 = vector.shape_cast %get3A_635 : vector<1x1x16xf32> to vector<16xf32>
        %sub3A_637 = arith.subf %get3A_630, %get3A_636 : vector<16xf32>
        %mul3A_638 = arith.mulf %sub3A_637, %sub3A_637 : vector<16xf32>
        %add3A_639 = arith.addf %add3A_579, %mul3A_638 : vector<16xf32>
        %get3A_640 = arith.constant 3 : i32
        %get3A_641 = arith.index_cast %get3A_640 : i32 to index
        %get3A_642 = arith.index_cast %scan3A_321 : i32 to index
        %get3A_643 = arith.constant 336 : index
        %get3A_644 = tpu.vector_load %arg8[%get3A_641, %get3A_642, %get3A_643] {strides = array<i32>} : memref<4x16x512xf32, #tpu.memory_space<vmem>>, vector<1x1x16xf32>,
        %get3A_645 = vector.shape_cast %get3A_644 : vector<1x1x16xf32> to vector<16xf32>
        %get3A_646 = arith.constant 3 : i32
        %get3A_647 = arith.index_cast %get3A_646 : i32 to index
        %get3A_648 = arith.index_cast %scan3A_321 : i32 to index
        %get3A_649 = arith.constant 336 : index
        %get3A_650 = tpu.vector_load %arg7[%get3A_647, %get3A_648, %get3A_649] {strides = array<i32>} : memref<4x16x512xf32, #tpu.memory_space<vmem>>, vector<1x1x16xf32>,
        %get3A_651 = vector.shape_cast %get3A_650 : vector<1x1x16xf32> to vector<16xf32>
        %sub3A_652 = arith.subf %get3A_645, %get3A_651 : vector<16xf32>
        %mul3A_653 = arith.mulf %sub3A_652, %sub3A_652 : vector<16xf32>
        %add3A_654 = arith.addf %add3A_594, %mul3A_653 : vector<16xf32>
        %get3A_655 = arith.constant 3 : i32
        %get3A_656 = arith.index_cast %get3A_655 : i32 to index
        %get3A_657 = arith.index_cast %scan3A_321 : i32 to index
        %get3A_658 = arith.constant 352 : index
        %get3A_659 = tpu.vector_load %arg8[%get3A_656, %get3A_657, %get3A_658] {strides = array<i32>} : memref<4x16x512xf32, #tpu.memory_space<vmem>>, vector<1x1x16xf32>,
        %get3A_660 = vector.shape_cast %get3A_659 : vector<1x1x16xf32> to vector<16xf32>
        %get3A_661 = arith.constant 3 : i32
        %get3A_662 = arith.index_cast %get3A_661 : i32 to index
        %get3A_663 = arith.index_cast %scan3A_321 : i32 to index
        %get3A_664 = arith.constant 352 : index
        %get3A_665 = tpu.vector_load %arg7[%get3A_662, %get3A_663, %get3A_664] {strides = array<i32>} : memref<4x16x512xf32, #tpu.memory_space<vmem>>, vector<1x1x16xf32>,
        %get3A_666 = vector.shape_cast %get3A_665 : vector<1x1x16xf32> to vector<16xf32>
        %sub3A_667 = arith.subf %get3A_660, %get3A_666 : vector<16xf32>
        %mul3A_668 = arith.mulf %sub3A_667, %sub3A_667 : vector<16xf32>
        %add3A_669 = arith.addf %add3A_609, %mul3A_668 : vector<16xf32>
        %get3A_670 = arith.constant 3 : i32
        %get3A_671 = arith.index_cast %get3A_670 : i32 to index
        %get3A_672 = arith.index_cast %scan3A_321 : i32 to index
        %get3A_673 = arith.constant 368 : index
        %get3A_674 = tpu.vector_load %arg8[%get3A_671, %get3A_672, %get3A_673] {strides = array<i32>} : memref<4x16x512xf32, #tpu.memory_space<vmem>>, vector<1x1x16xf32>,
        %get3A_675 = vector.shape_cast %get3A_674 : vector<1x1x16xf32> to vector<16xf32>
        %get3A_676 = arith.constant 3 : i32
        %get3A_677 = arith.index_cast %get3A_676 : i32 to index
        %get3A_678 = arith.index_cast %scan3A_321 : i32 to index
        %get3A_679 = arith.constant 368 : index
        %get3A_680 = tpu.vector_load %arg7[%get3A_677, %get3A_678, %get3A_679] {strides = array<i32>} : memref<4x16x512xf32, #tpu.memory_space<vmem>>, vector<1x1x16xf32>,
        %get3A_681 = vector.shape_cast %get3A_680 : vector<1x1x16xf32> to vector<16xf32>
        %sub3A_682 = arith.subf %get3A_675, %get3A_681 : vector<16xf32>
        %mul3A_683 = arith.mulf %sub3A_682, %sub3A_682 : vector<16xf32>
        %add3A_684 = arith.addf %add3A_624, %mul3A_683 : vector<16xf32>
        %get3A_685 = arith.constant 3 : i32
        %get3A_686 = arith.index_cast %get3A_685 : i32 to index
        %get3A_687 = arith.index_cast %scan3A_321 : i32 to index
        %get3A_688 = arith.constant 384 : index
        %get3A_689 = tpu.vector_load %arg8[%get3A_686, %get3A_687, %get3A_688] {strides = array<i32>} : memref<4x16x512xf32, #tpu.memory_space<vmem>>, vector<1x1x16xf32>,
        %get3A_690 = vector.shape_cast %get3A_689 : vector<1x1x16xf32> to vector<16xf32>
        %get3A_691 = arith.constant 3 : i32
        %get3A_692 = arith.index_cast %get3A_691 : i32 to index
        %get3A_693 = arith.index_cast %scan3A_321 : i32 to index
        %get3A_694 = arith.constant 384 : index
        %get3A_695 = tpu.vector_load %arg7[%get3A_692, %get3A_693, %get3A_694] {strides = array<i32>} : memref<4x16x512xf32, #tpu.memory_space<vmem>>, vector<1x1x16xf32>,
        %get3A_696 = vector.shape_cast %get3A_695 : vector<1x1x16xf32> to vector<16xf32>
        %sub3A_697 = arith.subf %get3A_690, %get3A_696 : vector<16xf32>
        %mul3A_698 = arith.mulf %sub3A_697, %sub3A_697 : vector<16xf32>
        %add3A_699 = arith.addf %add3A_639, %mul3A_698 : vector<16xf32>
        %get3A_700 = arith.constant 3 : i32
        %get3A_701 = arith.index_cast %get3A_700 : i32 to index
        %get3A_702 = arith.index_cast %scan3A_321 : i32 to index
        %get3A_703 = arith.constant 400 : index
        %get3A_704 = tpu.vector_load %arg8[%get3A_701, %get3A_702, %get3A_703] {strides = array<i32>} : memref<4x16x512xf32, #tpu.memory_space<vmem>>, vector<1x1x16xf32>,
        %get3A_705 = vector.shape_cast %get3A_704 : vector<1x1x16xf32> to vector<16xf32>
        %get3A_706 = arith.constant 3 : i32
        %get3A_707 = arith.index_cast %get3A_706 : i32 to index
        %get3A_708 = arith.index_cast %scan3A_321 : i32 to index
        %get3A_709 = arith.constant 400 : index
        %get3A_710 = tpu.vector_load %arg7[%get3A_707, %get3A_708, %get3A_709] {strides = array<i32>} : memref<4x16x512xf32, #tpu.memory_space<vmem>>, vector<1x1x16xf32>,
        %get3A_711 = vector.shape_cast %get3A_710 : vector<1x1x16xf32> to vector<16xf32>
        %sub3A_712 = arith.subf %get3A_705, %get3A_711 : vector<16xf32>
        %mul3A_713 = arith.mulf %sub3A_712, %sub3A_712 : vector<16xf32>
        %add3A_714 = arith.addf %add3A_654, %mul3A_713 : vector<16xf32>
        %get3A_715 = arith.constant 3 : i32
        %get3A_716 = arith.index_cast %get3A_715 : i32 to index
        %get3A_717 = arith.index_cast %scan3A_321 : i32 to index
        %get3A_718 = arith.constant 416 : index
        %get3A_719 = tpu.vector_load %arg8[%get3A_716, %get3A_717, %get3A_718] {strides = array<i32>} : memref<4x16x512xf32, #tpu.memory_space<vmem>>, vector<1x1x16xf32>,
        %get3A_720 = vector.shape_cast %get3A_719 : vector<1x1x16xf32> to vector<16xf32>
        %get3A_721 = arith.constant 3 : i32
        %get3A_722 = arith.index_cast %get3A_721 : i32 to index
        %get3A_723 = arith.index_cast %scan3A_321 : i32 to index
        %get3A_724 = arith.constant 416 : index
        %get3A_725 = tpu.vector_load %arg7[%get3A_722, %get3A_723, %get3A_724] {strides = array<i32>} : memref<4x16x512xf32, #tpu.memory_space<vmem>>, vector<1x1x16xf32>,
        %get3A_726 = vector.shape_cast %get3A_725 : vector<1x1x16xf32> to vector<16xf32>
        %sub3A_727 = arith.subf %get3A_720, %get3A_726 : vector<16xf32>
        %mul3A_728 = arith.mulf %sub3A_727, %sub3A_727 : vector<16xf32>
        %add3A_729 = arith.addf %add3A_669, %mul3A_728 : vector<16xf32>
        %get3A_730 = arith.constant 3 : i32
        %get3A_731 = arith.index_cast %get3A_730 : i32 to index
        %get3A_732 = arith.index_cast %scan3A_321 : i32 to index
        %get3A_733 = arith.constant 432 : index
        %get3A_734 = tpu.vector_load %arg8[%get3A_731, %get3A_732, %get3A_733] {strides = array<i32>} : memref<4x16x512xf32, #tpu.memory_space<vmem>>, vector<1x1x16xf32>,
        %get3A_735 = vector.shape_cast %get3A_734 : vector<1x1x16xf32> to vector<16xf32>
        %get3A_736 = arith.constant 3 : i32
        %get3A_737 = arith.index_cast %get3A_736 : i32 to index
        %get3A_738 = arith.index_cast %scan3A_321 : i32 to index
        %get3A_739 = arith.constant 432 : index
        %get3A_740 = tpu.vector_load %arg7[%get3A_737, %get3A_738, %get3A_739] {strides = array<i32>} : memref<4x16x512xf32, #tpu.memory_space<vmem>>, vector<1x1x16xf32>,
        %get3A_741 = vector.shape_cast %get3A_740 : vector<1x1x16xf32> to vector<16xf32>
        %sub3A_742 = arith.subf %get3A_735, %get3A_741 : vector<16xf32>
        %mul3A_743 = arith.mulf %sub3A_742, %sub3A_742 : vector<16xf32>
        %add3A_744 = arith.addf %add3A_684, %mul3A_743 : vector<16xf32>
        %get3A_745 = arith.constant 3 : i32
        %get3A_746 = arith.index_cast %get3A_745 : i32 to index
        %get3A_747 = arith.index_cast %scan3A_321 : i32 to index
        %get3A_748 = arith.constant 448 : index
        %get3A_749 = tpu.vector_load %arg8[%get3A_746, %get3A_747, %get3A_748] {strides = array<i32>} : memref<4x16x512xf32, #tpu.memory_space<vmem>>, vector<1x1x16xf32>,
        %get3A_750 = vector.shape_cast %get3A_749 : vector<1x1x16xf32> to vector<16xf32>
        %get3A_751 = arith.constant 3 : i32
        %get3A_752 = arith.index_cast %get3A_751 : i32 to index
        %get3A_753 = arith.index_cast %scan3A_321 : i32 to index
        %get3A_754 = arith.constant 448 : index
        %get3A_755 = tpu.vector_load %arg7[%get3A_752, %get3A_753, %get3A_754] {strides = array<i32>} : memref<4x16x512xf32, #tpu.memory_space<vmem>>, vector<1x1x16xf32>,
        %get3A_756 = vector.shape_cast %get3A_755 : vector<1x1x16xf32> to vector<16xf32>
        %sub3A_757 = arith.subf %get3A_750, %get3A_756 : vector<16xf32>
        %mul3A_758 = arith.mulf %sub3A_757, %sub3A_757 : vector<16xf32>
        %add3A_759 = arith.addf %add3A_699, %mul3A_758 : vector<16xf32>
        %get3A_760 = arith.constant 3 : i32
        %get3A_761 = arith.index_cast %get3A_760 : i32 to index
        %get3A_762 = arith.index_cast %scan3A_321 : i32 to index
        %get3A_763 = arith.constant 464 : index
        %get3A_764 = tpu.vector_load %arg8[%get3A_761, %get3A_762, %get3A_763] {strides = array<i32>} : memref<4x16x512xf32, #tpu.memory_space<vmem>>, vector<1x1x16xf32>,
        %get3A_765 = vector.shape_cast %get3A_764 : vector<1x1x16xf32> to vector<16xf32>
        %get3A_766 = arith.constant 3 : i32
        %get3A_767 = arith.index_cast %get3A_766 : i32 to index
        %get3A_768 = arith.index_cast %scan3A_321 : i32 to index
        %get3A_769 = arith.constant 464 : index
        %get3A_770 = tpu.vector_load %arg7[%get3A_767, %get3A_768, %get3A_769] {strides = array<i32>} : memref<4x16x512xf32, #tpu.memory_space<vmem>>, vector<1x1x16xf32>,
        %get3A_771 = vector.shape_cast %get3A_770 : vector<1x1x16xf32> to vector<16xf32>
        %sub3A_772 = arith.subf %get3A_765, %get3A_771 : vector<16xf32>
        %mul3A_773 = arith.mulf %sub3A_772, %sub3A_772 : vector<16xf32>
        %add3A_774 = arith.addf %add3A_714, %mul3A_773 : vector<16xf32>
        %get3A_775 = arith.constant 3 : i32
        %get3A_776 = arith.index_cast %get3A_775 : i32 to index
        %get3A_777 = arith.index_cast %scan3A_321 : i32 to index
        %get3A_778 = arith.constant 480 : index
        %get3A_779 = tpu.vector_load %arg8[%get3A_776, %get3A_777, %get3A_778] {strides = array<i32>} : memref<4x16x512xf32, #tpu.memory_space<vmem>>, vector<1x1x16xf32>,
        %get3A_780 = vector.shape_cast %get3A_779 : vector<1x1x16xf32> to vector<16xf32>
        %get3A_781 = arith.constant 3 : i32
        %get3A_782 = arith.index_cast %get3A_781 : i32 to index
        %get3A_783 = arith.index_cast %scan3A_321 : i32 to index
        %get3A_784 = arith.constant 480 : index
        %get3A_785 = tpu.vector_load %arg7[%get3A_782, %get3A_783, %get3A_784] {strides = array<i32>} : memref<4x16x512xf32, #tpu.memory_space<vmem>>, vector<1x1x16xf32>,
        %get3A_786 = vector.shape_cast %get3A_785 : vector<1x1x16xf32> to vector<16xf32>
        %sub3A_787 = arith.subf %get3A_780, %get3A_786 : vector<16xf32>
        %mul3A_788 = arith.mulf %sub3A_787, %sub3A_787 : vector<16xf32>
        %add3A_789 = arith.addf %add3A_729, %mul3A_788 : vector<16xf32>
        %get3A_790 = arith.constant 3 : i32
        %get3A_791 = arith.index_cast %get3A_790 : i32 to index
        %get3A_792 = arith.index_cast %scan3A_321 : i32 to index
        %get3A_793 = arith.constant 496 : index
        %get3A_794 = tpu.vector_load %arg8[%get3A_791, %get3A_792, %get3A_793] {strides = array<i32>} : memref<4x16x512xf32, #tpu.memory_space<vmem>>, vector<1x1x16xf32>,
        %get3A_795 = vector.shape_cast %get3A_794 : vector<1x1x16xf32> to vector<16xf32>
        %get3A_796 = arith.constant 3 : i32
        %get3A_797 = arith.index_cast %get3A_796 : i32 to index
        %get3A_798 = arith.index_cast %scan3A_321 : i32 to index
        %get3A_799 = arith.constant 496 : index
        %get3A_800 = tpu.vector_load %arg7[%get3A_797, %get3A_798, %get3A_799] {strides = array<i32>} : memref<4x16x512xf32, #tpu.memory_space<vmem>>, vector<1x1x16xf32>,
        %get3A_801 = vector.shape_cast %get3A_800 : vector<1x1x16xf32> to vector<16xf32>
        %sub3A_802 = arith.subf %get3A_795, %get3A_801 : vector<16xf32>
        %mul3A_803 = arith.mulf %sub3A_802, %sub3A_802 : vector<16xf32>
        %add3A_804 = arith.addf %add3A_744, %mul3A_803 : vector<16xf32>
        scf.yield %add3A_759, %add3A_774, %add3A_789, %add3A_804 : vector<16xf32>, vector<16xf32>, vector<16xf32>, vector<16xf32>
      }
      %scan3A_320 = arith.constant 16 : i32
      scf.yield %scan3A_319#0, %scan3A_319#1, %scan3A_319#2, %scan3A_319#3 : vector<16xf32>, vector<16xf32>, vector<16xf32>, vector<16xf32>
    }
    %scan3A_88 = arith.constant 8 : i32
    %add3A_89 = arith.addf %scan3A_87#0, %scan3A_87#1 : vector<16xf32>
    %add3A_90 = arith.addf %scan3A_87#2, %scan3A_87#3 : vector<16xf32>
    %add3A_91 = arith.addf %add3A_89, %add3A_90 : vector<16xf32>
    %swap3A = arith.constant 0 : index
    %swap3A_92 = tpu.vector_load %arg9[%swap3A] {strides = array<i32>} : memref<16xf32, #tpu.memory_space<vmem>>, vector<16xf32>,
    %swap3A_93 = vector.shape_cast %swap3A_92 : vector<16xf32> to vector<16xf32>
    %swap3A_94 = vector.shape_cast %add3A_91 : vector<16xf32> to vector<16xf32>
    tpu.vector_store %arg9[%swap3A], %swap3A_94 {strides = array<i32>} : memref<16xf32, #tpu.memory_space<vmem>>, vector<16xf32>,
    "tpu.region"() ({
      %run_scoped3A = tpu.sem_alloc : memref<!tpu.dma_semaphore, #tpu.memory_space<semaphore_mem>>
      %dma_start3A_95 = arith.constant 0 : i32
      %dma_start3A_96 = tpu.memref_slice %arg5[%add3A, %dma_start3A_95] : memref<32x16xf32, #tpu.memory_space<hbm>> -> memref<1x16xf32, #tpu.memory_space<hbm>>
      %dma_start3A_97 = tpu.memref_squeeze %dma_start3A_96 : memref<1x16xf32, #tpu.memory_space<hbm>> -> memref<16xf32, #tpu.memory_space<hbm>>
      %dma_start3A_98 = arith.constant 0 : i32
      %dma_start3A_99 = tpu.memref_slice %arg5[%add3A, %dma_start3A_98] : memref<32x16xf32, #tpu.memory_space<hbm>> -> memref<1x16xf32, #tpu.memory_space<hbm>>
      %dma_start3A_100 = tpu.memref_squeeze %dma_start3A_99 : memref<1x16xf32, #tpu.memory_space<hbm>> -> memref<16xf32, #tpu.memory_space<hbm>>
      tpu.enqueue_dma source(%arg9 : memref<16xf32, #tpu.memory_space<vmem>>) target(%dma_start3A_100 : memref<16xf32, #tpu.memory_space<hbm>>) target_semaphore(%run_scoped3A : memref<!tpu.dma_semaphore, #tpu.memory_space<semaphore_mem>>)
      %dma_wait3A = arith.constant 0 : i32
      %dma_wait3A_101 = tpu.memref_slice %arg5[%add3A, %dma_wait3A] : memref<32x16xf32, #tpu.memory_space<hbm>> -> memref<1x16xf32, #tpu.memory_space<hbm>>
      %dma_wait3A_102 = tpu.memref_squeeze %dma_wait3A_101 : memref<1x16xf32, #tpu.memory_space<hbm>> -> memref<16xf32, #tpu.memory_space<hbm>>
      %dma_wait3A_103 = arith.constant 0 : i32
      %dma_wait3A_104 = tpu.memref_slice %arg5[%add3A, %dma_wait3A_103] : memref<32x16xf32, #tpu.memory_space<hbm>> -> memref<1x16xf32, #tpu.memory_space<hbm>>
      %dma_wait3A_105 = tpu.memref_squeeze %dma_wait3A_104 : memref<1x16xf32, #tpu.memory_space<hbm>> -> memref<16xf32, #tpu.memory_space<hbm>>
      tpu.wait_dma2 semaphore(%run_scoped3A : memref<!tpu.dma_semaphore, #tpu.memory_space<semaphore_mem>>) src(%arg9 : memref<16xf32, #tpu.memory_space<vmem>>) dst(%dma_wait3A_105 : memref<16xf32, #tpu.memory_space<hbm>>)
      tpu.yield
    }) : () -> ()
    return
  }
}

</mosaic_0001>

<sc_bundles>
// kernel: _center_loss_partials.3.cloned.1.call-start
scs
__scs_entry_jumppad:
0x0: {  	(pc) =	sbr.rel $0x88, $3  }
0x1: {  	(tag) =	ssettag $0x0;
	lr =	simm.s32 $0x1  }
0x2: {  	[smem:$0x3F9E] =	sst lr;
	_ =	strace $0xD0000000  }
0x3: {  	_ = 	snop  }
0x4: {  	_ = 	snop  }
0x5: {  	_ = 	snop  }
0x6: {  	_ = 	snop  }
0x7: {  	_ = 	snop  }
__scs_overlays_trampoline_lowered:
0x8: {  	[smem:$0x3FAD] =	sst s0  }
0x9: {  	[smem:$0x3FAE] =	sst s1  }
0xa: {  	[smem:$0x3FAF] =	sst s2  }
0xb: {  	[smem:$0x3FB0] =	sst s3  }
0xc: {  	[smem:$0x3FB1] =	sst s4  }
0xd: {  	[smem:$0x3FB2] =	sst s5  }
0xe: {  	[smem:$0x3FB3] =	sst s6  }
0xf: {  	[smem:$0x3FB4] =	sst s7  }
0x10: {  	[smem:$0x3FB5] =	sst s8  }
0x11: {  	[smem:$0x3FB6] =	sst s9;
	s0 =	simm.s32 @!p0 $0x0  }
0x12: {  	s1 =	sld [smem:$0x3F9C];
	s0 =	simm.s32 @p0 $0x1  }
0x13: {  	[smem:$0x3FB7] =	sst s0;
	s0 =	simm.s32 @!p1 $0x0  }
0x14: {  	s2 =	sld [smem:$0x3F9B];
	s0 =	simm.s32 @p1 $0x1  }
0x15: {  	[smem:$0x3FB8] =	sst s0;
	s0 =	simm.s32 @!p2 $0x0  }
0x16: {  	s3 =	sld [smem:$0x3FDB];
	s0 =	simm.s32 @p2 $0x1  }
0x17: {  	s4 =	simm.s32 $0x1BF5;
	[smem:$0x3FBA] =	sst s0  }
0x18: {  	s0 =	sld [smem:$0x3F9D];
	_ =	swait.ge [sflag:s4], $0x0  }
0x19: {  	s7 =	sld [smem:$0x3F9E]  }
0x1a: {  	s8 =	sadd.s32 $0xFFFFE003, lr  }
0x1b: {  	s9 =	sadd.s32 $0xFFFFFEF7, lr;
	s5 =	simm.s32 $0xFFFFFFFF;
	p2 =	slt.u32 s8, $0xFFFFF086  }
0x1c: {  	p1 =	slt.u32 s9, $0xF7A;
	s5 =	simm.s32 @!p2 $0x0  }
0x1d: {  	s5 =	simm.s32 @p1 $0x1;
	p0 =	seq.s32 s7, s2  }
0x1e: {  	s7 =	smul.u32 @!p0 $0xF7A, s2;
	p2 =	seq.s32 @!p0 s5, $0x0  }
0x1f: {  	s9 =	smul.u32 $0xF7A, s1;
	s8 =	simm.s32 @!p0 $0x1BF5;
	p2 =	por !p2, p0  }
0x20: {  	[sflag:s8] =	ssyncset.s32 @!p0 $0xFFFFF086;
	s6 =	sadd.s32 @!p0 s3, s7;
	s7 =	simm.s32 @!p0 $0x108  }
0x21: {  	s3 =	sadd.s32 s3, s9;
	s6 =	sadd.s32 @!p0 $0x88, s6;
	s7 =	simm.s32 @p2 $0x1082  }
0x22: {  	[simem:s7], [sflag:s8] =	dma.local @!p0 [hbm:s6], $0xF7A  }
0x23: {  	s9 =	sor.u32 $0xD0000000, s2;
	s6 =	simm.s32 $0x108;
	_ =	swait.ge @!p0 [sflag:s8], $0x0  }
0x24: {  	s3 =	sadd.s32 $0x88, s3;
	s6 =	simm.s32 @!p1 $0x1082;
	[sflag:s4] =	ssyncset.s32 $0xFFFFF086  }
0x25: {  	[simem:s6], [sflag:s4] =	dma.local [hbm:s3], $0xF7A  }
0x26: {  	[smem:$0x3F9E] =	sst s1;
	(tag) =	ssettag s2;
	_ =	strace s9  }
0x27: {  	s1 =	sld [smem:$0x3FAE]  }
0x28: {  	s2 =	sld [smem:$0x3FAF]  }
0x29: {  	s4 =	sld [smem:$0x3FB1]  }
0x2a: {  	p0 =	seq.s32 s5, $0x0;
	s5 =	sld [smem:$0x3FB2]  }
0x2b: {  	s6 =	sld [smem:$0x3FB3]  }
0x2c: {  	s7 =	sld [smem:$0x3FB4]  }
0x2d: {  	s3 =	simm.s32 $0x108;
	s8 =	sld [smem:$0x3FB5]  }
0x2e: {  	s3 =	simm.s32 @!p0 $0x1082;
	s9 =	sld [smem:$0x3FB6]  }
0x2f: {  	lr =	sadd.s32 s0, s3;
	s0 =	sld [smem:$0x3FAD]  }
0x30: {  	s3 =	sld [smem:$0x3FB0]  }
0x31: {  	[smem:$0x3FB9] =	sst s10  }
0x32: {  	s10 =	sld [smem:$0x3FB7];
	_ =	sdelay $0x3  }
0x33: {  	p0 =	seq.s32 s10, $0x1;
	s10 =	sld [smem:$0x3FB9];
	_ =	sdelay $0x3  }
0x34: {  	[smem:$0x3FB9] =	sst s10  }
0x35: {  	s10 =	sld [smem:$0x3FB8];
	_ =	sdelay $0x3  }
0x36: {  	p1 =	seq.s32 s10, $0x1;
	s10 =	sld [smem:$0x3FB9];
	_ =	sdelay $0x3  }
0x37: {  	[smem:$0x3FB9] =	sst s10  }
0x38: {  	s10 =	sld [smem:$0x3FBA]  }
0x39: {  	_ = 	snop;
	(pc) =	sbr.ind lr, $3  }
0x3a: {  	_ = 	snop  }
0x3b: {  	_ = 	snop  }
0x3c: {  	p2 =	seq.s32 s10, $0x1;
	s10 =	sld [smem:$0x3FB9]  }
0x3d: {  	_ =	shalt  }
0x3e: {  	_ =	shalt  }
0x3f: {  	_ =	shalt  }
0x40: {  	_ =	shalt  }
0x41: {  	_ =	shalt  }
0x42: {  	_ =	shalt  }
0x43: {  	_ =	shalt  }
0x44: {  	_ =	shalt  }
0x45: {  	_ =	shalt  }
0x46: {  	_ =	shalt  }
0x47: {  	_ =	shalt  }
0x48: {  	_ =	shalt  }
0x49: {  	_ =	shalt  }
0x4a: {  	_ =	shalt  }
0x4b: {  	_ =	shalt  }
0x4c: {  	_ =	shalt  }
0x4d: {  	_ =	shalt  }
0x4e: {  	_ =	shalt  }
0x4f: {  	_ =	shalt  }
0x50: {  	_ =	shalt  }
0x51: {  	_ =	shalt  }
0x52: {  	_ =	shalt  }
0x53: {  	_ =	shalt  }
0x54: {  	_ =	shalt  }
0x55: {  	_ =	shalt  }
0x56: {  	_ =	shalt  }
0x57: {  	_ =	shalt  }
0x58: {  	_ =	shalt  }
0x59: {  	_ =	shalt  }
0x5a: {  	_ =	shalt  }
0x5b: {  	_ =	shalt  }
0x5c: {  	_ =	shalt  }
0x5d: {  	_ =	shalt  }
0x5e: {  	_ =	shalt  }
0x5f: {  	_ =	shalt  }
0x60: {  	_ =	shalt  }
0x61: {  	_ =	shalt  }
0x62: {  	_ =	shalt  }
0x63: {  	_ =	shalt  }
0x64: {  	_ =	shalt  }
0x65: {  	_ =	shalt  }
0x66: {  	_ =	shalt  }
0x67: {  	_ =	shalt  }
0x68: {  	_ =	shalt  }
0x69: {  	_ =	shalt  }
0x6a: {  	_ =	shalt  }
0x6b: {  	_ =	shalt  }
0x6c: {  	_ =	shalt  }
0x6d: {  	_ =	shalt  }
0x6e: {  	_ =	shalt  }
0x6f: {  	_ =	shalt  }
0x70: {  	_ =	shalt  }
0x71: {  	_ =	shalt  }
0x72: {  	_ =	shalt  }
0x73: {  	_ =	shalt  }
0x74: {  	_ =	shalt  }
0x75: {  	_ =	shalt  }
0x76: {  	_ =	shalt  }
0x77: {  	_ =	shalt  }
0x78: {  	_ =	shalt  }
0x79: {  	_ =	shalt  }
0x7a: {  	_ =	shalt  }
0x7b: {  	_ =	shalt  }
0x7c: {  	_ =	shalt  }
0x7d: {  	_ =	shalt  }
0x7e: {  	_ =	shalt  }
0x7f: {  	_ =	shalt  }
0x80: {  	_ =	shalt  }
0x81: {  	_ =	shalt  }
0x82: {  	_ =	shalt  }
0x83: {  	_ =	shalt  }
0x84: {  	_ =	shalt  }
0x85: {  	_ =	shalt  }
0x86: {  	_ =	shalt  }
0x87: {  	_ =	shalt  }
.Lfunc_end0:
.L_simem_size_0:
called_computation_lowered:
.L_overlay_start_0:
0x88: {  	s2 =	sld [smem:$0x3FD9]  }
0x89: {  	s3 =	sld [smem:$0x3FFE];
	_ =	sdelay $0x1  }
0x8a: {  	s1 =	srdreg.scid  }
0x8b: {  	s0 =	sand.u32 $0x1, s1  }
0x8c: {  	s17 =	sshll.u32 s0, $0xA;
	s2 =	sadd.s32 s3, s2  }
0x8d: {  	s2 =	sadd.s32 s2, s17  }
0x8e: {  	[smem:$0x3FC5] =	sst s2  }
0x8f: {  	_ = 	snop  }
0x90: {  	s2 =	sld [smem:$0x3FC9]  }
0x91: {  	s18 =	sld [smem:$0x3FC8]  }
0x92: {  	s4 =	sld [smem:$0x3FC7];
	(tm) =	ssettm $0x1  }
0x93: {  	s5 =	sld [smem:$0x3FFB];
	_ =	sdelay $0x3  }
0x94: {  	_ =	strace s5  }
0x95: {  	s5 =	sld [smem:$0x3FFC];
	_ =	sdelay $0x3  }
0x96: {  	_ =	strace s5  }
0x97: {  	s5 =	sld [smem:$0x3FFD];
	_ =	sdelay $0x3  }
0x98: {  	_ =	strace s5  }
0x99: {  	_ =	strace $0x8FFFFFFF  }
0x9a: {  	s19 =	sld [smem:$0x3FDB];
	_ =	sdelay $0x1  }
0x9b: {  	s6 =	simm.s32 $_scs_section_size  }
0x9c: {  	s7 =	simm.s32 $_size__tile_overlayer_lowered;
	s8 =	simm.s32 $_tile_overlayer_lowered  }
0x9d: {  	s22 =	simm.s32 $0x1BFF;
	s21 =	sshll.u32 s8, $0x1;
	s5 =	sadd.s32 s6, s19  }
0x9e: {  	s9 =	simm.s32 $0x0;
	s20 =	sshll.u32 s7, $0x1;
	s7 =	sadd.s32 s21, s5  }
0x9f: {  	[timem:s9], [sflag:s22] =	dma.local [hbm:s7], s20  }
0xa0: {  	_ =	swait.ge [sflag:s22], s20  }
0xa1: {  	s6 =	ssub.s32 $0x0, s20;
	[sflag:s22] =	ssyncset.done $0x0  }
0xa2: {  	[sflag:s22] =	ssyncadd.s32 s6;
	_ =	sdelay $0x1  }
0xa3: {  	s23 =	simm.s32 $0x1B8B  }
0xa4: {  	_ =	swait.ge [sflag:s23], $0x1  }
0xa5: {  	[sflag:s23] =	ssyncset.done $0x0  }
0xa6: {  	s25 =	simm.s32 $0x1B8E;
	s24 =	sld [smem:$0x3FFE];
	[sflag:s23] =	ssyncadd.s32 $0xFFFFFFFF  }
0xa7: {  	s26 =	simm.s32 $execute0_lowered;
	[smem:$0x3FD2] =	sst s25  }
0xa8: {  	s7 =	sshll.u32 s26, $0x1;
	_ =	strace $0x80000046;
	[dreg:$0x1] =	wrdreg $0xFFFFFFFF  }
0xa9: {  	s28 =	simm.s32 $_size_execute0_lowered;
	s5 =	sadd.s32 s5, s7;
	[dreg:$0x0] =	wrdreg $0x0  }
0xaa: {  	s7 =	sshll.u32 s28, $0x1;
	[dreg:$0x2] =	wrdreg s5  }
0xab: {  	[dreg:$0x3] =	wrdreg s7  }
0xac: {  	[dreg:$0x4] =	wrdreg $0xC0  }
0xad: {  	_ =	task [dreg:s9], $0x5FFFF  }
0xae: {  	[dreg:$0x1] =	wrdreg $0xFFFFFFFF  }
0xaf: {  	[dreg:$0x0] =	wrdreg $0x60  }
0xb0: {  	[dreg:$0x2] =	wrdreg s2  }
0xb1: {  	[dreg:$0x3] =	wrdreg s18  }
0xb2: {  	[dreg:$0x4] =	wrdreg s4  }
0xb3: {  	[dreg:$0x5] =	wrdreg s24  }
0xb4: {  	[dreg:$0x6] =	wrdreg $0x9  }
0xb5: {  	_ =	task.clear_ibuf [dreg:s9], $0x7FFFF;
	_ =	strace $0x90000046  }
0xb6: {  	s29 =	simm.s32 $0x9;
	_ =	strace $0x80000048  }
0xb7: {  	_ =	swait.ge [sflag:s29], $0x1  }
0xb8: {  	[sflag:s29] =	ssyncadd.s32 $0xFFFFFFFF  }
0xb9: {  	_ =	strace $0x90000048  }
0xba: {  	_ =	sfence  }
0xbb: {  	s30 =	sld [smem:$0x0];
	_ =	sdelay $0x2  }
0xbc: {  	s31 =	sshll.u32 s1, $0xD;
	s1 =	sshrl.u32 s1, $0x2  }
0xbd: {  	s3 =	sand.u32 $0x4000, s31;
	s1 =	sadd.s32 s1, s30  }
0xbe: {  	s0 =	sor.u32 s3, s0;
	s1 =	sshll.u32 s1, $0x11  }
0xbf: {  	s0 =	sor.u32 s1, s0  }
0xc0: {  	s0 =	sadd.s32 $0x8F2B, s0  }
0xc1: {  	[sflag:s0] =	ssyncadd.remote.s32 $0x1  }
0xc2: {  	_ =	sfence.sel $0xFFFF  }
0xc3: {  	[dreg:$0x0] =	wrdreg $0xFFFFFFFF;
	(pc) =	sbr.abs _section_cstart, $3  }
0xc4: {  	[dreg:$0x1] =	wrdreg $0xFFFFFFFF  }
0xc5: {  	_ =	task.clear_ibuf [dreg:s9], $0x2FFFF;
	_ =	strace $0x9FFFFFFF  }
0xc6: {  	(tm) =	ssettm $0x7FFFFFFF  }
0xc7: {  	_ =	shalt  }
tec
execute0_lowered:
.L_overlay_start_1:
0x0: {  	(tag) =	ssettag $0x1  }
0x1: {  	s1 =	rddreg [dreg:$0x0]  }
0x2: {  	s0 =	rddreg [dreg:$0x1]  }
0x3: {  	s3 =	rddreg [dreg:$0x2];
	s2 =	srdreg.scid  }
0x4: {  	s4 =	stileid.u32;
	s5 =	rddreg [dreg:$0x3]  }
0x5: {  	s13 =	simm.s32 $0x9;
	s30 =	simm.s32 $0x6200;
	s31 =	simm.s32 $0x6A00  }
0x6: {  	s14 =	simm.s32 $0xE200;
	s15 =	simm.s32 $0x1;
	s16 =	simm.s32 $0x5  }
0x7: {  	s17 =	simm.s32 $0x2;
	s18 =	simm.s32 $0x6;
	s19 =	simm.s32 $0x3  }
0x8: {  	s20 =	simm.s32 $0x7;
	s21 =	simm.s32 $0x4;
	s22 =	simm.s32 $0x8  }
0x9: {  	s2 =	sand.u32 $0x1, s2;
	s6 =	sshll.u32 s4, $0x1;
	s4 =	simm.s32 $0x0  }
0xa: {  	s24 =	simm.s32 $0x0;
	s6 =	sor.u32 s2, s6;
	[smem:$0x7FF] =	sst s4  }
0xb: {  	s2 =	ssub.s32 $0x2, s2;
	s7 =	sshll.u32 s6, $0x4;
	_ =	strace $0x80000047  }
0xc: {  	s25 =	sshrl.u32 s2, $0x1;
	s26 =	sshll.u32 s6, $0x6;
	s8 =	sshll.u32 s6, $0xF  }
0xd: {  	v2 =	vlaneseq.u32;
	s11 =	sadd.s32 s7, s5;
	s2 =	ssub.s32 s2, s25;
	s5 =	sshll.u32 s6, $0x9  }
0xe: {  	v0 =	vand.u32 $0x7, v2;
	v1 =	vshrl.u32 v2, $0x3;
	s0 =	sadd.s32 s0, s26;
	s7 =	sadd.s32 s1, s8;
	s8 =	sadd.s32 $0x100, s3  }
0xf: {  	v63 =	vor.u32 $0x8, v2;
	v62 =	vmul.u32 $0x8, v1;
	[tilespmem:$0x1FFD0] =	vst v0;
	[dreg:$0x5] =	wrdreg s0;
	s28 =	sadd.s32 $0x400, s7;
	s29 =	sadd.s32 $0x800, s7  }
0x10: {  	[tilespmem:$0x1FFF0] =	vst v63;
	s11 =	sadd.s32 $0x400, s11;
	s12 =	smax.u32 s2, $0x1;
	[dreg:$0x6] =	wrdreg s28  }
0x11: {  	vm0 =	vmmov $0xffff;
	[tilespmem:$0x1FFE0] =	vst v62;
	s2 =	simm.s32 $0x7200;
	s0 =	simm.s32 $0x7A00;
	[dreg:$0x7] =	wrdreg s29  }
.LBB2_1:
0x12: {  	s6 =	rddreg [dreg:$0x5]  }
0x13: {  	[tilespmem:s4], [sflag:$0x9] =	stream.linear.gather [hbm4b:s6+s4], $0x200, $0x38;
	[tilespmem:$0x10280] =	vst v63  }
0x14: {  	_ =	swait.ge [sflag:s13], $0x200  }
0x15: {  	[sflag:s13] =	ssyncset.done $0x0  }
0x16: {  	[sflag:s13] =	ssyncadd.s32 $0xFFFFFE00  }
0x17: {  	v3 =	vld [tilespmem:$0x0];
	_ =	sdelay $0x2  }
0x18: {  	v0 =	vld [tilespmem:$0x1FFD0];
	_ =	sdelay $0x1  }
0x19: {  	v1 =	vld [tilespmem:$0x1FFE0];
	v4 =	vshll.u32 v3, $0x2  }
0x1a: {  	v3 =	vand.u32 $0x7, v3;
	v4 =	vand.u32 $0xFFFFFFE0, v4  }
0x1b: {  	v2 =	vld [tilespmem:$0x1FFF0];
	v3 =	vor.u32 v3, v4  }
0x1c: {  	v4 =	vperm.xlane v3, v0;
	_ =	sdelay $0x1  }
0x1d: {  	v4 =	vadd.s32 v1, v4;
	_ =	sdelay $0x1  }
0x1e: {  	v3 =	vperm.xlane v3, v2;
	_ =	sdelay $0x1  }
0x1f: {  	s28 =	simm.s32 $0x200;
	v3 =	vadd.s32 v1, v3  }
0x20: {  	[tilespmem:s28], [sflag:$0x1] =	stream.indirect_vreg.gather [hbm4b:s3+s4], $0x80, v4, vm0, $0xb8;
	[tilespmem:$0x10280] =	vst v63  }
0x21: {  	s29 =	simm.s32 $0xA00  }
0x22: {  	[tilespmem:s29], [sflag:$0x1] =	stream.indirect_vreg.gather [hbm4b:s8+s4], $0x80, v4, vm0, $0xb8;
	[tilespmem:$0x10280] =	vst v63  }
0x23: {  	s9 =	simm.s32 $0x1200  }
0x24: {  	[tilespmem:s9], [sflag:$0x1] =	stream.indirect_vreg.gather [hbm4b:s3+s4], $0x80, v3, vm0, $0xb8;
	[tilespmem:$0x10280] =	vst v63  }
0x25: {  	s10 =	simm.s32 $0x1A00  }
0x26: {  	[tilespmem:s10], [sflag:$0x1] =	stream.indirect_vreg.gather [hbm4b:s8+s4], $0x80, v3, vm0, $0xb8;
	[tilespmem:$0x10280] =	vst v63  }
0x27: {  	v3 =	vld [tilespmem:$0x10];
	_ =	sdelay $0x4  }
0x28: {  	v4 =	vshll.u32 v3, $0x2  }
0x29: {  	v3 =	vand.u32 $0x7, v3;
	v4 =	vand.u32 $0xFFFFFFE0, v4  }
0x2a: {  	v3 =	vor.u32 v3, v4  }
0x2b: {  	v4 =	vperm.xlane v3, v0;
	_ =	sdelay $0x1  }
0x2c: {  	v4 =	vadd.s32 v1, v4;
	_ =	sdelay $0x1  }
0x2d: {  	v3 =	vperm.xlane v3, v2;
	_ =	sdelay $0x1  }
0x2e: {  	s23 =	simm.s32 $0x2200;
	v3 =	vadd.s32 v1, v3  }
0x2f: {  	[tilespmem:s23], [sflag:$0x2] =	stream.indirect_vreg.gather [hbm4b:s3+s4], $0x80, v4, vm0, $0xb8;
	[tilespmem:$0x10280] =	vst v63  }
0x30: {  	s25 =	simm.s32 $0x2A00  }
0x31: {  	[tilespmem:s25], [sflag:$0x2] =	stream.indirect_vreg.gather [hbm4b:s8+s4], $0x80, v4, vm0, $0xb8;
	[tilespmem:$0x10280] =	vst v63  }
0x32: {  	s26 =	simm.s32 $0x3200  }
0x33: {  	[tilespmem:s26], [sflag:$0x2] =	stream.indirect_vreg.gather [hbm4b:s3+s4], $0x80, v3, vm0, $0xb8;
	[tilespmem:$0x10280] =	vst v63  }
0x34: {  	s28 =	simm.s32 $0x3A00  }
0x35: {  	[tilespmem:s28], [sflag:$0x2] =	stream.indirect_vreg.gather [hbm4b:s8+s4], $0x80, v3, vm0, $0xb8;
	[tilespmem:$0x10280] =	vst v63  }
0x36: {  	v3 =	vld [tilespmem:$0x20];
	_ =	sdelay $0x4  }
0x37: {  	v4 =	vshll.u32 v3, $0x2  }
0x38: {  	v3 =	vand.u32 $0x7, v3;
	v4 =	vand.u32 $0xFFFFFFE0, v4  }
0x39: {  	v3 =	vor.u32 v3, v4  }
0x3a: {  	v4 =	vperm.xlane v3, v0;
	_ =	sdelay $0x1  }
0x3b: {  	v4 =	vadd.s32 v1, v4;
	_ =	sdelay $0x1  }
0x3c: {  	v3 =	vperm.xlane v3, v2;
	_ =	sdelay $0x1  }
0x3d: {  	s29 =	simm.s32 $0x4200;
	v3 =	vadd.s32 v1, v3  }
0x3e: {  	[tilespmem:s29], [sflag:$0x3] =	stream.indirect_vreg.gather [hbm4b:s3+s4], $0x80, v4, vm0, $0xb8;
	[tilespmem:$0x10280] =	vst v63  }
0x3f: {  	s9 =	simm.s32 $0x4A00  }
0x40: {  	[tilespmem:s9], [sflag:$0x3] =	stream.indirect_vreg.gather [hbm4b:s8+s4], $0x80, v4, vm0, $0xb8;
	[tilespmem:$0x10280] =	vst v63  }
0x41: {  	s10 =	simm.s32 $0x5200  }
0x42: {  	[tilespmem:s10], [sflag:$0x3] =	stream.indirect_vreg.gather [hbm4b:s3+s4], $0x80, v3, vm0, $0xb8;
	[tilespmem:$0x10280] =	vst v63  }
0x43: {  	s23 =	simm.s32 $0x5A00  }
0x44: {  	[tilespmem:s23], [sflag:$0x3] =	stream.indirect_vreg.gather [hbm4b:s8+s4], $0x80, v3, vm0, $0xb8;
	[tilespmem:$0x10280] =	vst v63  }
0x45: {  	s25 =	simm.s32 $0x8200  }
0x46: {  	[tilespmem:s25], [sflag:$0x5] =	stream.linear.gather [hbm4b:s7+s4], $0x2000, $0x38;
	[tilespmem:$0x10280] =	vst v63  }
0x47: {  	s26 =	rddreg [dreg:$0x6];
	s9 =	simm.s32 $0xA200  }
0x48: {  	[tilespmem:s9], [sflag:$0x6] =	stream.linear.gather [hbm4b:s26+s4], $0x2000, $0x38;
	[tilespmem:$0x10280] =	vst v63  }
0x49: {  	v5 =	vimm.f32 $0.0e+00;
	s28 =	rddreg [dreg:$0x7];
	s29 =	simm.s32 $0xC200;
	s25 =	simm.s32 $0x0  }
0x4a: {  	v6 =	vimm.f32 $0.0e+00;
	v4 =	vimm.f32 $0.0e+00;
	v3 =	vimm.f32 $0.0e+00;
	[tilespmem:s29], [sflag:$0x7] =	stream.linear.gather [hbm4b:s28+s4], $0x2000, $0x38;
	[tilespmem:$0x10280] =	vst v63  }
.LBB2_2:
0x4b: {  	s26 =	sshll.u32 s25, $0x6  }
0x4c: {  	v7 =	vld [tilespmem:s26+$0x30];
	_ =	sdelay $0x2  }
0x4d: {  	v0 =	vld [tilespmem:$0x1FFD0];
	_ =	sdelay $0x1  }
0x4e: {  	v8 =	vshll.u32 v7, $0x2  }
0x4f: {  	v7 =	vand.u32 $0x7, v7;
	v8 =	vand.u32 $0xFFFFFFE0, v8  }
0x50: {  	v7 =	vor.u32 v7, v8  }
0x51: {  	v8 =	vperm.xlane v7, v0;
	v0 =	vld [tilespmem:$0x1FFE0];
	_ =	sdelay $0x1  }
0x52: {  	v1 =	vld [tilespmem:$0x1FFF0];
	_ =	sdelay $0x2  }
0x53: {  	v8 =	vadd.s32 v0, v8;
	_ =	sdelay $0x1  }
0x54: {  	v7 =	vperm.xlane v7, v1;
	_ =	sdelay $0x1  }
0x55: {  	s28 =	simm.s32 $0x0;
	v7 =	vadd.s32 v0, v7  }
0x56: {  	[tilespmem:s30], [sflag:$0x4] =	stream.indirect_vreg.gather [hbm4b:s3+s28], $0x80, v8, vm0, $0xb8;
	[tilespmem:$0x10280] =	vst v63  }
0x57: {  	s6 =	sor.u32 $0x30, s26  }
0x58: {  	[tilespmem:s31], [sflag:$0x4] =	stream.indirect_vreg.gather [hbm4b:s8+s28], $0x80, v8, vm0, $0xb8;
	[tilespmem:$0x10280] =	vst v63  }
0x59: {  	s6 =	sadd.s32 s5, s6  }
0x5a: {  	[tilespmem:s2], [sflag:$0x4] =	stream.indirect_vreg.gather [hbm4b:s3+s28], $0x80, v7, vm0, $0xb8;
	[tilespmem:$0x10280] =	vst v63  }
0x5b: {  	s6 =	sshll.u32 s6, $0x6  }
0x5c: {  	[tilespmem:s0], [sflag:$0x4] =	stream.indirect_vreg.gather [hbm4b:s8+s28], $0x80, v7, vm0, $0xb8;
	[tilespmem:$0x10280] =	vst v63  }
0x5d: {  	s6 =	sadd.s32 s1, s6  }
0x5e: {  	[tilespmem:s14], [sflag:$0x8] =	stream.linear.gather [hbm4b:s6+s28], $0x2000, $0x38;
	[tilespmem:$0x10280] =	vst v63  }
0x5f: {  	_ =	swait.ge [sflag:s15], $0x2000  }
0x60: {  	[sflag:s15] =	ssyncset.done $0x0  }
0x61: {  	[sflag:s15] =	ssyncadd.s32 $0xFFFFE000  }
0x62: {  	_ =	swait.ge [sflag:s16], $0x2000  }
0x63: {  	s10 =	sand.u32 $0x1000, s28;
	s23 =	sand.u32 $0x380, s28;
	[sflag:s16] =	ssyncset.done $0x0  }
0x64: {  	s29 =	sor.u32 s23, s10;
	[sflag:s16] =	ssyncadd.s32 $0xFFFFE000  }
0x65: {  	v7 =	vld [tilespmem:s29+$0x8E40]  }
0x66: {  	v8 =	vld [tilespmem:s29+$0xE40]  }
0x67: {  	v9 =	vld [tilespmem:s29+$0x8E50]  }
0x68: {  	v10 =	vld [tilespmem:s29+$0xE50]  }
0x69: {  	v11 =	vld [tilespmem:s29+$0x8E60]  }
0x6a: {  	v12 =	vld [tilespmem:s29+$0xE60]  }
0x6b: {  	v13 =	vld [tilespmem:s29+$0x8E70]  }
0x6c: {  	v16 =	vld [tilespmem:s29+$0xE70]  }
0x6d: {  	v17 =	vld [tilespmem:s29+$0x8E00]  }
0x6e: {  	v18 =	vld [tilespmem:s29+$0xE00]  }
0x6f: {  	v19 =	vld [tilespmem:s29+$0x8E10]  }
0x70: {  	v20 =	vld [tilespmem:s29+$0xE10]  }
0x71: {  	v21 =	vld [tilespmem:s29+$0x8E20]  }
0x72: {  	v22 =	vld [tilespmem:s29+$0xE20]  }
0x73: {  	v23 =	vld [tilespmem:s29+$0x8E30]  }
0x74: {  	v24 =	vld [tilespmem:s29+$0xE30]  }
0x75: {  	v26 =	vld [tilespmem:s29+$0x8A40]  }
0x76: {  	v27 =	vld [tilespmem:s29+$0xA40]  }
0x77: {  	v29 =	vld [tilespmem:s29+$0x8A50]  }
0x78: {  	v30 =	vld [tilespmem:s29+$0xA50]  }
0x79: {  	v36 =	vld [tilespmem:s29+$0x8A60]  }
0x7a: {  	v37 =	vld [tilespmem:s29+$0xA60]  }
0x7b: {  	v39 =	vld [tilespmem:s29+$0x8A70]  }
0x7c: {  	v40 =	vld [tilespmem:s29+$0xA70]  }
0x7d: {  	v41 =	vld [tilespmem:s29+$0x8A00]  }
0x7e: {  	v42 =	vld [tilespmem:s29+$0xA00]  }
0x7f: {  	v44 =	vld [tilespmem:s29+$0x8A10]  }
0x80: {  	v45 =	vld [tilespmem:s29+$0xA10]  }
0x81: {  	v46 =	vld [tilespmem:s29+$0x8A20]  }
0x82: {  	v47 =	vld [tilespmem:s29+$0xA20]  }
0x83: {  	v48 =	vld [tilespmem:s29+$0x8A30]  }
0x84: {  	v49 =	vld [tilespmem:s29+$0xA30]  }
0x85: {  	v50 =	vld [tilespmem:s29+$0x8640]  }
0x86: {  	v51 =	vld [tilespmem:s29+$0x640]  }
0x87: {  	v52 =	vld [tilespmem:s29+$0x8650]  }
0x88: {  	v53 =	vld [tilespmem:s29+$0x650]  }
0x89: {  	v54 =	vld [tilespmem:s29+$0x8660]  }
0x8a: {  	v55 =	vld [tilespmem:s29+$0x660]  }
0x8b: {  	v56 =	vld [tilespmem:s29+$0x8670]  }
0x8c: {  	v57 =	vld [tilespmem:s29+$0x670]  }
0x8d: {  	v58 =	vld [tilespmem:s29+$0x8600]  }
0x8e: {  	v59 =	vld [tilespmem:s29+$0x600]  }
0x8f: {  	v60 =	vld [tilespmem:s29+$0x8610]  }
0x90: {  	v61 =	vld [tilespmem:s29+$0x610]  }
0x91: {  	v62 =	vld [tilespmem:s29+$0x8620]  }
0x92: {  	v63 =	vld [tilespmem:s29+$0x620]  }
0x93: {  	v31 =	vld [tilespmem:s29+$0x8630]  }
0x94: {  	v33 =	vld [tilespmem:s29+$0x630]  }
0x95: {  	v28 =	vld [tilespmem:s29+$0x8240];
	v14 =	vsub.f32 v7, v8  }
0x96: {  	v34 =	vld [tilespmem:s29+$0x240];
	v15 =	vsub.f32 v9, v10;
	v8 =	vsub.f32 v11, v12  }
0x97: {  	v32 =	vld [tilespmem:s29+$0x8250];
	v17 =	vsub.f32 v17, v18;
	v7 =	vsub.f32 v13, v16  }
0x98: {  	v35 =	vld [tilespmem:s29+$0x250];
	v18 =	vsub.f32 v19, v20;
	v10 =	vsub.f32 v21, v22  }
0x99: {  	v25 =	vld [tilespmem:s29+$0x8260];
	v21 =	vsub.f32 v26, v27;
	v9 =	vsub.f32 v23, v24  }
0x9a: {  	v38 =	vld [tilespmem:s29+$0x8200];
	v22 =	vsub.f32 v29, v30;
	v12 =	vsub.f32 v36, v37  }
0x9b: {  	v43 =	vld [tilespmem:s29+$0x200];
	v23 =	vsub.f32 v41, v42;
	v11 =	vsub.f32 v39, v40  }
0x9c: {  	v26 =	vld [tilespmem:s29+$0x260];
	v24 =	vsub.f32 v44, v45;
	v16 =	vsub.f32 v46, v47  }
0x9d: {  	v39 =	vld [tilespmem:s29+$0x8210];
	v29 =	vsub.f32 v50, v51;
	v13 =	vsub.f32 v48, v49  }
0x9e: {  	v50 =	vld [tilespmem:s29+$0x210];
	v30 =	vsub.f32 v52, v53;
	v20 =	vsub.f32 v54, v55  }
0x9f: {  	v48 =	vld [tilespmem:s29+$0x8220];
	v36 =	vsub.f32 v58, v59;
	v19 =	vsub.f32 v56, v57  }
0xa0: {  	s23 =	simm.s32 $0x200;
	v58 =	vld [tilespmem:s29+$0x220];
	v37 =	vsub.f32 v60, v61;
	v27 =	vsub.f32 v62, v63  }
.LBB2_3:
0xa1: {  	p0 =	sne.s32 s23, $0x1E00;
	v40 =	vld [tilespmem:s29+$0x8230];
	v31 =	vsub.f32 v31, v33;
	v33 =	vmul.f32 v14, v14;
	v41 =	vmul.f32 v15, v15  }
0xa2: {  	v28 =	vsub.f32 v28, v34;
	v34 =	vmul.f32 v17, v17;
	v44 =	vmul.f32 v18, v18;
	s28 =	sadd.s32 $0x80, s28;
	v42 =	vld [tilespmem:s29+$0x230]  }
0xa3: {  	s6 =	sand.u32 $0x1000, s23;
	v18 =	vsub.f32 v32, v35;
	v35 =	vmul.f32 v21, v21;
	v45 =	vmul.f32 v22, v22;
	s9 =	sand.u32 $0x380, s28;
	v32 =	vld [tilespmem:s29+$0x8270]  }
0xa4: {  	v21 =	vsub.f32 v38, v43;
	v38 =	vmul.f32 v23, v23;
	v43 =	vmul.f32 v24, v24;
	v22 =	vld [tilespmem:s29+$0x270];
	s29 =	sor.u32 s9, s6  }
0xa5: {  	v29 =	vmul.f32 v29, v29;
	v30 =	vmul.f32 v30, v30;
	v23 =	vsub.f32 v39, v50;
	v14 =	vld [tilespmem:s29+$0x8E40]  }
0xa6: {  	v36 =	vmul.f32 v36, v36;
	v37 =	vmul.f32 v37, v37;
	v24 =	vsub.f32 v48, v58;
	v15 =	vld [tilespmem:s29+$0xE40]  }
0xa7: {  	v28 =	vmul.f32 v28, v28;
	v17 =	vld [tilespmem:s29+$0x8E50];
	v39 =	vsub.f32 v40, v42;
	v40 =	vmul.f32 v18, v18  }
0xa8: {  	v25 =	vsub.f32 v25, v26;
	v23 =	vmul.f32 v23, v23;
	v42 =	vmul.f32 v21, v21;
	v18 =	vld [tilespmem:s29+$0xE50]  }
0xa9: {  	v24 =	vmul.f32 v24, v24;
	v21 =	vld [tilespmem:s29+$0x8E60];
	v26 =	vmul.f32 v39, v39;
	v32 =	vsub.f32 v32, v22  }
0xaa: {  	v25 =	vmul.f32 v25, v25;
	v5 =	vadd.f32 v23, v5;
	v6 =	vadd.f32 v42, v6;
	v22 =	vld [tilespmem:s29+$0xE60]  }
0xab: {  	v4 =	vadd.f32 v24, v4;
	v23 =	vld [tilespmem:s29+$0x8E70];
	v3 =	vadd.f32 v26, v3;
	v26 =	vmul.f32 v32, v32  }
0xac: {  	v27 =	vmul.f32 v27, v27;
	v5 =	vadd.f32 v40, v5;
	v6 =	vadd.f32 v28, v6;
	v24 =	vld [tilespmem:s29+$0xE70]  }
0xad: {  	v4 =	vadd.f32 v25, v4;
	v25 =	vmul.f32 v31, v31;
	v39 =	vld [tilespmem:s29+$0x8E00];
	v3 =	vadd.f32 v26, v3  }
0xae: {  	v20 =	vmul.f32 v20, v20;
	v5 =	vadd.f32 v37, v5;
	v6 =	vadd.f32 v36, v6;
	v26 =	vld [tilespmem:s29+$0xE00]  }
0xaf: {  	v19 =	vmul.f32 v19, v19;
	v4 =	vadd.f32 v27, v4;
	v36 =	vld [tilespmem:s29+$0x8E10];
	v3 =	vadd.f32 v25, v3  }
0xb0: {  	v16 =	vmul.f32 v16, v16;
	v5 =	vadd.f32 v30, v5;
	v6 =	vadd.f32 v29, v6;
	v25 =	vld [tilespmem:s29+$0xE10]  }
0xb1: {  	v13 =	vmul.f32 v13, v13;
	v4 =	vadd.f32 v20, v4;
	v27 =	vld [tilespmem:s29+$0x8E20];
	v3 =	vadd.f32 v19, v3  }
0xb2: {  	v12 =	vmul.f32 v12, v12;
	v5 =	vadd.f32 v43, v5;
	v6 =	vadd.f32 v38, v6;
	v19 =	vld [tilespmem:s29+$0xE20]  }
0xb3: {  	v11 =	vmul.f32 v11, v11;
	v4 =	vadd.f32 v16, v4;
	v20 =	vld [tilespmem:s29+$0x8E30];
	v3 =	vadd.f32 v13, v3  }
0xb4: {  	v10 =	vmul.f32 v10, v10;
	v5 =	vadd.f32 v45, v5;
	v6 =	vadd.f32 v35, v6;
	v13 =	vld [tilespmem:s29+$0xE30]  }
0xb5: {  	v9 =	vmul.f32 v9, v9;
	v4 =	vadd.f32 v12, v4;
	v16 =	vld [tilespmem:s29+$0x8A40];
	v3 =	vadd.f32 v11, v3  }
0xb6: {  	v8 =	vmul.f32 v8, v8;
	v5 =	vadd.f32 v44, v5;
	v6 =	vadd.f32 v34, v6;
	v11 =	vld [tilespmem:s29+$0xA40]  }
0xb7: {  	v7 =	vmul.f32 v7, v7;
	v4 =	vadd.f32 v10, v4;
	v12 =	vld [tilespmem:s29+$0x8A50];
	v3 =	vadd.f32 v9, v3  }
0xb8: {  	v5 =	vadd.f32 v41, v5;
	v6 =	vadd.f32 v33, v6;
	v29 =	vld [tilespmem:s29+$0xA50]  }
0xb9: {  	v4 =	vadd.f32 v8, v4;
	v30 =	vld [tilespmem:s29+$0x8A60];
	v3 =	vadd.f32 v7, v3  }
0xba: {  	v37 =	vld [tilespmem:s29+$0xA60]  }
0xbb: {  	v40 =	vld [tilespmem:s29+$0x8A70]  }
0xbc: {  	v41 =	vld [tilespmem:s29+$0xA70]  }
0xbd: {  	v42 =	vld [tilespmem:s29+$0x8A00]  }
0xbe: {  	v43 =	vld [tilespmem:s29+$0xA00]  }
0xbf: {  	v44 =	vld [tilespmem:s29+$0x8A10]  }
0xc0: {  	v45 =	vld [tilespmem:s29+$0xA10]  }
0xc1: {  	v46 =	vld [tilespmem:s29+$0x8A20]  }
0xc2: {  	v47 =	vld [tilespmem:s29+$0xA20]  }
0xc3: {  	v48 =	vld [tilespmem:s29+$0x8A30]  }
0xc4: {  	v49 =	vld [tilespmem:s29+$0xA30]  }
0xc5: {  	v50 =	vld [tilespmem:s29+$0x8640]  }
0xc6: {  	v51 =	vld [tilespmem:s29+$0x640]  }
0xc7: {  	v52 =	vld [tilespmem:s29+$0x8650]  }
0xc8: {  	v53 =	vld [tilespmem:s29+$0x650]  }
0xc9: {  	v54 =	vld [tilespmem:s29+$0x8660]  }
0xca: {  	v55 =	vld [tilespmem:s29+$0x660]  }
0xcb: {  	v56 =	vld [tilespmem:s29+$0x8670]  }
0xcc: {  	v57 =	vld [tilespmem:s29+$0x670]  }
0xcd: {  	v58 =	vld [tilespmem:s29+$0x8600]  }
0xce: {  	v59 =	vld [tilespmem:s29+$0x600]  }
0xcf: {  	v60 =	vld [tilespmem:s29+$0x8610]  }
0xd0: {  	v61 =	vld [tilespmem:s29+$0x610]  }
0xd1: {  	v62 =	vld [tilespmem:s29+$0x8620]  }
0xd2: {  	v63 =	vld [tilespmem:s29+$0x620]  }
0xd3: {  	v31 =	vld [tilespmem:s29+$0x8630]  }
0xd4: {  	v33 =	vld [tilespmem:s29+$0x630]  }
0xd5: {  	v14 =	vsub.f32 v14, v15;
	v28 =	vld [tilespmem:s29+$0x8240]  }
0xd6: {  	v15 =	vsub.f32 v17, v18;
	v8 =	vsub.f32 v21, v22;
	v34 =	vld [tilespmem:s29+$0x240]  }
0xd7: {  	v17 =	vsub.f32 v39, v26;
	v7 =	vsub.f32 v23, v24;
	v32 =	vld [tilespmem:s29+$0x8250]  }
0xd8: {  	v18 =	vsub.f32 v36, v25;
	v10 =	vsub.f32 v27, v19;
	v35 =	vld [tilespmem:s29+$0x250]  }
0xd9: {  	v9 =	vsub.f32 v20, v13;
	v21 =	vsub.f32 v16, v11;
	v25 =	vld [tilespmem:s29+$0x8260]  }
0xda: {  	v22 =	vsub.f32 v12, v29;
	v12 =	vsub.f32 v30, v37;
	v26 =	vld [tilespmem:s29+$0x260]  }
0xdb: {  	v11 =	vsub.f32 v40, v41;
	v23 =	vsub.f32 v42, v43;
	v38 =	vld [tilespmem:s29+$0x8200]  }
.Ltmp0:
0xdc: {  	v24 =	vsub.f32 v44, v45;
	v16 =	vsub.f32 v46, v47;
	v43 =	vld [tilespmem:s29+$0x200];
	(pc) =	sbr.rel @p0 .LBB2_3-.Ltmp0, $4  }
0xdd: {  	v13 =	vsub.f32 v48, v49;
	v29 =	vsub.f32 v50, v51;
	v39 =	vld [tilespmem:s29+$0x8210]  }
0xde: {  	v30 =	vsub.f32 v52, v53;
	v20 =	vsub.f32 v54, v55;
	v50 =	vld [tilespmem:s29+$0x210]  }
0xdf: {  	v19 =	vsub.f32 v56, v57;
	v36 =	vsub.f32 v58, v59;
	v48 =	vld [tilespmem:s29+$0x8220]  }
0xe0: {  	s23 =	sadd.s32 $0x200, s23;
	v37 =	vsub.f32 v60, v61;
	v27 =	vsub.f32 v62, v63;
	v58 =	vld [tilespmem:s29+$0x220]  }
0xe1: {  	p0 =	seq.s32 s25, $0x7  }
0xe2: {  	v40 =	vld @!p0 [tilespmem:s26+$0x40];
	_ =	sdelay $0x4  }
0xe3: {  	v41 =	vshll.u32 @!p0 v40, $0x2  }
0xe4: {  	v42 =	vlaneseq.u32 @!p0;
	v40 =	vand.u32 @!p0 $0x7, v40;
	v41 =	vand.u32 @!p0 $0xFFFFFFE0, v41  }
0xe5: {  	v44 =	vshrl.u32 @!p0 v42, $0x3;
	v40 =	vor.u32 @!p0 v40, v41;
	v41 =	vand.u32 @!p0 $0x7, v42  }
0xe6: {  	v44 =	vmul.u32 @!p0 $0x8, v44;
	v41 =	vperm.xlane @!p0 v40, v41;
	_ =	sdelay $0x1  }
0xe7: {  	v41 =	vadd.s32 @!p0 v44, v41  }
0xe8: {  	v42 =	vor.u32 @!p0 $0x8, v42  }
0xe9: {  	v59 =	vld [tilespmem:s29+$0x8230];
	v40 =	vperm.xlane @!p0 v40, v42  }
0xea: {  	v60 =	vld [tilespmem:s29+$0x230]  }
0xeb: {  	v61 =	vld [tilespmem:s29+$0x8270];
	vm1 =	vmmov @!p0 $0xffff;
	s6 =	simm.s32 @!p0 $0x0;
	s9 =	simm.s32 @!p0 $0x200;
	v40 =	vadd.s32 @!p0 v44, v40  }
0xec: {  	v62 =	vld [tilespmem:s29+$0x270];
	[tilespmem:s9], [sflag:$0x1] =	stream.indirect_vreg.gather @!p0 [hbm4b:s3+s6], $0x80, v41, vm1, $0xb8  }
0xed: {  	s9 =	simm.s32 @!p0 $0xA00  }
0xee: {  	[tilespmem:s9], [sflag:$0x1] =	stream.indirect_vreg.gather @!p0 [hbm4b:s8+s6], $0x80, v41, vm1, $0xb8;
	[tilespmem:$0x10280] =	vst v63  }
0xef: {  	s9 =	simm.s32 @!p0 $0x1200  }
0xf0: {  	[tilespmem:s9], [sflag:$0x1] =	stream.indirect_vreg.gather @!p0 [hbm4b:s3+s6], $0x80, v40, vm1, $0xb8;
	[tilespmem:$0x10280] =	vst v63  }
0xf1: {  	s9 =	sadd.s32 @!p0 $0x40, s26  }
0xf2: {  	s23 =	simm.s32 @!p0 $0x1A00;
	s9 =	sadd.s32 @!p0 s5, s9  }
0xf3: {  	[tilespmem:s23], [sflag:$0x1] =	stream.indirect_vreg.gather @!p0 [hbm4b:s8+s6], $0x80, v40, vm1, $0xb8;
	[tilespmem:$0x10280] =	vst v63  }
0xf4: {  	s9 =	sshll.u32 @!p0 s9, $0x6  }
0xf5: {  	s23 =	simm.s32 @!p0 $0x8200;
	s9 =	sadd.s32 @!p0 s1, s9  }
0xf6: {  	[tilespmem:s23], [sflag:$0x5] =	stream.linear.gather @!p0 [hbm4b:s9+s6], $0x2000, $0x38;
	[tilespmem:$0x10280] =	vst v63  }
0xf7: {  	_ =	swait.ge [sflag:s17], $0x2000  }
0xf8: {  	[sflag:s17] =	ssyncset.done $0x0  }
0xf9: {  	s28 =	simm.s32 $0x0;
	[sflag:s17] =	ssyncadd.s32 $0xFFFFE000  }
0xfa: {  	s9 =	sand.u32 $0xFFFFF000, s28;
	_ =	swait.ge [sflag:s18], $0x2000  }
0xfb: {  	s6 =	sadd.s32 $0x0, s9;
	[sflag:s18] =	ssyncset.done $0x0  }
0xfc: {  	s10 =	sor.u32 $0x2C40, s6;
	[sflag:s18] =	ssyncadd.s32 $0xFFFFE000  }
0xfd: {  	v0 =	vld [tilespmem:s10+$0x8200];
	_ =	sdelay $0x4  }
0xfe: {  	[tilespmem:$0x1FF10] =	vst v0;
	v0 =	vld [tilespmem:s10+$0x200];
	_ =	sdelay $0x2  }
0xff: {  	v31 =	vsub.f32 v31, v33  }
0x100: {  	v38 =	vsub.f32 v38, v43;
	v28 =	vsub.f32 v28, v34;
	s23 =	sor.u32 $0x2C50, s6  }
0x101: {  	v45 =	vsub.f32 v39, v50;
	v43 =	vsub.f32 v59, v60;
	[tilespmem:$0x1FF20] =	vst v0;
	v0 =	vld [tilespmem:s23+$0x8200]  }
0x102: {  	v25 =	vsub.f32 v25, v26;
	v33 =	vmul.f32 v38, v38;
	v42 =	vsub.f32 v48, v58  }
0x103: {  	v34 =	vmul.f32 v45, v45;
	v26 =	vsub.f32 v61, v62;
	v45 =	vmul.f32 v43, v43  }
0x104: {  	v32 =	vsub.f32 v32, v35;
	v28 =	vmul.f32 v28, v28;
	v35 =	vmul.f32 v42, v42  }
0x105: {  	v6 =	vadd.f32 v33, v6;
	v26 =	vmul.f32 v26, v26;
	v3 =	vadd.f32 v45, v3  }
0x106: {  	v27 =	vmul.f32 v27, v27;
	v25 =	vmul.f32 v25, v25;
	v4 =	vadd.f32 v35, v4;
	[tilespmem:$0x1FF30] =	vst v0;
	v0 =	vld [tilespmem:s23+$0x200]  }
0x107: {  	v6 =	vadd.f32 v28, v6;
	v28 =	vmul.f32 v36, v36;
	v3 =	vadd.f32 v26, v3  }
0x108: {  	v26 =	vmul.f32 v29, v29;
	v29 =	vmul.f32 v31, v31;
	v4 =	vadd.f32 v25, v4  }
0x109: {  	v20 =	vmul.f32 v20, v20;
	v6 =	vadd.f32 v28, v6  }
0x10a: {  	v19 =	vmul.f32 v19, v19;
	v3 =	vadd.f32 v29, v3;
	v4 =	vadd.f32 v27, v4;
	s10 =	sor.u32 $0x2C60, s6  }
0x10b: {  	v23 =	vmul.f32 v23, v23;
	v16 =	vmul.f32 v16, v16;
	v6 =	vadd.f32 v26, v6;
	[tilespmem:$0x1FF40] =	vst v0;
	v0 =	vld [tilespmem:s10+$0x8200]  }
0x10c: {  	v13 =	vmul.f32 v13, v13;
	v3 =	vadd.f32 v19, v3;
	v4 =	vadd.f32 v20, v4  }
0x10d: {  	v21 =	vmul.f32 v21, v21;
	v12 =	vmul.f32 v12, v12;
	v6 =	vadd.f32 v23, v6  }
0x10e: {  	v11 =	vmul.f32 v11, v11;
	v3 =	vadd.f32 v13, v3;
	v4 =	vadd.f32 v16, v4  }
0x10f: {  	v10 =	vmul.f32 v10, v10;
	v13 =	vmul.f32 v17, v17;
	v6 =	vadd.f32 v21, v6  }
0x110: {  	v9 =	vmul.f32 v9, v9;
	v3 =	vadd.f32 v11, v3;
	v4 =	vadd.f32 v12, v4;
	[tilespmem:$0x1FF50] =	vst v0;
	v0 =	vld [tilespmem:s10+$0x200]  }
0x111: {  	v8 =	vmul.f32 v8, v8;
	v6 =	vadd.f32 v13, v6  }
0x112: {  	v13 =	vmul.f32 v7, v7;
	v3 =	vadd.f32 v9, v3;
	v4 =	vadd.f32 v10, v4;
	_ =	sdelay $0x1  }
0x113: {  	v7 =	vadd.f32 v8, v4;
	v8 =	vadd.f32 v13, v3;
	v3 =	vld [tilespmem:$0x1FF10];
	s23 =	sor.u32 $0x2C70, s6  }
0x114: {  	v32 =	vmul.f32 v32, v32;
	v5 =	vadd.f32 v34, v5;
	[tilespmem:$0x1FF60] =	vst v0;
	v0 =	vld [tilespmem:s23+$0x8200]  }
0x115: {  	v4 =	vld [tilespmem:$0x1FF20]  }
0x116: {  	v5 =	vadd.f32 v32, v5;
	v25 =	vmul.f32 v37, v37;
	_ =	sdelay $0x1  }
0x117: {  	v5 =	vadd.f32 v25, v5;
	v25 =	vmul.f32 v30, v30  }
0x118: {  	v24 =	vmul.f32 v24, v24;
	[tilespmem:$0x1FF90] =	vst v0;
	v0 =	vld [tilespmem:s23+$0x200]  }
0x119: {  	v5 =	vadd.f32 v25, v5;
	v12 =	vmul.f32 v15, v15;
	v15 =	vsub.f32 v3, v4;
	v3 =	vld [tilespmem:$0x1FF30]  }
0x11a: {  	v4 =	vld [tilespmem:$0x1FF40]  }
0x11b: {  	v5 =	vadd.f32 v24, v5;
	v16 =	vmul.f32 v22, v22;
	s9 =	sor.u32 $0x2C30, s6  }
0x11c: {  	v57 =	vld [tilespmem:s9+$0x8200];
	s10 =	sor.u32 $0x2C00, s6  }
0x11d: {  	v5 =	vadd.f32 v16, v5;
	v16 =	vmul.f32 v18, v18;
	[tilespmem:$0x1FFA0] =	vst v0;
	v0 =	vld [tilespmem:s10+$0x8200]  }
0x11e: {  	v63 =	vld [tilespmem:s9+$0x200]  }
0x11f: {  	v5 =	vadd.f32 v16, v5;
	v16 =	vsub.f32 v3, v4;
	v3 =	vld [tilespmem:$0x1FF50]  }
0x120: {  	v4 =	vld [tilespmem:$0x1FF60];
	s23 =	sor.u32 $0x2C20, s6  }
0x121: {  	v55 =	vld [tilespmem:s23+$0x8200]  }
0x122: {  	[tilespmem:$0x1FF70] =	vst v0;
	v0 =	vld [tilespmem:s10+$0x200]  }
0x123: {  	v56 =	vld [tilespmem:s23+$0x200];
	s23 =	sor.u32 $0x2450, s6  }
0x124: {  	v31 =	vld [tilespmem:s23+$0x8200]  }
0x125: {  	v62 =	vld [tilespmem:s23+$0x200]  }
0x126: {  	v4 =	vsub.f32 v3, v4;
	s10 =	sor.u32 $0x2C10, s6;
	v3 =	vld [tilespmem:$0x1FF70]  }
0x127: {  	[tilespmem:$0x1FF80] =	vst v0;
	v0 =	vld [tilespmem:s10+$0x8200]  }
0x128: {  	v9 =	vadd.f32 v12, v5;
	s23 =	sor.u32 $0x2470, s6;
	v5 =	vld [tilespmem:$0x1FF80]  }
0x129: {  	v39 =	vld [tilespmem:s23+$0x8200]  }
0x12a: {  	v37 =	vld [tilespmem:s23+$0x200];
	s23 =	sor.u32 $0x2420, s6  }
0x12b: {  	v1 =	vld [tilespmem:s23+$0x8200]  }
0x12c: {  	[tilespmem:$0x1FFB0] =	vst v0;
	v0 =	vld [tilespmem:s10+$0x200]  }
0x12d: {  	s29 =	sand.u32 $0x380, s28;
	s10 =	sand.u32 $0x1000, s28;
	v17 =	vsub.f32 v3, v5;
	v3 =	vld [tilespmem:$0x1FF90]  }
0x12e: {  	s29 =	sor.u32 s29, s10;
	v5 =	vld [tilespmem:$0x1FFA0]  }
0x12f: {  	v49 =	vld [tilespmem:s29+$0xAA40]  }
0x130: {  	v46 =	vld [tilespmem:s29+$0x2A40]  }
0x131: {  	v53 =	vld [tilespmem:s29+$0xAA50]  }
0x132: {  	v51 =	vld [tilespmem:s29+$0x2A50]  }
0x133: {  	v52 =	vld [tilespmem:s29+$0xAA60]  }
0x134: {  	v47 =	vld [tilespmem:s29+$0x2A60]  }
0x135: {  	v54 =	vld [tilespmem:s29+$0xAA70]  }
0x136: {  	v44 =	vld [tilespmem:s29+$0x2A70]  }
0x137: {  	v40 =	vld [tilespmem:s29+$0xAA00]  }
0x138: {  	v48 =	vld [tilespmem:s29+$0x2A00]  }
0x139: {  	v50 =	vld [tilespmem:s29+$0xAA10]  }
0x13a: {  	v58 =	vld [tilespmem:s29+$0x2A10]  }
0x13b: {  	v59 =	vld [tilespmem:s29+$0xAA20]  }
0x13c: {  	v60 =	vld [tilespmem:s29+$0x2A20]  }
0x13d: {  	v61 =	vld [tilespmem:s29+$0xAA30]  }
0x13e: {  	s10 =	sor.u32 $0x2440, s6;
	v45 =	vld [tilespmem:s29+$0x2A30]  }
0x13f: {  	v43 =	vld [tilespmem:s10+$0x8200]  }
0x140: {  	v42 =	vld [tilespmem:s10+$0x200]  }
0x141: {  	v29 =	vld [tilespmem:s29+$0xA240]  }
0x142: {  	v34 =	vld [tilespmem:s29+$0x2240]  }
0x143: {  	v32 =	vld [tilespmem:s29+$0xA250]  }
0x144: {  	v35 =	vld [tilespmem:s29+$0x2250]  }
0x145: {  	v25 =	vld [tilespmem:s29+$0xA260]  }
0x146: {  	v26 =	vld [tilespmem:s29+$0x2260]  }
0x147: {  	s10 =	sor.u32 $0x2460, s6;
	v38 =	vld [tilespmem:s29+$0xA200]  }
0x148: {  	v41 =	vld [tilespmem:s10+$0x8200]  }
0x149: {  	v20 =	vld [tilespmem:s10+$0x200];
	s10 =	sor.u32 $0x2400, s6  }
0x14a: {  	v36 =	vld [tilespmem:s10+$0x8200]  }
0x14b: {  	v19 =	vld [tilespmem:s10+$0x200];
	s10 =	sor.u32 $0x2410, s6  }
0x14c: {  	v11 =	vmul.f32 v14, v14;
	v27 =	vld [tilespmem:s10+$0x8200]  }
0x14d: {  	v2 =	vld [tilespmem:s10+$0x200]  }
0x14e: {  	v10 =	vadd.f32 v11, v6;
	v31 =	vsub.f32 v31, v62;
	s6 =	sor.u32 $0x2430, s6;
	[tilespmem:$0x1FFC0] =	vst v0;
	v0 =	vld [tilespmem:s23+$0x200]  }
0x14f: {  	v28 =	vld [tilespmem:s6+$0x8200];
	v3 =	vsub.f32 v3, v5;
	v21 =	vsub.f32 v49, v46  }
0x150: {  	v5 =	vld [tilespmem:$0x1FFB0];
	v22 =	vsub.f32 v53, v51;
	v12 =	vsub.f32 v52, v47  }
0x151: {  	v6 =	vld [tilespmem:$0x1FFC0];
	v23 =	vsub.f32 v40, v48;
	v11 =	vsub.f32 v54, v44  }
0x152: {  	v33 =	vld [tilespmem:s6+$0x200];
	v24 =	vsub.f32 v50, v58;
	v14 =	vsub.f32 v59, v60  }
0x153: {  	v44 =	vld [tilespmem:s29+$0x2200];
	v30 =	vsub.f32 v43, v42;
	v13 =	vsub.f32 v61, v45  }
0x154: {  	v40 =	vld [tilespmem:s29+$0xA210];
	v20 =	vsub.f32 v41, v20;
	v36 =	vsub.f32 v36, v19  }
0x155: {  	v52 =	vld [tilespmem:s29+$0x2210];
	v19 =	vsub.f32 v39, v37;
	v37 =	vsub.f32 v27, v2  }
0x156: {  	v49 =	vld [tilespmem:s29+$0xA220];
	v27 =	vsub.f32 v1, v0;
	v18 =	vsub.f32 v5, v6  }
0x157: {  	s23 =	simm.s32 $0x200;
	v58 =	vld [tilespmem:s29+$0x2220];
	v6 =	vsub.f32 v55, v56;
	v5 =	vsub.f32 v57, v63  }
.LBB2_5:
0x158: {  	p1 =	sne.s32 s23, $0x1E00;
	v0 =	vld [tilespmem:s29+$0xA230];
	v1 =	vsub.f32 v28, v33;
	v2 =	vmul.f32 v15, v15;
	v28 =	vmul.f32 v16, v16  }
0x159: {  	s6 =	sand.u32 $0xFFFFF000, s23;
	v29 =	vsub.f32 v29, v34;
	v34 =	vmul.f32 v17, v17;
	v39 =	vmul.f32 v18, v18;
	s28 =	sadd.s32 $0x80, s28;
	v33 =	vld [tilespmem:s29+$0x2230]  }
0x15a: {  	v18 =	vsub.f32 v32, v35;
	v35 =	vmul.f32 v21, v21;
	v41 =	vmul.f32 v22, v22;
	s6 =	sadd.s32 s6, s28;
	v32 =	vld [tilespmem:s29+$0xA270]  }
0x15b: {  	v21 =	vsub.f32 v38, v44;
	v38 =	vmul.f32 v23, v23;
	v42 =	vmul.f32 v24, v24;
	s9 =	sor.u32 $0x2C40, s6;
	v22 =	vld [tilespmem:s29+$0x2270]  }
0x15c: {  	v30 =	vmul.f32 v30, v30;
	v31 =	vmul.f32 v31, v31;
	v23 =	vsub.f32 v40, v52;
	v15 =	vld [tilespmem:s9+$0x8200]  }
0x15d: {  	v36 =	vmul.f32 v36, v36;
	v37 =	vmul.f32 v37, v37;
	v24 =	vsub.f32 v49, v58;
	v16 =	vld [tilespmem:s9+$0x200];
	s9 =	sor.u32 $0x2C50, s6  }
0x15e: {  	v29 =	vmul.f32 v29, v29;
	v17 =	vld [tilespmem:s9+$0x8200];
	v0 =	vsub.f32 v0, v33;
	v33 =	vmul.f32 v18, v18  }
0x15f: {  	v25 =	vsub.f32 v25, v26;
	v40 =	vmul.f32 v21, v21;
	v23 =	vmul.f32 v23, v23;
	v18 =	vld [tilespmem:s9+$0x200];
	s9 =	sor.u32 $0x2C60, s6  }
0x160: {  	v24 =	vmul.f32 v24, v24;
	v21 =	vld [tilespmem:s9+$0x8200];
	v0 =	vmul.f32 v0, v0;
	v26 =	vsub.f32 v32, v22  }
0x161: {  	v10 =	vadd.f32 v40, v10;
	v9 =	vadd.f32 v23, v9;
	v32 =	vmul.f32 v25, v25;
	v22 =	vld [tilespmem:s9+$0x200];
	s9 =	sor.u32 $0x2C70, s6  }
0x162: {  	v7 =	vadd.f32 v24, v7;
	v23 =	vld [tilespmem:s9+$0x8200];
	v0 =	vadd.f32 v0, v8;
	v8 =	vmul.f32 v26, v26  }
0x163: {  	v27 =	vmul.f32 v27, v27;
	s29 =	sor.u32 $0x2C00, s6;
	v10 =	vadd.f32 v29, v10;
	v9 =	vadd.f32 v33, v9;
	v24 =	vld [tilespmem:s9+$0x200]  }
0x164: {  	v1 =	vmul.f32 v1, v1;
	v7 =	vadd.f32 v32, v7;
	v25 =	vld [tilespmem:s29+$0x8200];
	v0 =	vadd.f32 v8, v0  }
0x165: {  	v9 =	vadd.f32 v37, v9;
	s9 =	sor.u32 $0x2C10, s6;
	v8 =	vadd.f32 v36, v10;
	v10 =	vmul.f32 v20, v20;
	v26 =	vld [tilespmem:s29+$0x200]  }
0x166: {  	v7 =	vadd.f32 v27, v7;
	v20 =	vld [tilespmem:s9+$0x8200];
	v0 =	vadd.f32 v1, v0;
	v1 =	vmul.f32 v19, v19  }
0x167: {  	v14 =	vmul.f32 v14, v14;
	v9 =	vadd.f32 v31, v9;
	v8 =	vadd.f32 v30, v8;
	v19 =	vld [tilespmem:s9+$0x200];
	s9 =	sor.u32 $0x2C20, s6  }
0x168: {  	v7 =	vadd.f32 v10, v7;
	v27 =	vld [tilespmem:s9+$0x8200];
	v0 =	vadd.f32 v1, v0;
	v1 =	vmul.f32 v13, v13  }
0x169: {  	v9 =	vadd.f32 v42, v9;
	v10 =	vmul.f32 v12, v12;
	v8 =	vadd.f32 v38, v8;
	v13 =	vld [tilespmem:s9+$0x200];
	s9 =	sor.u32 $0x2C30, s6  }
0x16a: {  	s10 =	sand.u32 $0x380, s28;
	s29 =	sand.u32 $0x1000, s23;
	v7 =	vadd.f32 v14, v7;
	v12 =	vld [tilespmem:s9+$0x8200];
	v0 =	vadd.f32 v1, v0;
	v1 =	vmul.f32 v11, v11  }
0x16b: {  	v6 =	vmul.f32 v6, v6;
	s29 =	sor.u32 s10, s29;
	v9 =	vadd.f32 v41, v9;
	v8 =	vadd.f32 v35, v8;
	v11 =	vld [tilespmem:s9+$0x200]  }
0x16c: {  	v7 =	vadd.f32 v10, v7;
	v14 =	vld [tilespmem:s29+$0xAA40];
	v0 =	vadd.f32 v1, v0;
	v1 =	vmul.f32 v5, v5  }
0x16d: {  	v4 =	vmul.f32 v4, v4;
	v9 =	vadd.f32 v39, v9;
	v8 =	vadd.f32 v34, v8;
	v5 =	vld [tilespmem:s29+$0x2A40]  }
0x16e: {  	v6 =	vadd.f32 v6, v7;
	v30 =	vld [tilespmem:s29+$0xAA50];
	v0 =	vadd.f32 v1, v0;
	v1 =	vmul.f32 v3, v3  }
0x16f: {  	v9 =	vadd.f32 v28, v9;
	v10 =	vadd.f32 v2, v8;
	v31 =	vld [tilespmem:s29+$0x2A50]  }
0x170: {  	v7 =	vadd.f32 v4, v6;
	v2 =	vld [tilespmem:s29+$0xAA60];
	v8 =	vadd.f32 v1, v0  }
0x171: {  	v0 =	vld [tilespmem:s29+$0x2A60]  }
0x172: {  	v1 =	vld [tilespmem:s29+$0xAA70]  }
0x173: {  	v36 =	vld [tilespmem:s29+$0x2A70]  }
0x174: {  	v37 =	vld [tilespmem:s29+$0xAA00]  }
0x175: {  	v39 =	vld [tilespmem:s29+$0x2A00]  }
0x176: {  	v40 =	vld [tilespmem:s29+$0xAA10]  }
0x177: {  	v41 =	vld [tilespmem:s29+$0x2A10]  }
0x178: {  	v42 =	vld [tilespmem:s29+$0xAA20]  }
0x179: {  	v43 =	vld [tilespmem:s29+$0x2A20]  }
0x17a: {  	v45 =	vld [tilespmem:s29+$0xAA30]  }
0x17b: {  	s9 =	sor.u32 $0x2440, s6;
	v46 =	vld [tilespmem:s29+$0x2A30]  }
0x17c: {  	v47 =	vld [tilespmem:s9+$0x8200]  }
0x17d: {  	v48 =	vld [tilespmem:s9+$0x200];
	s9 =	sor.u32 $0x2450, s6  }
0x17e: {  	v49 =	vld [tilespmem:s9+$0x8200]  }
0x17f: {  	v50 =	vld [tilespmem:s9+$0x200];
	s9 =	sor.u32 $0x2460, s6  }
0x180: {  	v51 =	vld [tilespmem:s9+$0x8200]  }
0x181: {  	v53 =	vld [tilespmem:s9+$0x200];
	s9 =	sor.u32 $0x2470, s6  }
0x182: {  	v54 =	vld [tilespmem:s9+$0x8200]  }
0x183: {  	s10 =	sor.u32 $0x2400, s6;
	v55 =	vld [tilespmem:s9+$0x200]  }
0x184: {  	v56 =	vld [tilespmem:s10+$0x8200]  }
0x185: {  	s9 =	sor.u32 $0x2410, s6;
	v57 =	vld [tilespmem:s10+$0x200]  }
0x186: {  	v59 =	vld [tilespmem:s9+$0x8200]  }
0x187: {  	v60 =	vld [tilespmem:s9+$0x200];
	s9 =	sor.u32 $0x2420, s6  }
0x188: {  	v61 =	vld [tilespmem:s9+$0x8200]  }
0x189: {  	s6 =	sor.u32 $0x2430, s6;
	v62 =	vld [tilespmem:s9+$0x200]  }
0x18a: {  	v28 =	vld [tilespmem:s6+$0x8200]  }
0x18b: {  	v33 =	vld [tilespmem:s6+$0x200]  }
0x18c: {  	v15 =	vsub.f32 v15, v16;
	v29 =	vld [tilespmem:s29+$0xA240]  }
0x18d: {  	v16 =	vsub.f32 v17, v18;
	v4 =	vsub.f32 v21, v22;
	v34 =	vld [tilespmem:s29+$0x2240]  }
0x18e: {  	v17 =	vsub.f32 v25, v26;
	v3 =	vsub.f32 v23, v24;
	v32 =	vld [tilespmem:s29+$0xA250]  }
0x18f: {  	v18 =	vsub.f32 v20, v19;
	v6 =	vsub.f32 v27, v13;
	v35 =	vld [tilespmem:s29+$0x2250]  }
0x190: {  	v21 =	vsub.f32 v14, v5;
	v5 =	vsub.f32 v12, v11;
	v25 =	vld [tilespmem:s29+$0xA260]  }
0x191: {  	v22 =	vsub.f32 v30, v31;
	v12 =	vsub.f32 v2, v0;
	v26 =	vld [tilespmem:s29+$0x2260]  }
0x192: {  	v11 =	vsub.f32 v1, v36;
	v23 =	vsub.f32 v37, v39;
	v38 =	vld [tilespmem:s29+$0xA200]  }
.Ltmp1:
0x193: {  	v24 =	vsub.f32 v40, v41;
	v14 =	vsub.f32 v42, v43;
	v44 =	vld [tilespmem:s29+$0x2200];
	(pc) =	sbr.rel @p1 .LBB2_5-.Ltmp1, $4  }
0x194: {  	v13 =	vsub.f32 v45, v46;
	v30 =	vsub.f32 v47, v48;
	v40 =	vld [tilespmem:s29+$0xA210]  }
0x195: {  	v31 =	vsub.f32 v49, v50;
	v20 =	vsub.f32 v51, v53;
	v52 =	vld [tilespmem:s29+$0x2210]  }
0x196: {  	v19 =	vsub.f32 v54, v55;
	v36 =	vsub.f32 v56, v57;
	v49 =	vld [tilespmem:s29+$0xA220]  }
0x197: {  	s23 =	sadd.s32 $0x200, s23;
	v37 =	vsub.f32 v59, v60;
	v27 =	vsub.f32 v61, v62;
	v58 =	vld [tilespmem:s29+$0x2220]  }
0x198: {  	v0 =	vld @!p0 [tilespmem:s26+$0x50];
	_ =	sdelay $0x4  }
0x199: {  	v1 =	vshll.u32 @!p0 v0, $0x2  }
0x19a: {  	v2 =	vlaneseq.u32 @!p0;
	v0 =	vand.u32 @!p0 $0x7, v0;
	v1 =	vand.u32 @!p0 $0xFFFFFFE0, v1  }
0x19b: {  	v39 =	vshrl.u32 @!p0 v2, $0x3;
	v0 =	vor.u32 @!p0 v0, v1;
	v1 =	vand.u32 @!p0 $0x7, v2  }
0x19c: {  	v39 =	vmul.u32 @!p0 $0x8, v39;
	v1 =	vperm.xlane @!p0 v0, v1;
	_ =	sdelay $0x1  }
0x19d: {  	v1 =	vadd.s32 @!p0 v39, v1  }
0x19e: {  	v2 =	vor.u32 @!p0 $0x8, v2  }
0x19f: {  	v59 =	vld [tilespmem:s29+$0xA230];
	v0 =	vperm.xlane @!p0 v0, v2  }
0x1a0: {  	v60 =	vld [tilespmem:s29+$0x2230]  }
0x1a1: {  	v61 =	vld [tilespmem:s29+$0x2270];
	s6 =	simm.s32 @!p0 $0x0;
	s9 =	simm.s32 @!p0 $0x2200;
	v0 =	vadd.s32 @!p0 v39, v0  }
0x1a2: {  	v2 =	vld [tilespmem:s29+$0xA270];
	[tilespmem:s9], [sflag:$0x2] =	stream.indirect_vreg.gather @!p0 [hbm4b:s3+s6], $0x80, v1, vm1, $0xb8  }
0x1a3: {  	s9 =	simm.s32 @!p0 $0x2A00  }
0x1a4: {  	[tilespmem:s9], [sflag:$0x2] =	stream.indirect_vreg.gather @!p0 [hbm4b:s8+s6], $0x80, v1, vm1, $0xb8;
	[tilespmem:$0x10280] =	vst v63  }
0x1a5: {  	s9 =	simm.s32 @!p0 $0x3200  }
0x1a6: {  	[tilespmem:s9], [sflag:$0x2] =	stream.indirect_vreg.gather @!p0 [hbm4b:s3+s6], $0x80, v0, vm1, $0xb8;
	[tilespmem:$0x10280] =	vst v63  }
0x1a7: {  	s9 =	sadd.s32 @!p0 $0x50, s26  }
0x1a8: {  	s10 =	simm.s32 @!p0 $0x3A00;
	s9 =	sadd.s32 @!p0 s5, s9  }
0x1a9: {  	[tilespmem:s10], [sflag:$0x2] =	stream.indirect_vreg.gather @!p0 [hbm4b:s8+s6], $0x80, v0, vm1, $0xb8;
	[tilespmem:$0x10280] =	vst v63  }
0x1aa: {  	s9 =	sshll.u32 @!p0 s9, $0x6  }
0x1ab: {  	s10 =	simm.s32 @!p0 $0xA200;
	s9 =	sadd.s32 @!p0 s1, s9  }
0x1ac: {  	[tilespmem:s10], [sflag:$0x6] =	stream.linear.gather @!p0 [hbm4b:s9+s6], $0x2000, $0x38;
	[tilespmem:$0x10280] =	vst v63  }
0x1ad: {  	_ =	swait.ge [sflag:s19], $0x2000  }
0x1ae: {  	[sflag:s19] =	ssyncset.done $0x0  }
0x1af: {  	s28 =	simm.s32 $0x0;
	[sflag:s19] =	ssyncadd.s32 $0xFFFFE000  }
0x1b0: {  	s10 =	sand.u32 $0xFFFFF000, s28;
	_ =	swait.ge [sflag:s20], $0x2000  }
0x1b1: {  	s6 =	sadd.s32 $0x0, s10;
	[sflag:s20] =	ssyncset.done $0x0  }
0x1b2: {  	s23 =	sor.u32 $0x4C40, s6;
	[sflag:s20] =	ssyncadd.s32 $0xFFFFE000  }
0x1b3: {  	v0 =	vld [tilespmem:s23+$0x8200];
	_ =	sdelay $0x4  }
0x1b4: {  	[tilespmem:$0x1FE50] =	vst v0;
	v0 =	vld [tilespmem:s23+$0x200];
	_ =	sdelay $0x3  }
0x1b5: {  	v28 =	vsub.f32 v28, v33;
	v38 =	vsub.f32 v38, v44;
	v20 =	vmul.f32 v20, v20;
	s10 =	sor.u32 $0x4C50, s6  }
0x1b6: {  	v29 =	vsub.f32 v29, v34;
	v19 =	vmul.f32 v19, v19;
	v14 =	vmul.f32 v14, v14;
	[tilespmem:$0x1FE60] =	vst v0;
	v0 =	vld [tilespmem:s10+$0x8200]  }
0x1b7: {  	v32 =	vsub.f32 v32, v35;
	v13 =	vmul.f32 v13, v13;
	v11 =	vmul.f32 v11, v11  }
0x1b8: {  	v25 =	vsub.f32 v25, v26;
	v5 =	vmul.f32 v5, v5;
	v27 =	vmul.f32 v27, v27  }
0x1b9: {  	v52 =	vsub.f32 v40, v52;
	v33 =	vmul.f32 v38, v38;
	v45 =	vsub.f32 v59, v60  }
0x1ba: {  	v29 =	vmul.f32 v29, v29;
	v32 =	vmul.f32 v32, v32;
	v43 =	vsub.f32 v49, v58  }
0x1bb: {  	v25 =	vmul.f32 v25, v25;
	v46 =	vmul.f32 v45, v45;
	v2 =	vsub.f32 v2, v61;
	[tilespmem:$0x1FE70] =	vst v0;
	v0 =	vld [tilespmem:s10+$0x200]  }
0x1bc: {  	v34 =	vmul.f32 v52, v52;
	v26 =	vmul.f32 v43, v43  }
0x1bd: {  	v10 =	vadd.f32 v33, v10;
	v8 =	vadd.f32 v46, v8;
	v2 =	vmul.f32 v2, v2  }
0x1be: {  	v28 =	vmul.f32 v28, v28;
	v9 =	vadd.f32 v34, v9;
	v7 =	vadd.f32 v26, v7  }
0x1bf: {  	v10 =	vadd.f32 v29, v10;
	v26 =	vmul.f32 v36, v36;
	v2 =	vadd.f32 v2, v8;
	s23 =	sor.u32 $0x4C60, s6  }
0x1c0: {  	v9 =	vadd.f32 v32, v9;
	v7 =	vadd.f32 v25, v7;
	v25 =	vmul.f32 v37, v37;
	[tilespmem:$0x1FE80] =	vst v0;
	v0 =	vld [tilespmem:s23+$0x8200]  }
0x1c1: {  	v10 =	vadd.f32 v26, v10;
	v8 =	vmul.f32 v30, v30;
	v2 =	vadd.f32 v28, v2  }
0x1c2: {  	v9 =	vadd.f32 v25, v9;
	v25 =	vmul.f32 v31, v31;
	v7 =	vadd.f32 v27, v7  }
0x1c3: {  	v8 =	vadd.f32 v8, v10;
	v10 =	vmul.f32 v23, v23;
	v2 =	vadd.f32 v19, v2  }
0x1c4: {  	v9 =	vadd.f32 v25, v9;
	v7 =	vadd.f32 v20, v7;
	v23 =	vmul.f32 v24, v24  }
0x1c5: {  	v8 =	vadd.f32 v10, v8;
	v10 =	vmul.f32 v21, v21;
	v2 =	vadd.f32 v13, v2;
	[tilespmem:$0x1FE90] =	vst v0;
	v0 =	vld [tilespmem:s23+$0x200]  }
0x1c6: {  	v7 =	vadd.f32 v14, v7;
	v14 =	vmul.f32 v22, v22;
	v9 =	vadd.f32 v23, v9  }
0x1c7: {  	v13 =	vmul.f32 v17, v17;
	v8 =	vadd.f32 v10, v8;
	v2 =	vadd.f32 v11, v2  }
0x1c8: {  	v3 =	vmul.f32 v3, v3;
	v9 =	vadd.f32 v14, v9;
	v10 =	vmul.f32 v18, v18  }
0x1c9: {  	v8 =	vadd.f32 v13, v8;
	v11 =	vmul.f32 v15, v15;
	v2 =	vadd.f32 v5, v2;
	s10 =	sor.u32 $0x4C70, s6  }
0x1ca: {  	v9 =	vadd.f32 v10, v9;
	[tilespmem:$0x1FEA0] =	vst v0;
	v0 =	vld [tilespmem:s10+$0x8200]  }
0x1cb: {  	v10 =	vadd.f32 v11, v8;
	v8 =	vadd.f32 v3, v2;
	v2 =	vld [tilespmem:$0x1FE50]  }
0x1cc: {  	v3 =	vld [tilespmem:$0x1FE60];
	_ =	sdelay $0x2  }
0x1cd: {  	[tilespmem:$0x1FED0] =	vst v0;
	v0 =	vld [tilespmem:s10+$0x200];
	_ =	sdelay $0x1  }
0x1ce: {  	v15 =	vsub.f32 v2, v3;
	v2 =	vld [tilespmem:$0x1FE70]  }
0x1cf: {  	v3 =	vld [tilespmem:$0x1FE80]  }
0x1d0: {  	s23 =	sor.u32 $0x4C00, s6  }
0x1d1: {  	[tilespmem:$0x1FEE0] =	vst v0;
	v0 =	vld [tilespmem:s23+$0x8200]  }
0x1d2: {  	v12 =	vmul.f32 v12, v12;
	_ =	sdelay $0x1  }
0x1d3: {  	v7 =	vadd.f32 v12, v7;
	v12 =	vmul.f32 v16, v16;
	v16 =	vsub.f32 v2, v3;
	v2 =	vld [tilespmem:$0x1FE90]  }
0x1d4: {  	v3 =	vld [tilespmem:$0x1FEA0]  }
0x1d5: {  	v6 =	vmul.f32 v6, v6;
	[tilespmem:$0x1FEB0] =	vst v0;
	v0 =	vld [tilespmem:s23+$0x200];
	_ =	sdelay $0x1  }
0x1d6: {  	v4 =	vmul.f32 v4, v4;
	v6 =	vadd.f32 v6, v7;
	s9 =	sor.u32 $0x4C30, s6  }
0x1d7: {  	v57 =	vld [tilespmem:s9+$0x8200]  }
0x1d8: {  	v7 =	vadd.f32 v4, v6;
	v4 =	vsub.f32 v2, v3;
	s23 =	sor.u32 $0x4C10, s6;
	v2 =	vld [tilespmem:$0x1FEB0]  }
0x1d9: {  	[tilespmem:$0x1FEC0] =	vst v0;
	v0 =	vld [tilespmem:s23+$0x8200]  }
0x1da: {  	v3 =	vld [tilespmem:$0x1FEC0]  }
0x1db: {  	v54 =	vld [tilespmem:s9+$0x200];
	s10 =	sor.u32 $0x4C20, s6  }
0x1dc: {  	v55 =	vld [tilespmem:s10+$0x8200]  }
0x1dd: {  	v56 =	vld [tilespmem:s10+$0x200]  }
0x1de: {  	[tilespmem:$0x1FEF0] =	vst v0;
	v0 =	vld [tilespmem:s23+$0x200]  }
0x1df: {  	s10 =	sand.u32 $0x1000, s28;
	s23 =	sand.u32 $0x380, s28;
	v17 =	vsub.f32 v2, v3;
	v2 =	vld [tilespmem:$0x1FED0]  }
0x1e0: {  	s29 =	sor.u32 s23, s10;
	v3 =	vld [tilespmem:$0x1FEE0]  }
0x1e1: {  	v50 =	vld [tilespmem:s29+$0xCA40]  }
0x1e2: {  	v62 =	vld [tilespmem:s29+$0x4A40]  }
0x1e3: {  	v63 =	vld [tilespmem:s29+$0xCA50]  }
0x1e4: {  	v48 =	vld [tilespmem:s29+$0x4A50]  }
0x1e5: {  	v51 =	vld [tilespmem:s29+$0xCA60]  }
0x1e6: {  	v47 =	vld [tilespmem:s29+$0x4A60]  }
0x1e7: {  	v53 =	vld [tilespmem:s29+$0xCA70]  }
0x1e8: {  	v44 =	vld [tilespmem:s29+$0x4A70]  }
0x1e9: {  	v40 =	vld [tilespmem:s29+$0xCA00]  }
0x1ea: {  	v49 =	vld [tilespmem:s29+$0x4A00]  }
0x1eb: {  	v52 =	vld [tilespmem:s29+$0xCA10]  }
0x1ec: {  	v58 =	vld [tilespmem:s29+$0x4A10]  }
0x1ed: {  	v59 =	vld [tilespmem:s29+$0xCA20]  }
0x1ee: {  	v60 =	vld [tilespmem:s29+$0x4A20]  }
0x1ef: {  	v61 =	vld [tilespmem:s29+$0xCA30]  }
0x1f0: {  	s23 =	sor.u32 $0x4440, s6;
	v46 =	vld [tilespmem:s29+$0x4A30]  }
0x1f1: {  	v45 =	vld [tilespmem:s23+$0x8200]  }
0x1f2: {  	s10 =	sor.u32 $0x4450, s6;
	v30 =	vld [tilespmem:s23+$0x200]  }
0x1f3: {  	v43 =	vld [tilespmem:s10+$0x8200]  }
0x1f4: {  	v31 =	vld [tilespmem:s10+$0x200]  }
0x1f5: {  	v29 =	vld [tilespmem:s29+$0xC240]  }
0x1f6: {  	v34 =	vld [tilespmem:s29+$0x4240]  }
0x1f7: {  	v32 =	vld [tilespmem:s29+$0xC250]  }
0x1f8: {  	v35 =	vld [tilespmem:s29+$0x4250]  }
0x1f9: {  	v25 =	vld [tilespmem:s29+$0xC260]  }
0x1fa: {  	v26 =	vld [tilespmem:s29+$0x4260]  }
0x1fb: {  	s23 =	sor.u32 $0x4460, s6;
	v38 =	vld [tilespmem:s29+$0xC200]  }
0x1fc: {  	v42 =	vld [tilespmem:s23+$0x8200]  }
0x1fd: {  	s10 =	sor.u32 $0x4470, s6;
	v20 =	vld [tilespmem:s23+$0x200]  }
0x1fe: {  	v41 =	vld [tilespmem:s10+$0x8200]  }
0x1ff: {  	s23 =	sor.u32 $0x4400, s6;
	v39 =	vld [tilespmem:s10+$0x200]  }
0x200: {  	v36 =	vld [tilespmem:s23+$0x8200]  }
0x201: {  	s10 =	sor.u32 $0x4410, s6;
	v19 =	vld [tilespmem:s23+$0x200]  }
0x202: {  	v37 =	vld [tilespmem:s10+$0x8200]  }
0x203: {  	v27 =	vld [tilespmem:s10+$0x200];
	s23 =	sor.u32 $0x4420, s6  }
0x204: {  	v1 =	vld [tilespmem:s23+$0x8200]  }
0x205: {  	v9 =	vadd.f32 v12, v9;
	v6 =	vsub.f32 v55, v56;
	s6 =	sor.u32 $0x4430, s6;
	[tilespmem:$0x1FF00] =	vst v0;
	v0 =	vld [tilespmem:s23+$0x200]  }
0x206: {  	v28 =	vld [tilespmem:s6+$0x8200];
	v3 =	vsub.f32 v2, v3;
	v21 =	vsub.f32 v50, v62  }
0x207: {  	v33 =	vld [tilespmem:s6+$0x200];
	v22 =	vsub.f32 v63, v48;
	v12 =	vsub.f32 v51, v47  }
0x208: {  	v2 =	vld [tilespmem:$0x1FEF0];
	v23 =	vsub.f32 v40, v49;
	v11 =	vsub.f32 v53, v44  }
0x209: {  	v5 =	vld [tilespmem:$0x1FF00];
	v24 =	vsub.f32 v52, v58;
	v14 =	vsub.f32 v59, v60  }
0x20a: {  	v44 =	vld [tilespmem:s29+$0x4200];
	v30 =	vsub.f32 v45, v30;
	v13 =	vsub.f32 v61, v46  }
0x20b: {  	v40 =	vld [tilespmem:s29+$0xC210];
	v31 =	vsub.f32 v43, v31;
	v20 =	vsub.f32 v42, v20  }
0x20c: {  	v52 =	vld [tilespmem:s29+$0x4210];
	v36 =	vsub.f32 v36, v19;
	v19 =	vsub.f32 v41, v39  }
0x20d: {  	v49 =	vld [tilespmem:s29+$0xC220];
	v37 =	vsub.f32 v37, v27;
	v27 =	vsub.f32 v1, v0  }
0x20e: {  	s23 =	simm.s32 $0x200;
	v58 =	vld [tilespmem:s29+$0x4220];
	v18 =	vsub.f32 v2, v5;
	v5 =	vsub.f32 v57, v54  }
.LBB2_7:
0x20f: {  	p1 =	sne.s32 s23, $0x1E00;
	v0 =	vld [tilespmem:s29+$0xC230];
	v1 =	vsub.f32 v28, v33;
	v2 =	vmul.f32 v15, v15;
	v28 =	vmul.f32 v16, v16  }
0x210: {  	s6 =	sand.u32 $0xFFFFF000, s23;
	v29 =	vsub.f32 v29, v34;
	v34 =	vmul.f32 v17, v17;
	v39 =	vmul.f32 v18, v18;
	s28 =	sadd.s32 $0x80, s28;
	v33 =	vld [tilespmem:s29+$0x4230]  }
0x211: {  	v18 =	vsub.f32 v32, v35;
	v35 =	vmul.f32 v21, v21;
	v41 =	vmul.f32 v22, v22;
	s6 =	sadd.s32 s6, s28;
	v32 =	vld [tilespmem:s29+$0xC270]  }
0x212: {  	v21 =	vsub.f32 v38, v44;
	v38 =	vmul.f32 v23, v23;
	v42 =	vmul.f32 v24, v24;
	s9 =	sor.u32 $0x4C40, s6;
	v22 =	vld [tilespmem:s29+$0x4270]  }
0x213: {  	v30 =	vmul.f32 v30, v30;
	v31 =	vmul.f32 v31, v31;
	v23 =	vsub.f32 v40, v52;
	v15 =	vld [tilespmem:s9+$0x8200]  }
0x214: {  	v36 =	vmul.f32 v36, v36;
	v37 =	vmul.f32 v37, v37;
	v24 =	vsub.f32 v49, v58;
	v16 =	vld [tilespmem:s9+$0x200];
	s9 =	sor.u32 $0x4C50, s6  }
0x215: {  	v29 =	vmul.f32 v29, v29;
	v17 =	vld [tilespmem:s9+$0x8200];
	v0 =	vsub.f32 v0, v33;
	v33 =	vmul.f32 v18, v18  }
0x216: {  	v25 =	vsub.f32 v25, v26;
	v40 =	vmul.f32 v21, v21;
	v23 =	vmul.f32 v23, v23;
	v18 =	vld [tilespmem:s9+$0x200];
	s9 =	sor.u32 $0x4C60, s6  }
0x217: {  	v24 =	vmul.f32 v24, v24;
	v21 =	vld [tilespmem:s9+$0x8200];
	v0 =	vmul.f32 v0, v0;
	v26 =	vsub.f32 v32, v22  }
0x218: {  	v10 =	vadd.f32 v40, v10;
	v9 =	vadd.f32 v23, v9;
	v32 =	vmul.f32 v25, v25;
	v22 =	vld [tilespmem:s9+$0x200];
	s9 =	sor.u32 $0x4C70, s6  }
0x219: {  	v7 =	vadd.f32 v24, v7;
	v23 =	vld [tilespmem:s9+$0x8200];
	v0 =	vadd.f32 v0, v8;
	v8 =	vmul.f32 v26, v26  }
0x21a: {  	v27 =	vmul.f32 v27, v27;
	s10 =	sor.u32 $0x4C00, s6;
	v10 =	vadd.f32 v29, v10;
	v9 =	vadd.f32 v33, v9;
	v24 =	vld [tilespmem:s9+$0x200]  }
0x21b: {  	v1 =	vmul.f32 v1, v1;
	v7 =	vadd.f32 v32, v7;
	v25 =	vld [tilespmem:s10+$0x8200];
	v0 =	vadd.f32 v8, v0  }
0x21c: {  	v9 =	vadd.f32 v37, v9;
	s9 =	sor.u32 $0x4C10, s6;
	v8 =	vadd.f32 v36, v10;
	v10 =	vmul.f32 v20, v20;
	v26 =	vld [tilespmem:s10+$0x200]  }
0x21d: {  	v7 =	vadd.f32 v27, v7;
	v20 =	vld [tilespmem:s9+$0x8200];
	v0 =	vadd.f32 v1, v0;
	v1 =	vmul.f32 v19, v19  }
0x21e: {  	v14 =	vmul.f32 v14, v14;
	v9 =	vadd.f32 v31, v9;
	v8 =	vadd.f32 v30, v8;
	v19 =	vld [tilespmem:s9+$0x200];
	s9 =	sor.u32 $0x4C20, s6  }
0x21f: {  	v7 =	vadd.f32 v10, v7;
	v27 =	vld [tilespmem:s9+$0x8200];
	v0 =	vadd.f32 v1, v0;
	v1 =	vmul.f32 v13, v13  }
0x220: {  	v9 =	vadd.f32 v42, v9;
	v10 =	vmul.f32 v12, v12;
	v8 =	vadd.f32 v38, v8;
	v13 =	vld [tilespmem:s9+$0x200];
	s9 =	sor.u32 $0x4C30, s6  }
0x221: {  	s29 =	sand.u32 $0x380, s28;
	s10 =	sand.u32 $0x1000, s23;
	v7 =	vadd.f32 v14, v7;
	v12 =	vld [tilespmem:s9+$0x8200];
	v0 =	vadd.f32 v1, v0;
	v1 =	vmul.f32 v11, v11  }
0x222: {  	v6 =	vmul.f32 v6, v6;
	s29 =	sor.u32 s29, s10;
	v9 =	vadd.f32 v41, v9;
	v8 =	vadd.f32 v35, v8;
	v11 =	vld [tilespmem:s9+$0x200]  }
0x223: {  	v7 =	vadd.f32 v10, v7;
	v14 =	vld [tilespmem:s29+$0xCA40];
	v0 =	vadd.f32 v1, v0;
	v1 =	vmul.f32 v5, v5  }
0x224: {  	v4 =	vmul.f32 v4, v4;
	v9 =	vadd.f32 v39, v9;
	v8 =	vadd.f32 v34, v8;
	v5 =	vld [tilespmem:s29+$0x4A40]  }
0x225: {  	v6 =	vadd.f32 v6, v7;
	v30 =	vld [tilespmem:s29+$0xCA50];
	v0 =	vadd.f32 v1, v0;
	v1 =	vmul.f32 v3, v3  }
0x226: {  	v9 =	vadd.f32 v28, v9;
	v10 =	vadd.f32 v2, v8;
	v31 =	vld [tilespmem:s29+$0x4A50]  }
0x227: {  	v7 =	vadd.f32 v4, v6;
	v2 =	vld [tilespmem:s29+$0xCA60];
	v8 =	vadd.f32 v1, v0  }
0x228: {  	v0 =	vld [tilespmem:s29+$0x4A60]  }
0x229: {  	v1 =	vld [tilespmem:s29+$0xCA70]  }
0x22a: {  	v36 =	vld [tilespmem:s29+$0x4A70]  }
0x22b: {  	v37 =	vld [tilespmem:s29+$0xCA00]  }
0x22c: {  	v39 =	vld [tilespmem:s29+$0x4A00]  }
0x22d: {  	v40 =	vld [tilespmem:s29+$0xCA10]  }
0x22e: {  	v41 =	vld [tilespmem:s29+$0x4A10]  }
0x22f: {  	v42 =	vld [tilespmem:s29+$0xCA20]  }
0x230: {  	v43 =	vld [tilespmem:s29+$0x4A20]  }
0x231: {  	v45 =	vld [tilespmem:s29+$0xCA30]  }
0x232: {  	s9 =	sor.u32 $0x4440, s6;
	v46 =	vld [tilespmem:s29+$0x4A30]  }
0x233: {  	v47 =	vld [tilespmem:s9+$0x8200]  }
0x234: {  	v48 =	vld [tilespmem:s9+$0x200];
	s9 =	sor.u32 $0x4450, s6  }
0x235: {  	v49 =	vld [tilespmem:s9+$0x8200]  }
0x236: {  	v50 =	vld [tilespmem:s9+$0x200];
	s9 =	sor.u32 $0x4460, s6  }
0x237: {  	v51 =	vld [tilespmem:s9+$0x8200]  }
0x238: {  	v53 =	vld [tilespmem:s9+$0x200];
	s9 =	sor.u32 $0x4470, s6  }
0x239: {  	v54 =	vld [tilespmem:s9+$0x8200]  }
0x23a: {  	s10 =	sor.u32 $0x4400, s6;
	v55 =	vld [tilespmem:s9+$0x200]  }
0x23b: {  	v56 =	vld [tilespmem:s10+$0x8200]  }
0x23c: {  	s9 =	sor.u32 $0x4410, s6;
	v57 =	vld [tilespmem:s10+$0x200]  }
0x23d: {  	v59 =	vld [tilespmem:s9+$0x8200]  }
0x23e: {  	v60 =	vld [tilespmem:s9+$0x200];
	s9 =	sor.u32 $0x4420, s6  }
0x23f: {  	v61 =	vld [tilespmem:s9+$0x8200]  }
0x240: {  	s6 =	sor.u32 $0x4430, s6;
	v62 =	vld [tilespmem:s9+$0x200]  }
0x241: {  	v28 =	vld [tilespmem:s6+$0x8200]  }
0x242: {  	v33 =	vld [tilespmem:s6+$0x200]  }
0x243: {  	v15 =	vsub.f32 v15, v16;
	v29 =	vld [tilespmem:s29+$0xC240]  }
0x244: {  	v16 =	vsub.f32 v17, v18;
	v4 =	vsub.f32 v21, v22;
	v34 =	vld [tilespmem:s29+$0x4240]  }
0x245: {  	v17 =	vsub.f32 v25, v26;
	v3 =	vsub.f32 v23, v24;
	v32 =	vld [tilespmem:s29+$0xC250]  }
0x246: {  	v18 =	vsub.f32 v20, v19;
	v6 =	vsub.f32 v27, v13;
	v35 =	vld [tilespmem:s29+$0x4250]  }
0x247: {  	v21 =	vsub.f32 v14, v5;
	v5 =	vsub.f32 v12, v11;
	v25 =	vld [tilespmem:s29+$0xC260]  }
0x248: {  	v22 =	vsub.f32 v30, v31;
	v12 =	vsub.f32 v2, v0;
	v26 =	vld [tilespmem:s29+$0x4260]  }
0x249: {  	v11 =	vsub.f32 v1, v36;
	v23 =	vsub.f32 v37, v39;
	v38 =	vld [tilespmem:s29+$0xC200]  }
.Ltmp2:
0x24a: {  	v24 =	vsub.f32 v40, v41;
	v14 =	vsub.f32 v42, v43;
	v44 =	vld [tilespmem:s29+$0x4200];
	(pc) =	sbr.rel @p1 .LBB2_7-.Ltmp2, $4  }
0x24b: {  	v13 =	vsub.f32 v45, v46;
	v30 =	vsub.f32 v47, v48;
	v40 =	vld [tilespmem:s29+$0xC210]  }
0x24c: {  	v31 =	vsub.f32 v49, v50;
	v20 =	vsub.f32 v51, v53;
	v52 =	vld [tilespmem:s29+$0x4210]  }
0x24d: {  	v19 =	vsub.f32 v54, v55;
	v36 =	vsub.f32 v56, v57;
	v49 =	vld [tilespmem:s29+$0xC220]  }
0x24e: {  	s23 =	sadd.s32 $0x200, s23;
	v37 =	vsub.f32 v59, v60;
	v27 =	vsub.f32 v61, v62;
	v58 =	vld [tilespmem:s29+$0x4220]  }
0x24f: {  	v0 =	vld @!p0 [tilespmem:s26+$0x60];
	_ =	sdelay $0x4  }
0x250: {  	v1 =	vshll.u32 @!p0 v0, $0x2  }
0x251: {  	v2 =	vlaneseq.u32 @!p0;
	v0 =	vand.u32 @!p0 $0x7, v0;
	v1 =	vand.u32 @!p0 $0xFFFFFFE0, v1  }
0x252: {  	v39 =	vshrl.u32 @!p0 v2, $0x3;
	v0 =	vor.u32 @!p0 v0, v1;
	v1 =	vand.u32 @!p0 $0x7, v2  }
0x253: {  	v39 =	vmul.u32 @!p0 $0x8, v39;
	v1 =	vperm.xlane @!p0 v0, v1;
	_ =	sdelay $0x1  }
0x254: {  	v1 =	vadd.s32 @!p0 v39, v1  }
0x255: {  	v2 =	vor.u32 @!p0 $0x8, v2  }
0x256: {  	v59 =	vld [tilespmem:s29+$0xC230];
	v0 =	vperm.xlane @!p0 v0, v2  }
0x257: {  	v60 =	vld [tilespmem:s29+$0x4230]  }
0x258: {  	v61 =	vld [tilespmem:s29+$0x4270];
	s6 =	simm.s32 @!p0 $0x0;
	s9 =	simm.s32 @!p0 $0x4200;
	v0 =	vadd.s32 @!p0 v39, v0  }
0x259: {  	v2 =	vld [tilespmem:s29+$0xC270];
	[tilespmem:s9], [sflag:$0x3] =	stream.indirect_vreg.gather @!p0 [hbm4b:s3+s6], $0x80, v1, vm1, $0xb8  }
0x25a: {  	s9 =	simm.s32 @!p0 $0x4A00  }
0x25b: {  	[tilespmem:s9], [sflag:$0x3] =	stream.indirect_vreg.gather @!p0 [hbm4b:s8+s6], $0x80, v1, vm1, $0xb8;
	[tilespmem:$0x10280] =	vst v63  }
0x25c: {  	s9 =	simm.s32 @!p0 $0x5200  }
0x25d: {  	[tilespmem:s9], [sflag:$0x3] =	stream.indirect_vreg.gather @!p0 [hbm4b:s3+s6], $0x80, v0, vm1, $0xb8;
	[tilespmem:$0x10280] =	vst v63  }
0x25e: {  	s9 =	sadd.s32 @!p0 $0x60, s26  }
0x25f: {  	s10 =	simm.s32 @!p0 $0x5A00;
	s9 =	sadd.s32 @!p0 s5, s9  }
0x260: {  	[tilespmem:s10], [sflag:$0x3] =	stream.indirect_vreg.gather @!p0 [hbm4b:s8+s6], $0x80, v0, vm1, $0xb8;
	[tilespmem:$0x10280] =	vst v63  }
0x261: {  	s9 =	sshll.u32 @!p0 s9, $0x6  }
0x262: {  	s10 =	simm.s32 @!p0 $0xC200;
	s9 =	sadd.s32 @!p0 s1, s9  }
0x263: {  	[tilespmem:s10], [sflag:$0x7] =	stream.linear.gather @!p0 [hbm4b:s9+s6], $0x2000, $0x38;
	[tilespmem:$0x10280] =	vst v63  }
0x264: {  	_ =	swait.ge [sflag:s21], $0x2000  }
0x265: {  	[sflag:s21] =	ssyncset.done $0x0  }
0x266: {  	s26 =	simm.s32 $0x0;
	[sflag:s21] =	ssyncadd.s32 $0xFFFFE000  }
0x267: {  	s10 =	sand.u32 $0xFFFFF000, s26;
	_ =	swait.ge [sflag:s22], $0x2000  }
0x268: {  	s6 =	sadd.s32 $0x0, s10;
	[sflag:s22] =	ssyncset.done $0x0  }
0x269: {  	s23 =	sor.u32 $0x6C40, s6;
	[sflag:s22] =	ssyncadd.s32 $0xFFFFE000  }
0x26a: {  	v0 =	vld [tilespmem:s23+$0x8200];
	_ =	sdelay $0x4  }
0x26b: {  	[tilespmem:$0x1FD80] =	vst v0;
	v0 =	vld [tilespmem:s23+$0x200];
	_ =	sdelay $0x3  }
0x26c: {  	s29 =	sor.u32 $0x6C50, s6  }
0x26d: {  	[tilespmem:$0x1FD90] =	vst v0;
	v0 =	vld [tilespmem:s29+$0x8200];
	_ =	sdelay $0x2  }
0x26e: {  	v58 =	vsub.f32 v49, v58;
	v60 =	vsub.f32 v59, v60  }
0x26f: {  	v25 =	vsub.f32 v25, v26  }
0x270: {  	v26 =	vmul.f32 v58, v58;
	v2 =	vsub.f32 v2, v61;
	v61 =	vmul.f32 v60, v60;
	[tilespmem:$0x1FDA0] =	vst v0;
	v0 =	vld [tilespmem:s29+$0x200]  }
0x271: {  	v28 =	vsub.f32 v28, v33;
	v25 =	vmul.f32 v25, v25  }
0x272: {  	v7 =	vadd.f32 v26, v7;
	v8 =	vadd.f32 v61, v8;
	v2 =	vmul.f32 v2, v2  }
0x273: {  	v27 =	vmul.f32 v27, v27  }
0x274: {  	v28 =	vmul.f32 v28, v28;
	v7 =	vadd.f32 v25, v7;
	v2 =	vadd.f32 v2, v8;
	s10 =	sor.u32 $0x6C60, s6  }
0x275: {  	v20 =	vmul.f32 v20, v20;
	[tilespmem:$0x1FDB0] =	vst v0;
	v0 =	vld [tilespmem:s10+$0x8200]  }
0x276: {  	v19 =	vmul.f32 v19, v19;
	v7 =	vadd.f32 v27, v7;
	v2 =	vadd.f32 v28, v2  }
0x277: {  	v14 =	vmul.f32 v14, v14  }
0x278: {  	v13 =	vmul.f32 v13, v13;
	v7 =	vadd.f32 v20, v7;
	v2 =	vadd.f32 v19, v2  }
0x279: {  	v12 =	vmul.f32 v12, v12  }
0x27a: {  	v11 =	vmul.f32 v11, v11;
	v7 =	vadd.f32 v14, v7;
	v2 =	vadd.f32 v13, v2;
	[tilespmem:$0x1FDC0] =	vst v0;
	v0 =	vld [tilespmem:s10+$0x200]  }
0x27b: {  	v6 =	vmul.f32 v6, v6  }
0x27c: {  	v5 =	vmul.f32 v5, v5;
	v7 =	vadd.f32 v12, v7;
	v2 =	vadd.f32 v11, v2  }
0x27d: {  	v4 =	vmul.f32 v4, v4  }
0x27e: {  	v3 =	vmul.f32 v3, v3;
	v7 =	vadd.f32 v6, v7;
	v2 =	vadd.f32 v5, v2;
	s23 =	sor.u32 $0x6C70, s6  }
0x27f: {  	[tilespmem:$0x1FDD0] =	vst v0;
	v0 =	vld [tilespmem:s23+$0x8200]  }
0x280: {  	v5 =	vadd.f32 v4, v7;
	v7 =	vadd.f32 v3, v2;
	v2 =	vld [tilespmem:$0x1FD80]  }
0x281: {  	v3 =	vld [tilespmem:$0x1FD90];
	_ =	sdelay $0x2  }
0x282: {  	v43 =	vsub.f32 v38, v44;
	[tilespmem:$0x1FE00] =	vst v0;
	v0 =	vld [tilespmem:s23+$0x200]  }
0x283: {  	v29 =	vsub.f32 v29, v34  }
0x284: {  	v33 =	vmul.f32 v43, v43;
	v8 =	vmul.f32 v30, v30;
	v30 =	vsub.f32 v2, v3;
	v2 =	vld [tilespmem:$0x1FDA0]  }
0x285: {  	v3 =	vld [tilespmem:$0x1FDB0]  }
0x286: {  	v29 =	vmul.f32 v29, v29;
	v10 =	vadd.f32 v33, v10;
	s29 =	sor.u32 $0x6C00, s6  }
0x287: {  	[tilespmem:$0x1FE10] =	vst v0;
	v0 =	vld [tilespmem:s29+$0x8200]  }
0x288: {  	v10 =	vadd.f32 v29, v10;
	v26 =	vmul.f32 v36, v36;
	_ =	sdelay $0x1  }
0x289: {  	v10 =	vadd.f32 v26, v10;
	v26 =	vmul.f32 v31, v31;
	v31 =	vsub.f32 v2, v3;
	v2 =	vld [tilespmem:$0x1FDC0]  }
0x28a: {  	v3 =	vld [tilespmem:$0x1FDD0]  }
0x28b: {  	v52 =	vsub.f32 v40, v52;
	[tilespmem:$0x1FDE0] =	vst v0;
	v0 =	vld [tilespmem:s29+$0x200];
	_ =	sdelay $0x1  }
0x28c: {  	v32 =	vsub.f32 v32, v35;
	v34 =	vmul.f32 v52, v52;
	_ =	sdelay $0x1  }
0x28d: {  	v32 =	vmul.f32 v32, v32;
	v9 =	vadd.f32 v34, v9;
	s10 =	sor.u32 $0x6C10, s6;
	v4 =	vsub.f32 v2, v3;
	v2 =	vld [tilespmem:$0x1FDE0]  }
0x28e: {  	[tilespmem:$0x1FDF0] =	vst v0;
	v0 =	vld [tilespmem:s10+$0x8200]  }
0x28f: {  	v29 =	vmul.f32 v37, v37;
	v9 =	vadd.f32 v32, v9;
	v3 =	vld [tilespmem:$0x1FDF0]  }
0x290: {  	v8 =	vadd.f32 v8, v10;
	v10 =	vmul.f32 v23, v23;
	s9 =	sor.u32 $0x6C30, s6  }
0x291: {  	v9 =	vadd.f32 v29, v9;
	v57 =	vld [tilespmem:s9+$0x8200]  }
0x292: {  	v8 =	vadd.f32 v10, v8;
	v10 =	vmul.f32 v21, v21;
	v55 =	vld [tilespmem:s9+$0x200]  }
0x293: {  	v24 =	vmul.f32 v24, v24;
	v9 =	vadd.f32 v26, v9;
	[tilespmem:$0x1FE20] =	vst v0;
	v0 =	vld [tilespmem:s10+$0x200]  }
0x294: {  	v8 =	vadd.f32 v10, v8;
	v10 =	vmul.f32 v18, v18;
	v18 =	vsub.f32 v2, v3;
	v2 =	vld [tilespmem:$0x1FE00]  }
0x295: {  	v9 =	vadd.f32 v24, v9;
	v14 =	vmul.f32 v22, v22;
	s23 =	sor.u32 $0x6C20, s6;
	v3 =	vld [tilespmem:$0x1FE10]  }
0x296: {  	v13 =	vmul.f32 v17, v17;
	v56 =	vld [tilespmem:s23+$0x200];
	s10 =	sor.u32 $0x6460, s6  }
0x297: {  	v9 =	vadd.f32 v14, v9;
	v39 =	vld [tilespmem:s10+$0x8200]  }
0x298: {  	v8 =	vadd.f32 v13, v8;
	v23 =	vld [tilespmem:s10+$0x200]  }
0x299: {  	v11 =	vmul.f32 v15, v15;
	v9 =	vadd.f32 v10, v9;
	v10 =	vmul.f32 v16, v16;
	[tilespmem:$0x1FE30] =	vst v0;
	v0 =	vld [tilespmem:s23+$0x8200]  }
0x29a: {  	s29 =	sand.u32 $0x1000, s26;
	s23 =	sand.u32 $0x380, s26;
	v3 =	vsub.f32 v2, v3;
	v2 =	vld [tilespmem:$0x1FE20]  }
0x29b: {  	v6 =	vadd.f32 v11, v8;
	v8 =	vadd.f32 v10, v9;
	s28 =	sor.u32 s23, s29;
	v9 =	vld [tilespmem:$0x1FE30]  }
0x29c: {  	v50 =	vld [tilespmem:s28+$0xEA40]  }
0x29d: {  	v62 =	vld [tilespmem:s28+$0x6A40]  }
0x29e: {  	v63 =	vld [tilespmem:s28+$0xEA50]  }
0x29f: {  	v53 =	vld [tilespmem:s28+$0x6A50]  }
0x2a0: {  	v51 =	vld [tilespmem:s28+$0xEA60]  }
0x2a1: {  	v48 =	vld [tilespmem:s28+$0x6A60]  }
0x2a2: {  	v54 =	vld [tilespmem:s28+$0xEA70]  }
0x2a3: {  	v47 =	vld [tilespmem:s28+$0x6A70]  }
0x2a4: {  	v46 =	vld [tilespmem:s28+$0xEA00]  }
0x2a5: {  	v45 =	vld [tilespmem:s28+$0x6A00]  }
0x2a6: {  	v52 =	vld [tilespmem:s28+$0xEA10]  }
0x2a7: {  	v35 =	vld [tilespmem:s28+$0x6A10]  }
0x2a8: {  	v49 =	vld [tilespmem:s28+$0xEA20]  }
0x2a9: {  	v58 =	vld [tilespmem:s28+$0x6A20]  }
0x2aa: {  	v59 =	vld [tilespmem:s28+$0xEA30]  }
0x2ab: {  	s23 =	sor.u32 $0x6440, s6;
	v41 =	vld [tilespmem:s28+$0x6A30]  }
0x2ac: {  	v36 =	vld [tilespmem:s23+$0x8200]  }
0x2ad: {  	s29 =	sor.u32 $0x6450, s6;
	v60 =	vld [tilespmem:s23+$0x200]  }
0x2ae: {  	v61 =	vld [tilespmem:s29+$0x8200]  }
0x2af: {  	v38 =	vld [tilespmem:s29+$0x200]  }
0x2b0: {  	v27 =	vld [tilespmem:s28+$0xE240]  }
0x2b1: {  	v16 =	vld [tilespmem:s28+$0x6240]  }
0x2b2: {  	v15 =	vld [tilespmem:s28+$0xE250]  }
0x2b3: {  	v17 =	vld [tilespmem:s28+$0x6250]  }
0x2b4: {  	v19 =	vld [tilespmem:s28+$0xE260]  }
0x2b5: {  	v20 =	vld [tilespmem:s28+$0x6260]  }
0x2b6: {  	v33 =	vld [tilespmem:s28+$0xE200]  }
0x2b7: {  	s23 =	sor.u32 $0x6470, s6;
	v37 =	vld [tilespmem:s28+$0x6200]  }
0x2b8: {  	v44 =	vld [tilespmem:s23+$0x8200]  }
0x2b9: {  	s29 =	sor.u32 $0x6400, s6;
	v43 =	vld [tilespmem:s23+$0x200]  }
0x2ba: {  	v40 =	vld [tilespmem:s29+$0x8200]  }
0x2bb: {  	v22 =	vld [tilespmem:s29+$0x200];
	s23 =	sor.u32 $0x6410, s6  }
0x2bc: {  	v42 =	vld [tilespmem:s23+$0x8200]  }
0x2bd: {  	s29 =	sor.u32 $0x6420, s6;
	v25 =	vld [tilespmem:s23+$0x200]  }
0x2be: {  	v23 =	vsub.f32 v39, v23;
	s6 =	sor.u32 $0x6430, s6;
	v1 =	vld [tilespmem:s29+$0x8200];
	v24 =	vsub.f32 v2, v9  }
0x2bf: {  	v28 =	vld [tilespmem:s6+$0x8200];
	v9 =	vsub.f32 v57, v55;
	v21 =	vsub.f32 v50, v62  }
0x2c0: {  	[tilespmem:$0x1FE40] =	vst v0;
	v0 =	vld [tilespmem:s29+$0x200];
	v32 =	vsub.f32 v63, v53;
	v12 =	vsub.f32 v51, v48  }
0x2c1: {  	v2 =	vld [tilespmem:$0x1FE40];
	v26 =	vsub.f32 v46, v45;
	v11 =	vsub.f32 v54, v47  }
0x2c2: {  	v29 =	vld [tilespmem:s6+$0x200];
	v34 =	vsub.f32 v52, v35;
	v14 =	vsub.f32 v49, v58  }
0x2c3: {  	v39 =	vld [tilespmem:s28+$0xE220];
	v36 =	vsub.f32 v36, v60;
	v13 =	vsub.f32 v59, v41  }
0x2c4: {  	v35 =	vld [tilespmem:s28+$0xE210];
	v38 =	vsub.f32 v61, v38;
	v40 =	vsub.f32 v40, v22  }
0x2c5: {  	v41 =	vld [tilespmem:s28+$0x6210];
	v22 =	vsub.f32 v44, v43;
	v42 =	vsub.f32 v42, v25  }
0x2c6: {  	s23 =	simm.s32 $0x200;
	v43 =	vld [tilespmem:s28+$0x6220];
	v25 =	vsub.f32 v1, v0;
	v10 =	vsub.f32 v2, v56  }
.LBB2_9:
0x2c7: {  	p0 =	sne.s32 s23, $0x1E00;
	v0 =	vld [tilespmem:s28+$0xE230];
	v1 =	vsub.f32 v28, v29;
	v2 =	vmul.f32 v30, v30;
	v28 =	vmul.f32 v31, v31  }
0x2c8: {  	s6 =	sand.u32 $0xFFFFF000, s23;
	v27 =	vsub.f32 v27, v16;
	v30 =	vmul.f32 v18, v18;
	v31 =	vmul.f32 v24, v24;
	s26 =	sadd.s32 $0x80, s26;
	v29 =	vld [tilespmem:s28+$0x6230]  }
0x2c9: {  	v18 =	vsub.f32 v15, v17;
	v44 =	vmul.f32 v21, v21;
	v32 =	vmul.f32 v32, v32;
	s6 =	sadd.s32 s6, s26;
	v24 =	vld [tilespmem:s28+$0xE270]  }
0x2ca: {  	v21 =	vsub.f32 v33, v37;
	v37 =	vmul.f32 v26, v26;
	v34 =	vmul.f32 v34, v34;
	s9 =	sor.u32 $0x6C40, s6;
	v33 =	vld [tilespmem:s28+$0x6270]  }
0x2cb: {  	v26 =	vsub.f32 v35, v41;
	v35 =	vmul.f32 v36, v36;
	v36 =	vmul.f32 v38, v38;
	v15 =	vld [tilespmem:s9+$0x8200]  }
0x2cc: {  	v38 =	vsub.f32 v39, v43;
	v39 =	vmul.f32 v40, v40;
	v40 =	vmul.f32 v42, v42;
	v16 =	vld [tilespmem:s9+$0x200];
	s9 =	sor.u32 $0x6C50, s6  }
0x2cd: {  	v27 =	vmul.f32 v27, v27;
	v17 =	vld [tilespmem:s9+$0x8200];
	v0 =	vsub.f32 v0, v29;
	v29 =	vmul.f32 v18, v18  }
0x2ce: {  	v21 =	vmul.f32 v21, v21;
	v41 =	vsub.f32 v19, v20;
	v26 =	vmul.f32 v26, v26;
	v18 =	vld [tilespmem:s9+$0x200];
	s9 =	sor.u32 $0x6C60, s6  }
0x2cf: {  	v38 =	vmul.f32 v38, v38;
	v19 =	vld [tilespmem:s9+$0x8200];
	v0 =	vmul.f32 v0, v0;
	v24 =	vsub.f32 v24, v33  }
0x2d0: {  	v6 =	vadd.f32 v21, v6;
	v8 =	vadd.f32 v26, v8;
	v26 =	vmul.f32 v41, v41;
	v20 =	vld [tilespmem:s9+$0x200];
	s9 =	sor.u32 $0x6C70, s6  }
0x2d1: {  	v5 =	vadd.f32 v38, v5;
	v21 =	vld [tilespmem:s9+$0x8200];
	v0 =	vadd.f32 v0, v7;
	v7 =	vmul.f32 v24, v24  }
0x2d2: {  	s10 =	sor.u32 $0x6C00, s6;
	v6 =	vadd.f32 v27, v6;
	v27 =	vmul.f32 v25, v25;
	v8 =	vadd.f32 v29, v8;
	v24 =	vld [tilespmem:s9+$0x200]  }
0x2d3: {  	v1 =	vmul.f32 v1, v1;
	v5 =	vadd.f32 v26, v5;
	v25 =	vld [tilespmem:s10+$0x8200];
	v0 =	vadd.f32 v7, v0  }
0x2d4: {  	v6 =	vadd.f32 v39, v6;
	s9 =	sor.u32 $0x6C10, s6;
	v7 =	vadd.f32 v40, v8;
	v8 =	vmul.f32 v23, v23;
	v26 =	vld [tilespmem:s10+$0x200]  }
0x2d5: {  	v5 =	vadd.f32 v27, v5;
	v23 =	vld [tilespmem:s9+$0x8200];
	v0 =	vadd.f32 v1, v0;
	v1 =	vmul.f32 v22, v22  }
0x2d6: {  	v14 =	vmul.f32 v14, v14;
	v6 =	vadd.f32 v35, v6;
	v7 =	vadd.f32 v36, v7;
	v22 =	vld [tilespmem:s9+$0x200];
	s9 =	sor.u32 $0x6C20, s6  }
0x2d7: {  	v5 =	vadd.f32 v8, v5;
	v33 =	vld [tilespmem:s9+$0x8200];
	v0 =	vadd.f32 v1, v0;
	v1 =	vmul.f32 v13, v13  }
0x2d8: {  	v6 =	vadd.f32 v37, v6;
	v8 =	vmul.f32 v12, v12;
	v7 =	vadd.f32 v34, v7;
	v13 =	vld [tilespmem:s9+$0x200];
	s9 =	sor.u32 $0x6C30, s6  }
0x2d9: {  	s28 =	sand.u32 $0x380, s26;
	s10 =	sand.u32 $0x1000, s23;
	v5 =	vadd.f32 v14, v5;
	v12 =	vld [tilespmem:s9+$0x8200];
	v0 =	vadd.f32 v1, v0;
	v1 =	vmul.f32 v11, v11  }
0x2da: {  	v10 =	vmul.f32 v10, v10;
	s28 =	sor.u32 s28, s10;
	v6 =	vadd.f32 v44, v6;
	v7 =	vadd.f32 v32, v7;
	v11 =	vld [tilespmem:s9+$0x200]  }
0x2db: {  	v5 =	vadd.f32 v8, v5;
	v14 =	vld [tilespmem:s28+$0xEA40];
	v0 =	vadd.f32 v1, v0;
	v1 =	vmul.f32 v9, v9  }
0x2dc: {  	v4 =	vmul.f32 v4, v4;
	v6 =	vadd.f32 v30, v6;
	v7 =	vadd.f32 v31, v7;
	v9 =	vld [tilespmem:s28+$0x6A40]  }
0x2dd: {  	v5 =	vadd.f32 v10, v5;
	v32 =	vld [tilespmem:s28+$0xEA50];
	v0 =	vadd.f32 v1, v0;
	v1 =	vmul.f32 v3, v3  }
0x2de: {  	v6 =	vadd.f32 v2, v6;
	v8 =	vadd.f32 v28, v7;
	v34 =	vld [tilespmem:s28+$0x6A50]  }
0x2df: {  	v5 =	vadd.f32 v4, v5;
	v2 =	vld [tilespmem:s28+$0xEA60];
	v7 =	vadd.f32 v1, v0  }
0x2e0: {  	v0 =	vld [tilespmem:s28+$0x6A60]  }
0x2e1: {  	v1 =	vld [tilespmem:s28+$0xEA70]  }
0x2e2: {  	v35 =	vld [tilespmem:s28+$0x6A70]  }
0x2e3: {  	v36 =	vld [tilespmem:s28+$0xEA00]  }
0x2e4: {  	v37 =	vld [tilespmem:s28+$0x6A00]  }
0x2e5: {  	v38 =	vld [tilespmem:s28+$0xEA10]  }
0x2e6: {  	v39 =	vld [tilespmem:s28+$0x6A10]  }
0x2e7: {  	v40 =	vld [tilespmem:s28+$0xEA20]  }
0x2e8: {  	v41 =	vld [tilespmem:s28+$0x6A20]  }
0x2e9: {  	v42 =	vld [tilespmem:s28+$0xEA30]  }
0x2ea: {  	s9 =	sor.u32 $0x6440, s6;
	v43 =	vld [tilespmem:s28+$0x6A30]  }
0x2eb: {  	v44 =	vld [tilespmem:s9+$0x8200]  }
0x2ec: {  	v45 =	vld [tilespmem:s9+$0x200];
	s9 =	sor.u32 $0x6450, s6  }
0x2ed: {  	v46 =	vld [tilespmem:s9+$0x8200]  }
0x2ee: {  	v47 =	vld [tilespmem:s9+$0x200];
	s9 =	sor.u32 $0x6460, s6  }
0x2ef: {  	v48 =	vld [tilespmem:s9+$0x8200]  }
0x2f0: {  	v49 =	vld [tilespmem:s9+$0x200];
	s9 =	sor.u32 $0x6470, s6  }
0x2f1: {  	v50 =	vld [tilespmem:s9+$0x8200]  }
0x2f2: {  	s10 =	sor.u32 $0x6400, s6;
	v51 =	vld [tilespmem:s9+$0x200]  }
0x2f3: {  	v52 =	vld [tilespmem:s10+$0x8200]  }
0x2f4: {  	s9 =	sor.u32 $0x6410, s6;
	v53 =	vld [tilespmem:s10+$0x200]  }
0x2f5: {  	v54 =	vld [tilespmem:s9+$0x8200]  }
0x2f6: {  	v55 =	vld [tilespmem:s9+$0x200];
	s9 =	sor.u32 $0x6420, s6  }
0x2f7: {  	v56 =	vld [tilespmem:s9+$0x8200]  }
0x2f8: {  	s6 =	sor.u32 $0x6430, s6;
	v57 =	vld [tilespmem:s9+$0x200]  }
0x2f9: {  	v28 =	vld [tilespmem:s6+$0x8200]  }
0x2fa: {  	v29 =	vld [tilespmem:s6+$0x200]  }
0x2fb: {  	v30 =	vsub.f32 v15, v16;
	v27 =	vld [tilespmem:s28+$0xE240]  }
0x2fc: {  	v31 =	vsub.f32 v17, v18;
	v4 =	vsub.f32 v19, v20;
	v16 =	vld [tilespmem:s28+$0x6240]  }
0x2fd: {  	v18 =	vsub.f32 v25, v26;
	v3 =	vsub.f32 v21, v24;
	v15 =	vld [tilespmem:s28+$0xE250]  }
0x2fe: {  	v24 =	vsub.f32 v23, v22;
	v10 =	vsub.f32 v33, v13;
	v17 =	vld [tilespmem:s28+$0x6250]  }
0x2ff: {  	v21 =	vsub.f32 v14, v9;
	v9 =	vsub.f32 v12, v11;
	v19 =	vld [tilespmem:s28+$0xE260]  }
0x300: {  	v32 =	vsub.f32 v32, v34;
	v12 =	vsub.f32 v2, v0;
	v20 =	vld [tilespmem:s28+$0x6260]  }
0x301: {  	v11 =	vsub.f32 v1, v35;
	v26 =	vsub.f32 v36, v37;
	v33 =	vld [tilespmem:s28+$0xE200]  }
.Ltmp3:
0x302: {  	v34 =	vsub.f32 v38, v39;
	v14 =	vsub.f32 v40, v41;
	v37 =	vld [tilespmem:s28+$0x6200];
	(pc) =	sbr.rel @p0 .LBB2_9-.Ltmp3, $4  }
0x303: {  	v13 =	vsub.f32 v42, v43;
	v36 =	vsub.f32 v44, v45;
	v35 =	vld [tilespmem:s28+$0xE210]  }
0x304: {  	v38 =	vsub.f32 v46, v47;
	v23 =	vsub.f32 v48, v49;
	v41 =	vld [tilespmem:s28+$0x6210]  }
0x305: {  	v22 =	vsub.f32 v50, v51;
	v40 =	vsub.f32 v52, v53;
	v39 =	vld [tilespmem:s28+$0xE220]  }
0x306: {  	s23 =	sadd.s32 $0x200, s23;
	v42 =	vsub.f32 v54, v55;
	v25 =	vsub.f32 v56, v57;
	v43 =	vld [tilespmem:s28+$0x6220]  }
0x307: {  	v2 =	vmul.f32 v30, v30  }
0x308: {  	v0 =	vld [tilespmem:s28+$0xE230];
	v47 =	vmul.f32 v31, v31;
	v18 =	vmul.f32 v18, v18  }
0x309: {  	v1 =	vsub.f32 v28, v29;
	v48 =	vld [tilespmem:s28+$0x6230];
	v24 =	vmul.f32 v24, v24;
	v21 =	vmul.f32 v21, v21  }
0x30a: {  	v16 =	vsub.f32 v27, v16;
	v49 =	vld [tilespmem:s28+$0xE270];
	v50 =	vmul.f32 v32, v32;
	v26 =	vmul.f32 v26, v26  }
0x30b: {  	v15 =	vsub.f32 v15, v17;
	v52 =	vld [tilespmem:s28+$0x6270];
	v53 =	vmul.f32 v34, v34;
	v55 =	vmul.f32 v36, v36  }
0x30c: {  	v51 =	vsub.f32 v33, v37;
	v56 =	vmul.f32 v38, v38;
	v58 =	vmul.f32 v40, v40  }
0x30d: {  	v59 =	vmul.f32 v42, v42;
	v54 =	vsub.f32 v35, v41;
	v16 =	vmul.f32 v16, v16  }
0x30e: {  	v15 =	vmul.f32 v15, v15;
	v57 =	vsub.f32 v39, v43;
	v0 =	vsub.f32 v0, v48  }
0x30f: {  	v19 =	vsub.f32 v19, v20;
	v60 =	vmul.f32 v51, v51;
	v61 =	vmul.f32 v54, v54  }
0x310: {  	v17 =	vsub.f32 v49, v52;
	v62 =	vmul.f32 v57, v57;
	v0 =	vmul.f32 v0, v0  }
0x311: {  	v19 =	vmul.f32 v19, v19;
	v6 =	vadd.f32 v60, v6;
	v8 =	vadd.f32 v61, v8  }
0x312: {  	v5 =	vadd.f32 v62, v5;
	v0 =	vadd.f32 v0, v7;
	v7 =	vmul.f32 v17, v17  }
0x313: {  	v63 =	vmul.f32 v25, v25;
	v6 =	vadd.f32 v16, v6;
	v8 =	vadd.f32 v15, v8  }
0x314: {  	v1 =	vmul.f32 v1, v1;
	v5 =	vadd.f32 v19, v5;
	v0 =	vadd.f32 v7, v0  }
0x315: {  	v6 =	vadd.f32 v58, v6;
	v7 =	vadd.f32 v59, v8;
	v8 =	vmul.f32 v23, v23  }
0x316: {  	v5 =	vadd.f32 v63, v5;
	v0 =	vadd.f32 v1, v0;
	v1 =	vmul.f32 v22, v22  }
0x317: {  	v14 =	vmul.f32 v14, v14;
	v6 =	vadd.f32 v55, v6;
	v7 =	vadd.f32 v56, v7  }
0x318: {  	v5 =	vadd.f32 v8, v5;
	v0 =	vadd.f32 v1, v0;
	v1 =	vmul.f32 v13, v13  }
0x319: {  	v6 =	vadd.f32 v26, v6;
	v8 =	vmul.f32 v12, v12;
	v7 =	vadd.f32 v53, v7  }
0x31a: {  	s25 =	sadd.s32 $0x1, s25;
	v5 =	vadd.f32 v14, v5;
	v0 =	vadd.f32 v1, v0;
	v1 =	vmul.f32 v11, v11  }
0x31b: {  	v10 =	vmul.f32 v10, v10;
	p0 =	sne.s32 s25, $0x8;
	v6 =	vadd.f32 v21, v6;
	v7 =	vadd.f32 v50, v7  }
.Ltmp4:
0x31c: {  	v5 =	vadd.f32 v8, v5;
	v0 =	vadd.f32 v1, v0;
	v1 =	vmul.f32 v9, v9;
	(pc) =	sbr.rel @p0 .LBB2_2-.Ltmp4, $4  }
0x31d: {  	v4 =	vmul.f32 v4, v4;
	v6 =	vadd.f32 v18, v6;
	v7 =	vadd.f32 v24, v7  }
0x31e: {  	v8 =	vadd.f32 v10, v5;
	v0 =	vadd.f32 v1, v0;
	v1 =	vmul.f32 v3, v3  }
0x31f: {  	v6 =	vadd.f32 v2, v6;
	v5 =	vadd.f32 v47, v7  }
0x320: {  	v4 =	vadd.f32 v4, v8;
	v3 =	vadd.f32 v1, v0  }
0x321: {  	_ = 	snop  }
0x322: {  	v0 =	vadd.f32 v5, v6;
	v1 =	vadd.f32 v3, v4;
	_ =	sdelay $0x1  }
0x323: {  	s24 =	sadd.s32 $0x1, s24;
	v0 =	vadd.f32 v1, v0  }
0x324: {  	p0 =	sne.s32 s24, s12  }
.Ltmp5:
0x325: {  	s6 =	simm.s32 $0x10200;
	[tilespmem:$0x10200] =	vst v0;
	(pc) =	sbr.rel @p0 .LBB2_1-.Ltmp5, $4  }
0x326: {  	[hbm4b:s11+s4] =	stream.linear.scatter [tilespmem:s6], [sflag:$0x9], $0x80, $0x38;
	[tilespmem:$0x10280] =	vst v63  }
0x327: {  	_ =	swait.ge [sflag:s13], $0x80  }
0x328: {  	[sflag:s13] =	ssyncset.done $0x0  }
0x329: {  	[sflag:s13] =	ssyncadd.s32 $0xFFFFFF80  }
0x32a: {  	_ =	sfence.sel $0x180000  }
0x32b: {  	[bflag:$0x0] =	sbarrier.arrive $0xFFFF  }
0x32c: {  	_ =	strace $0x90000047  }
0x32d: {  	s0 =	stileid.u32;
	[bflag:$0x2] =	sbarrier.arrive $0xFFFF  }
0x32e: {  	p0 =	sne.s32 s0, $0x0;
	s0 =	rddreg [dreg:$0x4]  }
0x32f: {  	s0 =	sadd.s32 @!p0 $0x100000, s0  }
0x330: {  	[sflag:s0] =	ssyncadd.tile.s32 @!p0 $0x1;
	_ =	shalt  }
.Lfunc_end2:
_tile_overlayer_lowered:
.L_overlay_start_2:
0x331: {  	(tag) =	ssettag $0x2  }
0x332: {  	s0 =	rddreg [dreg:$0x0];
	s2 =	stileid.u32  }
0x333: {  	s1 =	rddreg [dreg:$0x1];
	p0 =	sne.s32 s2, $0x0  }
0x334: {  	s3 =	rddreg [dreg:$0x2];
	[bflag:$0x3] =	sbarrier.arrive $0xFFFF;
	s2 =	simm.s32 @!p0 $0x1C09  }
0x335: {  	[timem:s3], [sflag:s2] =	dma.local @!p0 [hbm:s0], s1  }
0x336: {  	s0 =	simm.s32 @!p0 $0x9  }
0x337: {  	_ =	swait.ge @!p0 [sflag:s0], s1  }
0x338: {  	s1 =	ssub.s32 @!p0 $0x0, s1;
	[sflag:s0] =	ssyncset.done @!p0 $0x0  }
0x339: {  	[sflag:s0] =	ssyncadd.s32 @!p0 s1  }
0x33a: {  	[bflag:$0x3] =	sbarrier.arrive $0xFFFF  }
0x33b: {  	_ =	shalt  }

</sc_bundles>
